<compile_context>
chip_gen: v7x
topology: tpu7x:2x2x1
jax: 0.10.2.dev20260603
libtpu: 0.0.44.dev20260713+nightly
codegen_flags: <defaults>
</compile_context>

<pallas_src>
import jax
import jax.numpy as jnp
from jax import lax
from jax.experimental import pallas as pl
from jax.experimental.pallas import tpu as pltpu
from jax.experimental.pallas import tpu_sc as plsc

N_EMBED = 768
CLF_TOKEN = 0
ROWS = 16384
SEQ = 2048
NC, NS = 2, 16
NW = NC * NS
RWS = 256
SC_ROWS = NW * RWS
RT = ROWS - SC_ROWS
C = 64
NCH = RWS // C
NP = NCH // 2
LANES = 16
NJ = N_EMBED // LANES
BR = 2048


def _sc_body(h_hbm, x_hbm, w_hbm, b_hbm, out_hbm,
             hb0, hb1, wv, xv, bv, ov, s0, s1, s2):
  cid = lax.axis_index("c")
  sid = lax.axis_index("s")
  wid = sid * NC + cid
  gbase = RT + wid * RWS
  bidx = gbase // SEQ
  roff = gbase % SEQ

  pltpu.async_copy(h_hbm.at[bidx, pl.ds(roff, C), :], hb0, s0)
  cw = pltpu.async_copy(w_hbm.at[0], wv, s2)
  cb = pltpu.async_copy(b_hbm, bv.at[pl.ds(0, 1)], s2)
  cx = pltpu.async_copy(x_hbm.at[bidx, pl.ds(roff, RWS)], xv, s2)
  cw.wait()
  cb.wait()
  cx.wait()

  lane = lax.broadcasted_iota(jnp.int32, (LANES,), 0)
  perms = [lane ^ sh for sh in (8, 4, 2, 1)]

  def lane_sum(v):
    for perm in perms:
      v = v + jnp.take_along_axis(v, perm, axis=0, mode="promise_in_bounds")
    return v

  zero16 = jnp.zeros((LANES,), jnp.float32)
  lane0 = jnp.zeros((LANES,), jnp.int32)

  bsplat = jnp.take_along_axis(bv[...], lane0, axis=0,
                               mode="promise_in_bounds")

  def compute_chunk(buf, chunk_idx):
    def group(gi, carry):
      rr = gi * LANES
      @plsc.parallel_loop(0, NJ, unroll=2,
                          carry=tuple(zero16 for _ in range(LANES)))
      def accs(j, acc):
        off = j * LANES
        wj = wv[pl.ds(off, LANES)]
        return tuple(
            acc[i] + buf[rr + i, pl.ds(off, LANES)] * wj
            for i in range(LANES))

      out_vec = lane_sum(accs[0])
      for i in range(1, LANES):
        out_vec = jnp.where(lane == i, lane_sum(accs[i]), out_vec)
      rloc = chunk_idx * C + rr
      tokv = xv[pl.ds(rloc, LANES)]
      maskv = jnp.where(tokv == CLF_TOKEN, jnp.float32(1.0),
                        jnp.float32(0.0))
      res = out_vec * maskv + bsplat
      ov[pl.ds(rloc, LANES)] = res
      return carry

    lax.fori_loop(0, C // LANES, group, 0)

  def start(chunk, buf, sem):
    pltpu.async_copy(h_hbm.at[bidx, pl.ds(roff + chunk * C, C), :], buf, sem)

  def wait(chunk, buf, sem):
    pltpu.make_async_copy(h_hbm.at[bidx, pl.ds(roff + chunk * C, C), :], buf,
                          sem).wait()

  for p in range(NP):
    c0 = p * 2
    start(c0 + 1, hb1, s1)
    wait(c0, hb0, s0)
    compute_chunk(hb0, c0)
    if p < NP - 1:
      start(c0 + 2, hb0, s0)
    wait(c0 + 1, hb1, s1)
    compute_chunk(hb1, c0 + 1)

  pltpu.sync_copy(ov, out_hbm.at[pl.ds(wid * RWS, RWS)])


def _tc_body(x_ref, h_ref, w_ref, b_ref, out_ref):
  hv = h_ref[...]
  wv = w_ref[0]
  dots = lax.dot_general(hv, wv, (((1,), (0,)), ((), ())),
                         preferred_element_type=jnp.float32)
  maskf = jnp.where(x_ref[...] == CLF_TOKEN, jnp.float32(1.0),
                    jnp.float32(0.0))
  out_ref[...] = dots * maskf + b_ref[0]


@jax.jit
def _clf_head(h, xt, wf, bf):
  mesh = plsc.VectorSubcoreMesh(core_axis_name="c", subcore_axis_name="s",
                                num_cores=NC, num_subcores=NS)
  sc_fn = pl.kernel(
      _sc_body,
      out_type=jax.ShapeDtypeStruct((SC_ROWS,), jnp.float32),
      mesh=mesh,
      scratch_types=[
          pltpu.VMEM((C, N_EMBED), jnp.float32),
          pltpu.VMEM((C, N_EMBED), jnp.float32),
          pltpu.VMEM((N_EMBED,), jnp.float32),
          pltpu.VMEM((RWS,), jnp.int32),
          pltpu.VMEM((LANES,), jnp.float32),
          pltpu.VMEM((RWS,), jnp.float32),
          pltpu.SemaphoreType.DMA,
          pltpu.SemaphoreType.DMA,
          pltpu.SemaphoreType.DMA,
      ],
  )
  out_sc = sc_fn(h, xt, wf, bf)

  hf = h.reshape(ROWS, N_EMBED)
  xf = xt.reshape(ROWS)
  out_tc = pl.pallas_call(
      _tc_body,
      grid=(RT // BR,),
      in_specs=[
          pl.BlockSpec((BR,), lambda i: (i,)),
          pl.BlockSpec((BR, N_EMBED), lambda i: (i, 0)),
          pl.BlockSpec((1, N_EMBED), lambda i: (0, 0)),
          pl.BlockSpec((1,), lambda i: (0,)),
      ],
      out_specs=pl.BlockSpec((BR,), lambda i: (i,)),
      out_shape=jax.ShapeDtypeStruct((RT,), jnp.float32),
  )(xf, hf, wf, bf)

  return jnp.concatenate([out_tc, out_sc]).reshape(-1, 2)


def kernel(h, x, W, b):
  xt = x[:, :, 0]
  return _clf_head(h, xt, W, b)

# --- scband reference (transcript-rebuilt; emitter-appended) ---
"""Pipeline reference for scband-clf-head-64914135711891 (READ-ONLY COPY).

The authoritative reference and input builder live on the scoring server;
editing this copy changes nothing except your own understanding.
"""

import jax, jax.numpy as jnp
import numpy as np

N_EMBED = 768
CLF_TOKEN = 0


def setup_inputs(seed: int = 0) -> dict:
    key = jax.random.key(seed)
    k_h, k_w = jax.random.split(key)
    h = jax.random.normal(k_h, (8, 2048, N_EMBED), dtype=jnp.float32)
    # token ids; clf_token = 0 so every position in x[:, :, 0] matches (fill=zeros)
    x = jnp.zeros((8, 2048, 2), dtype=jnp.int32)
    # nn.Linear(n_embed, 1) parameters
    W = jax.random.normal(k_w, (1, N_EMBED), dtype=jnp.float32) * 0.02
    b = jnp.zeros((1,), dtype=jnp.float32)
    return {"h": h, "x": x, "W": W, "b": b}


def reference(h, x, W, b):
    # clf_h = h.view(-1, n_embed)
    clf_h = h.reshape(-1, N_EMBED)
    # pool_idx = torch.eq(x[:, :, 0].view(-1), clf_token)
    pool_idx = jnp.equal(x[:, :, 0].reshape(-1), CLF_TOKEN)
    # boolean-mask gather: the mask is all-True (x filled with clf_token), so the
    # selection keeps every row; fixed-shape masked equivalent preserves outputs
    clf_h = jnp.where(pool_idx[:, None], clf_h, jnp.zeros_like(clf_h))
    # view(-1, 2, n_embed, 1); Dropout2d is identity at inference
    clf_h = clf_h.reshape(-1, 2, N_EMBED, 1)
    clf_h = clf_h.reshape(-1, N_EMBED)
    # linear: [*, n_embed] @ [n_embed, 1] + b
    clf_logits = clf_h @ W.T + b
    return clf_logits.reshape(-1, 2)

if __name__ == "__main__":
    import jax
    _d = setup_inputs()
    print(jax.jit(kernel)(*tuple(_d.values())))

</pallas_src>

<mosaic_0001>
#map = affine_map<(d0, d1) -> (0, 0, 0)>
#map1 = affine_map<(d0, d1) -> (0, 0)>
#map2 = affine_map<(d0, d1) -> (0)>
module attributes {stable_mosaic.version = 14 : i64} {
  func.func @_sc_body(%arg0: i32, %arg1: i32, %arg2: memref<8x2048x768xf32, #tpu.memory_space<hbm>>, %arg3: memref<8x2048xi32, #tpu.memory_space<hbm>>, %arg4: memref<1x768xf32, #tpu.memory_space<hbm>>, %arg5: memref<1xf32, #tpu.memory_space<hbm>>, %arg6: memref<8192xf32, #tpu.memory_space<hbm>>, %arg7: memref<64x768xf32, #tpu.memory_space<vmem>>, %arg8: memref<64x768xf32, #tpu.memory_space<vmem>>, %arg9: memref<768xf32, #tpu.memory_space<vmem>>, %arg10: memref<256xi32, #tpu.memory_space<vmem>>, %arg11: memref<16xf32, #tpu.memory_space<vmem>>, %arg12: memref<256xf32, #tpu.memory_space<vmem>>, %arg13: memref<!tpu.dma_semaphore, #tpu.memory_space<semaphore_mem>>, %arg14: memref<!tpu.dma_semaphore, #tpu.memory_space<semaphore_mem>>, %arg15: memref<!tpu.dma_semaphore, #tpu.memory_space<semaphore_mem>>) attributes {dimension_semantics = [#tpu.dimension_semantics<core_parallel>, #tpu.dimension_semantics<subcore_parallel>], iteration_bounds = array<i64: 2, 16>, scalar_prefetch = 0 : i64, scratch_operands = 9 : i64, tpu.core_type = #tpu.core_type<sc_vector_subcore>, window_params = [{transform_indices = #map}, {transform_indices = #map1}, {transform_indices = #map1}, {transform_indices = #map2}, {transform_indices = #map2}]} {
    %mul3A = arith.constant 2 : i32
    %mul3A_0 = arith.muli %arg1, %mul3A : i32
    %add3A = arith.addi %mul3A_0, %arg0 : i32
    %mul3A_1 = arith.constant 256 : i32
    %mul3A_2 = arith.muli %add3A, %mul3A_1 : i32
    %add3A_3 = arith.constant 8192 : i32
    %add3A_4 = arith.addi %add3A_3, %mul3A_2 : i32
    %jit3A = arith.constant 2048 : i32
    %div3A = arith.divsi %add3A_4, %jit3A : i32
    %sign3A = arith.constant 0 : i32
    %sign3A_5 = arith.cmpi sgt, %add3A_4, %sign3A : i32
    %sign3A_6 = arith.extui %sign3A_5 : i1 to i32
    %sign3A_7 = arith.constant 0 : i32
    %sign3A_8 = arith.cmpi slt, %add3A_4, %sign3A_7 : i32
    %sign3A_9 = arith.extui %sign3A_8 : i1 to i32
    %sign3A_10 = arith.subi %sign3A_6, %sign3A_9 : i32
    %sign3A_11 = arith.constant 0 : i32
    %sign3A_12 = arith.cmpi sgt, %jit3A, %sign3A_11 : i32
    %sign3A_13 = arith.extui %sign3A_12 : i1 to i32
    %sign3A_14 = arith.constant 0 : i32
    %sign3A_15 = arith.cmpi slt, %jit3A, %sign3A_14 : i32
    %sign3A_16 = arith.extui %sign3A_15 : i1 to i32
    %sign3A_17 = arith.subi %sign3A_13, %sign3A_16 : i32
    %ne3A = arith.cmpi ne, %sign3A_10, %sign3A_17 : i32
    %rem3A = arith.remsi %add3A_4, %jit3A : i32
    %ne3A_18 = arith.constant 0 : i32
    %ne3A_19 = arith.cmpi ne, %rem3A, %ne3A_18 : i32
    %and3A = arith.andi %ne3A, %ne3A_19 : i1
    %sub3A = arith.constant 1 : i32
    %sub3A_20 = arith.subi %div3A, %sub3A : i32
    %select_n3A = arith.select %and3A, %sub3A_20, %div3A : i32
    %jit3A_21 = arith.constant 2048 : i32
    %eq3A = arith.constant 0 : i32
    %eq3A_22 = arith.cmpi eq, %jit3A_21, %eq3A : i32
    %jit3A_23 = arith.constant 1 : i32
    %select_n3A_24 = arith.select %eq3A_22, %jit3A_23, %jit3A_21 : i32
    %rem3A_25 = arith.remsi %add3A_4, %select_n3A_24 : i32
    %ne3A_26 = arith.constant 0 : i32
    %ne3A_27 = arith.cmpi ne, %rem3A_25, %ne3A_26 : i32
    %lt3A = arith.constant 0 : i32
    %lt3A_28 = arith.cmpi slt, %rem3A_25, %lt3A : i32
    %lt3A_29 = arith.constant 0 : i32
    %lt3A_30 = arith.cmpi slt, %select_n3A_24, %lt3A_29 : i32
    %ne3A_31 = arith.xori %lt3A_28, %lt3A_30 : i1
    %and3A_32 = arith.andi %ne3A_31, %ne3A_27 : i1
    %add3A_33 = arith.addi %rem3A_25, %select_n3A_24 : i32
    %select_n3A_34 = arith.select %and3A_32, %add3A_33, %rem3A_25 : i32
    %dma_start3A = arith.constant 0 : i32
    %dma_start3A_35 = tpu.memref_slice %arg2[%select_n3A, %select_n3A_34, %dma_start3A] : memref<8x2048x768xf32, #tpu.memory_space<hbm>> -> memref<1x64x768xf32, #tpu.memory_space<hbm>>
    %dma_start3A_36 = tpu.memref_squeeze %dma_start3A_35 : memref<1x64x768xf32, #tpu.memory_space<hbm>> -> memref<64x768xf32, #tpu.memory_space<hbm>>
    %dma_start3A_37 = arith.constant 0 : i32
    %dma_start3A_38 = tpu.memref_slice %arg2[%select_n3A, %select_n3A_34, %dma_start3A_37] : memref<8x2048x768xf32, #tpu.memory_space<hbm>> -> memref<1x64x768xf32, #tpu.memory_space<hbm>>
    %dma_start3A_39 = tpu.memref_squeeze %dma_start3A_38 : memref<1x64x768xf32, #tpu.memory_space<hbm>> -> memref<64x768xf32, #tpu.memory_space<hbm>>
    tpu.enqueue_dma source(%dma_start3A_39 : memref<64x768xf32, #tpu.memory_space<hbm>>) target(%arg7 : memref<64x768xf32, #tpu.memory_space<vmem>>) target_semaphore(%arg13 : memref<!tpu.dma_semaphore, #tpu.memory_space<semaphore_mem>>)
    %dma_start3A_40 = arith.constant 0 : i32
    %dma_start3A_41 = arith.constant 0 : i32
    %dma_start3A_42 = tpu.memref_slice %arg4[%dma_start3A_40, %dma_start3A_41] : memref<1x768xf32, #tpu.memory_space<hbm>> -> memref<1x768xf32, #tpu.memory_space<hbm>>
    %dma_start3A_43 = tpu.memref_squeeze %dma_start3A_42 : memref<1x768xf32, #tpu.memory_space<hbm>> -> memref<768xf32, #tpu.memory_space<hbm>>
    %dma_start3A_44 = arith.constant 0 : i32
    %dma_start3A_45 = tpu.memref_slice %arg4[%dma_start3A_40, %dma_start3A_44] : memref<1x768xf32, #tpu.memory_space<hbm>> -> memref<1x768xf32, #tpu.memory_space<hbm>>
    %dma_start3A_46 = tpu.memref_squeeze %dma_start3A_45 : memref<1x768xf32, #tpu.memory_space<hbm>> -> memref<768xf32, #tpu.memory_space<hbm>>
    tpu.enqueue_dma source(%dma_start3A_46 : memref<768xf32, #tpu.memory_space<hbm>>) target(%arg9 : memref<768xf32, #tpu.memory_space<vmem>>) target_semaphore(%arg15 : memref<!tpu.dma_semaphore, #tpu.memory_space<semaphore_mem>>)
    %dma_start3A_47 = arith.constant 0 : i32
    %dma_start3A_48 = tpu.memref_slice %arg11[%dma_start3A_47] : memref<16xf32, #tpu.memory_space<vmem>> -> memref<1xf32, #tpu.memory_space<vmem>>
    %dma_start3A_49 = arith.constant 0 : i32
    %dma_start3A_50 = tpu.memref_slice %arg11[%dma_start3A_49] : memref<16xf32, #tpu.memory_space<vmem>> -> memref<1xf32, #tpu.memory_space<vmem>>
    tpu.enqueue_dma source(%arg5 : memref<1xf32, #tpu.memory_space<hbm>>) target(%dma_start3A_50 : memref<1xf32, #tpu.memory_space<vmem>>) target_semaphore(%arg15 : memref<!tpu.dma_semaphore, #tpu.memory_space<semaphore_mem>>)
    %dma_start3A_51 = tpu.memref_slice %arg3[%select_n3A, %select_n3A_34] : memref<8x2048xi32, #tpu.memory_space<hbm>> -> memref<1x256xi32, #tpu.memory_space<hbm>>
    %dma_start3A_52 = tpu.memref_squeeze %dma_start3A_51 : memref<1x256xi32, #tpu.memory_space<hbm>> -> memref<256xi32, #tpu.memory_space<hbm>>
    %dma_start3A_53 = tpu.memref_slice %arg3[%select_n3A, %select_n3A_34] : memref<8x2048xi32, #tpu.memory_space<hbm>> -> memref<1x256xi32, #tpu.memory_space<hbm>>
    %dma_start3A_54 = tpu.memref_squeeze %dma_start3A_53 : memref<1x256xi32, #tpu.memory_space<hbm>> -> memref<256xi32, #tpu.memory_space<hbm>>
    tpu.enqueue_dma source(%dma_start3A_54 : memref<256xi32, #tpu.memory_space<hbm>>) target(%arg10 : memref<256xi32, #tpu.memory_space<vmem>>) target_semaphore(%arg15 : memref<!tpu.dma_semaphore, #tpu.memory_space<semaphore_mem>>)
    %dma_wait3A = arith.constant 0 : i32
    %dma_wait3A_55 = arith.constant 0 : i32
    %dma_wait3A_56 = tpu.memref_slice %arg4[%dma_wait3A, %dma_wait3A_55] : memref<1x768xf32, #tpu.memory_space<hbm>> -> memref<1x768xf32, #tpu.memory_space<hbm>>
    %dma_wait3A_57 = tpu.memref_squeeze %dma_wait3A_56 : memref<1x768xf32, #tpu.memory_space<hbm>> -> memref<768xf32, #tpu.memory_space<hbm>>
    %dma_wait3A_58 = arith.constant 0 : i32
    %dma_wait3A_59 = tpu.memref_slice %arg4[%dma_wait3A, %dma_wait3A_58] : memref<1x768xf32, #tpu.memory_space<hbm>> -> memref<1x768xf32, #tpu.memory_space<hbm>>
    %dma_wait3A_60 = tpu.memref_squeeze %dma_wait3A_59 : memref<1x768xf32, #tpu.memory_space<hbm>> -> memref<768xf32, #tpu.memory_space<hbm>>
    tpu.wait_dma2 semaphore(%arg15 : memref<!tpu.dma_semaphore, #tpu.memory_space<semaphore_mem>>) src(%dma_wait3A_60 : memref<768xf32, #tpu.memory_space<hbm>>) dst(%arg9 : memref<768xf32, #tpu.memory_space<vmem>>)
    %dma_wait3A_61 = arith.constant 0 : i32
    %dma_wait3A_62 = tpu.memref_slice %arg11[%dma_wait3A_61] : memref<16xf32, #tpu.memory_space<vmem>> -> memref<1xf32, #tpu.memory_space<vmem>>
    %dma_wait3A_63 = arith.constant 0 : i32
    %dma_wait3A_64 = tpu.memref_slice %arg11[%dma_wait3A_63] : memref<16xf32, #tpu.memory_space<vmem>> -> memref<1xf32, #tpu.memory_space<vmem>>
    tpu.wait_dma2 semaphore(%arg15 : memref<!tpu.dma_semaphore, #tpu.memory_space<semaphore_mem>>) src(%arg5 : memref<1xf32, #tpu.memory_space<hbm>>) dst(%dma_wait3A_64 : memref<1xf32, #tpu.memory_space<vmem>>)
    %dma_wait3A_65 = tpu.memref_slice %arg3[%select_n3A, %select_n3A_34] : memref<8x2048xi32, #tpu.memory_space<hbm>> -> memref<1x256xi32, #tpu.memory_space<hbm>>
    %dma_wait3A_66 = tpu.memref_squeeze %dma_wait3A_65 : memref<1x256xi32, #tpu.memory_space<hbm>> -> memref<256xi32, #tpu.memory_space<hbm>>
    %dma_wait3A_67 = tpu.memref_slice %arg3[%select_n3A, %select_n3A_34] : memref<8x2048xi32, #tpu.memory_space<hbm>> -> memref<1x256xi32, #tpu.memory_space<hbm>>
    %dma_wait3A_68 = tpu.memref_squeeze %dma_wait3A_67 : memref<1x256xi32, #tpu.memory_space<hbm>> -> memref<256xi32, #tpu.memory_space<hbm>>
    tpu.wait_dma2 semaphore(%arg15 : memref<!tpu.dma_semaphore, #tpu.memory_space<semaphore_mem>>) src(%dma_wait3A_68 : memref<256xi32, #tpu.memory_space<hbm>>) dst(%arg10 : memref<256xi32, #tpu.memory_space<vmem>>)
    %iota3A = tpu.iota {dimensions = array<i32: 0>} : vector<16xi32>
    %xor3A = arith.constant 8 : i32
    %xor3A_69 = vector.broadcast %xor3A : i32 to vector<16xi32>
    %xor3A_70 = arith.xori %iota3A, %xor3A_69 : vector<16xi32>
    %xor3A_71 = arith.constant 4 : i32
    %xor3A_72 = vector.broadcast %xor3A_71 : i32 to vector<16xi32>
    %xor3A_73 = arith.xori %iota3A, %xor3A_72 : vector<16xi32>
    %xor3A_74 = arith.constant 2 : i32
    %xor3A_75 = vector.broadcast %xor3A_74 : i32 to vector<16xi32>
    %xor3A_76 = arith.xori %iota3A, %xor3A_75 : vector<16xi32>
    %xor3A_77 = arith.constant 1 : i32
    %xor3A_78 = vector.broadcast %xor3A_77 : i32 to vector<16xi32>
    %xor3A_79 = arith.xori %iota3A, %xor3A_78 : vector<16xi32>
    %broadcast_in_dim3A = arith.constant 0.000000e+00 : f32
    %broadcast_in_dim3A_80 = vector.broadcast %broadcast_in_dim3A : f32 to vector<16xf32>
    %broadcast_in_dim3A_81 = arith.constant 0 : i32
    %broadcast_in_dim3A_82 = vector.broadcast %broadcast_in_dim3A_81 : i32 to vector<16xi32>
    %get3A = arith.constant 0 : index
    %get3A_83 = tpu.vector_load %arg11[%get3A] {strides = array<i32>} : memref<16xf32, #tpu.memory_space<vmem>>, vector<16xf32>,
    %get3A_84 = vector.shape_cast %get3A_83 : vector<16xf32> to vector<16xf32>
    %reshape3A = vector.shape_cast %broadcast_in_dim3A_82 : vector<16xi32> to vector<16x1xi32>
    %gather3A = vector.shape_cast %reshape3A : vector<16x1xi32> to vector<16xi32>
    %gather3A_85 = tpu.dynamic_gather %get3A_84[%gather3A] in [0] : vector<16xf32>, vector<16xi32> -> vector<16xf32>
    %add3A_86 = arith.constant 64 : i32
    %add3A_87 = arith.addi %select_n3A_34, %add3A_86 : i32
    %dma_start3A_88 = arith.constant 0 : i32
    %dma_start3A_89 = tpu.memref_slice %arg2[%select_n3A, %add3A_87, %dma_start3A_88] : memref<8x2048x768xf32, #tpu.memory_space<hbm>> -> memref<1x64x768xf32, #tpu.memory_space<hbm>>
    %dma_start3A_90 = tpu.memref_squeeze %dma_start3A_89 : memref<1x64x768xf32, #tpu.memory_space<hbm>> -> memref<64x768xf32, #tpu.memory_space<hbm>>
    %dma_start3A_91 = arith.constant 0 : i32
    %dma_start3A_92 = tpu.memref_slice %arg2[%select_n3A, %add3A_87, %dma_start3A_91] : memref<8x2048x768xf32, #tpu.memory_space<hbm>> -> memref<1x64x768xf32, #tpu.memory_space<hbm>>
    %dma_start3A_93 = tpu.memref_squeeze %dma_start3A_92 : memref<1x64x768xf32, #tpu.memory_space<hbm>> -> memref<64x768xf32, #tpu.memory_space<hbm>>
    tpu.enqueue_dma source(%dma_start3A_93 : memref<64x768xf32, #tpu.memory_space<hbm>>) target(%arg8 : memref<64x768xf32, #tpu.memory_space<vmem>>) target_semaphore(%arg14 : memref<!tpu.dma_semaphore, #tpu.memory_space<semaphore_mem>>)
    %add3A_94 = arith.constant 0 : i32
    %add3A_95 = arith.addi %select_n3A_34, %add3A_94 : i32
    %dma_wait3A_96 = arith.constant 0 : i32
    %dma_wait3A_97 = tpu.memref_slice %arg2[%select_n3A, %add3A_95, %dma_wait3A_96] : memref<8x2048x768xf32, #tpu.memory_space<hbm>> -> memref<1x64x768xf32, #tpu.memory_space<hbm>>
    %dma_wait3A_98 = tpu.memref_squeeze %dma_wait3A_97 : memref<1x64x768xf32, #tpu.memory_space<hbm>> -> memref<64x768xf32, #tpu.memory_space<hbm>>
    %dma_wait3A_99 = arith.constant 0 : i32
    %dma_wait3A_100 = tpu.memref_slice %arg2[%select_n3A, %add3A_95, %dma_wait3A_99] : memref<8x2048x768xf32, #tpu.memory_space<hbm>> -> memref<1x64x768xf32, #tpu.memory_space<hbm>>
    %dma_wait3A_101 = tpu.memref_squeeze %dma_wait3A_100 : memref<1x64x768xf32, #tpu.memory_space<hbm>> -> memref<64x768xf32, #tpu.memory_space<hbm>>
    tpu.wait_dma2 semaphore(%arg13 : memref<!tpu.dma_semaphore, #tpu.memory_space<semaphore_mem>>) src(%dma_wait3A_101 : memref<64x768xf32, #tpu.memory_space<hbm>>) dst(%arg7 : memref<64x768xf32, #tpu.memory_space<vmem>>)
    %scan3A = arith.constant 0 : i32
    %scan3A_102 = arith.constant 0 : i32
    %scan3A_103 = arith.constant 4 : i32
    %scan3A_104 = arith.addi %scan3A_102, %scan3A_103 : i32
    %scan3A_105 = arith.constant 1 : i32
    scf.for %scan3A_167 = %scan3A_102 to %scan3A_104 step %scan3A_105  : i32 {
      %mul3A_168 = arith.constant 16 : i32
      %mul3A_169 = arith.muli %scan3A_167, %mul3A_168 : i32
      %parallel_loop3A = arith.constant 0 : i32
      %parallel_loop3A_170 = arith.constant 48 : i32
      %parallel_loop3A_171 = arith.constant 1 : i32
      %parallel_loop3A_172:16 = scf.for %parallel_loop3A_507 = %parallel_loop3A to %parallel_loop3A_170 step %parallel_loop3A_171 iter_args(%parallel_loop3A_508 = %broadcast_in_dim3A_80, %parallel_loop3A_509 = %broadcast_in_dim3A_80, %parallel_loop3A_510 = %broadcast_in_dim3A_80, %parallel_loop3A_511 = %broadcast_in_dim3A_80, %parallel_loop3A_512 = %broadcast_in_dim3A_80, %parallel_loop3A_513 = %broadcast_in_dim3A_80, %parallel_loop3A_514 = %broadcast_in_dim3A_80, %parallel_loop3A_515 = %broadcast_in_dim3A_80, %parallel_loop3A_516 = %broadcast_in_dim3A_80, %parallel_loop3A_517 = %broadcast_in_dim3A_80, %parallel_loop3A_518 = %broadcast_in_dim3A_80, %parallel_loop3A_519 = %broadcast_in_dim3A_80, %parallel_loop3A_520 = %broadcast_in_dim3A_80, %parallel_loop3A_521 = %broadcast_in_dim3A_80, %parallel_loop3A_522 = %broadcast_in_dim3A_80, %parallel_loop3A_523 = %broadcast_in_dim3A_80) -> (vector<16xf32>, vector<16xf32>, vector<16xf32>, vector<16xf32>, vector<16xf32>, vector<16xf32>, vector<16xf32>, vector<16xf32>, vector<16xf32>, vector<16xf32>, vector<16xf32>, vector<16xf32>, vector<16xf32>, vector<16xf32>, vector<16xf32>, vector<16xf32>)  : i32 {
        %parallel_loop3A_524 = arith.constant 16 : i32
        %parallel_loop3A_525 = arith.muli %parallel_loop3A_507, %parallel_loop3A_524 : i32
        %parallel_loop3A_526 = arith.index_cast %parallel_loop3A_525 : i32 to index
        %parallel_loop3A_527 = tpu.vector_load %arg9[%parallel_loop3A_526] {strides = array<i32>} : memref<768xf32, #tpu.memory_space<vmem>>, vector<16xf32>,
        %parallel_loop3A_528 = vector.shape_cast %parallel_loop3A_527 : vector<16xf32> to vector<16xf32>
        %parallel_loop3A_529 = arith.constant 0 : i32
        %parallel_loop3A_530 = arith.addi %mul3A_169, %parallel_loop3A_529 : i32
        %parallel_loop3A_531 = arith.index_cast %parallel_loop3A_530 : i32 to index
        %parallel_loop3A_532 = arith.index_cast %parallel_loop3A_525 : i32 to index
        %parallel_loop3A_533 = tpu.vector_load %arg7[%parallel_loop3A_531, %parallel_loop3A_532] {strides = array<i32>} : memref<64x768xf32, #tpu.memory_space<vmem>>, vector<1x16xf32>,
        %parallel_loop3A_534 = vector.shape_cast %parallel_loop3A_533 : vector<1x16xf32> to vector<16xf32>
        %parallel_loop3A_535 = arith.mulf %parallel_loop3A_534, %parallel_loop3A_528 : vector<16xf32>
        %parallel_loop3A_536 = arith.addf %parallel_loop3A_508, %parallel_loop3A_535 : vector<16xf32>
        %parallel_loop3A_537 = arith.constant 1 : i32
        %parallel_loop3A_538 = arith.addi %mul3A_169, %parallel_loop3A_537 : i32
        %parallel_loop3A_539 = arith.index_cast %parallel_loop3A_538 : i32 to index
        %parallel_loop3A_540 = arith.index_cast %parallel_loop3A_525 : i32 to index
        %parallel_loop3A_541 = tpu.vector_load %arg7[%parallel_loop3A_539, %parallel_loop3A_540] {strides = array<i32>} : memref<64x768xf32, #tpu.memory_space<vmem>>, vector<1x16xf32>,
        %parallel_loop3A_542 = vector.shape_cast %parallel_loop3A_541 : vector<1x16xf32> to vector<16xf32>
        %parallel_loop3A_543 = arith.mulf %parallel_loop3A_542, %parallel_loop3A_528 : vector<16xf32>
        %parallel_loop3A_544 = arith.addf %parallel_loop3A_509, %parallel_loop3A_543 : vector<16xf32>
        %parallel_loop3A_545 = arith.constant 2 : i32
        %parallel_loop3A_546 = arith.addi %mul3A_169, %parallel_loop3A_545 : i32
        %parallel_loop3A_547 = arith.index_cast %parallel_loop3A_546 : i32 to index
        %parallel_loop3A_548 = arith.index_cast %parallel_loop3A_525 : i32 to index
        %parallel_loop3A_549 = tpu.vector_load %arg7[%parallel_loop3A_547, %parallel_loop3A_548] {strides = array<i32>} : memref<64x768xf32, #tpu.memory_space<vmem>>, vector<1x16xf32>,
        %parallel_loop3A_550 = vector.shape_cast %parallel_loop3A_549 : vector<1x16xf32> to vector<16xf32>
        %parallel_loop3A_551 = arith.mulf %parallel_loop3A_550, %parallel_loop3A_528 : vector<16xf32>
        %parallel_loop3A_552 = arith.addf %parallel_loop3A_510, %parallel_loop3A_551 : vector<16xf32>
        %parallel_loop3A_553 = arith.constant 3 : i32
        %parallel_loop3A_554 = arith.addi %mul3A_169, %parallel_loop3A_553 : i32
        %parallel_loop3A_555 = arith.index_cast %parallel_loop3A_554 : i32 to index
        %parallel_loop3A_556 = arith.index_cast %parallel_loop3A_525 : i32 to index
        %parallel_loop3A_557 = tpu.vector_load %arg7[%parallel_loop3A_555, %parallel_loop3A_556] {strides = array<i32>} : memref<64x768xf32, #tpu.memory_space<vmem>>, vector<1x16xf32>,
        %parallel_loop3A_558 = vector.shape_cast %parallel_loop3A_557 : vector<1x16xf32> to vector<16xf32>
        %parallel_loop3A_559 = arith.mulf %parallel_loop3A_558, %parallel_loop3A_528 : vector<16xf32>
        %parallel_loop3A_560 = arith.addf %parallel_loop3A_511, %parallel_loop3A_559 : vector<16xf32>
        %parallel_loop3A_561 = arith.constant 4 : i32
        %parallel_loop3A_562 = arith.addi %mul3A_169, %parallel_loop3A_561 : i32
        %parallel_loop3A_563 = arith.index_cast %parallel_loop3A_562 : i32 to index
        %parallel_loop3A_564 = arith.index_cast %parallel_loop3A_525 : i32 to index
        %parallel_loop3A_565 = tpu.vector_load %arg7[%parallel_loop3A_563, %parallel_loop3A_564] {strides = array<i32>} : memref<64x768xf32, #tpu.memory_space<vmem>>, vector<1x16xf32>,
        %parallel_loop3A_566 = vector.shape_cast %parallel_loop3A_565 : vector<1x16xf32> to vector<16xf32>
        %parallel_loop3A_567 = arith.mulf %parallel_loop3A_566, %parallel_loop3A_528 : vector<16xf32>
        %parallel_loop3A_568 = arith.addf %parallel_loop3A_512, %parallel_loop3A_567 : vector<16xf32>
        %parallel_loop3A_569 = arith.constant 5 : i32
        %parallel_loop3A_570 = arith.addi %mul3A_169, %parallel_loop3A_569 : i32
        %parallel_loop3A_571 = arith.index_cast %parallel_loop3A_570 : i32 to index
        %parallel_loop3A_572 = arith.index_cast %parallel_loop3A_525 : i32 to index
        %parallel_loop3A_573 = tpu.vector_load %arg7[%parallel_loop3A_571, %parallel_loop3A_572] {strides = array<i32>} : memref<64x768xf32, #tpu.memory_space<vmem>>, vector<1x16xf32>,
        %parallel_loop3A_574 = vector.shape_cast %parallel_loop3A_573 : vector<1x16xf32> to vector<16xf32>
        %parallel_loop3A_575 = arith.mulf %parallel_loop3A_574, %parallel_loop3A_528 : vector<16xf32>
        %parallel_loop3A_576 = arith.addf %parallel_loop3A_513, %parallel_loop3A_575 : vector<16xf32>
        %parallel_loop3A_577 = arith.constant 6 : i32
        %parallel_loop3A_578 = arith.addi %mul3A_169, %parallel_loop3A_577 : i32
        %parallel_loop3A_579 = arith.index_cast %parallel_loop3A_578 : i32 to index
        %parallel_loop3A_580 = arith.index_cast %parallel_loop3A_525 : i32 to index
        %parallel_loop3A_581 = tpu.vector_load %arg7[%parallel_loop3A_579, %parallel_loop3A_580] {strides = array<i32>} : memref<64x768xf32, #tpu.memory_space<vmem>>, vector<1x16xf32>,
        %parallel_loop3A_582 = vector.shape_cast %parallel_loop3A_581 : vector<1x16xf32> to vector<16xf32>
        %parallel_loop3A_583 = arith.mulf %parallel_loop3A_582, %parallel_loop3A_528 : vector<16xf32>
        %parallel_loop3A_584 = arith.addf %parallel_loop3A_514, %parallel_loop3A_583 : vector<16xf32>
        %parallel_loop3A_585 = arith.constant 7 : i32
        %parallel_loop3A_586 = arith.addi %mul3A_169, %parallel_loop3A_585 : i32
        %parallel_loop3A_587 = arith.index_cast %parallel_loop3A_586 : i32 to index
        %parallel_loop3A_588 = arith.index_cast %parallel_loop3A_525 : i32 to index
        %parallel_loop3A_589 = tpu.vector_load %arg7[%parallel_loop3A_587, %parallel_loop3A_588] {strides = array<i32>} : memref<64x768xf32, #tpu.memory_space<vmem>>, vector<1x16xf32>,
        %parallel_loop3A_590 = vector.shape_cast %parallel_loop3A_589 : vector<1x16xf32> to vector<16xf32>
        %parallel_loop3A_591 = arith.mulf %parallel_loop3A_590, %parallel_loop3A_528 : vector<16xf32>
        %parallel_loop3A_592 = arith.addf %parallel_loop3A_515, %parallel_loop3A_591 : vector<16xf32>
        %parallel_loop3A_593 = arith.constant 8 : i32
        %parallel_loop3A_594 = arith.addi %mul3A_169, %parallel_loop3A_593 : i32
        %parallel_loop3A_595 = arith.index_cast %parallel_loop3A_594 : i32 to index
        %parallel_loop3A_596 = arith.index_cast %parallel_loop3A_525 : i32 to index
        %parallel_loop3A_597 = tpu.vector_load %arg7[%parallel_loop3A_595, %parallel_loop3A_596] {strides = array<i32>} : memref<64x768xf32, #tpu.memory_space<vmem>>, vector<1x16xf32>,
        %parallel_loop3A_598 = vector.shape_cast %parallel_loop3A_597 : vector<1x16xf32> to vector<16xf32>
        %parallel_loop3A_599 = arith.mulf %parallel_loop3A_598, %parallel_loop3A_528 : vector<16xf32>
        %parallel_loop3A_600 = arith.addf %parallel_loop3A_516, %parallel_loop3A_599 : vector<16xf32>
        %parallel_loop3A_601 = arith.constant 9 : i32
        %parallel_loop3A_602 = arith.addi %mul3A_169, %parallel_loop3A_601 : i32
        %parallel_loop3A_603 = arith.index_cast %parallel_loop3A_602 : i32 to index
        %parallel_loop3A_604 = arith.index_cast %parallel_loop3A_525 : i32 to index
        %parallel_loop3A_605 = tpu.vector_load %arg7[%parallel_loop3A_603, %parallel_loop3A_604] {strides = array<i32>} : memref<64x768xf32, #tpu.memory_space<vmem>>, vector<1x16xf32>,
        %parallel_loop3A_606 = vector.shape_cast %parallel_loop3A_605 : vector<1x16xf32> to vector<16xf32>
        %parallel_loop3A_607 = arith.mulf %parallel_loop3A_606, %parallel_loop3A_528 : vector<16xf32>
        %parallel_loop3A_608 = arith.addf %parallel_loop3A_517, %parallel_loop3A_607 : vector<16xf32>
        %parallel_loop3A_609 = arith.constant 10 : i32
        %parallel_loop3A_610 = arith.addi %mul3A_169, %parallel_loop3A_609 : i32
        %parallel_loop3A_611 = arith.index_cast %parallel_loop3A_610 : i32 to index
        %parallel_loop3A_612 = arith.index_cast %parallel_loop3A_525 : i32 to index
        %parallel_loop3A_613 = tpu.vector_load %arg7[%parallel_loop3A_611, %parallel_loop3A_612] {strides = array<i32>} : memref<64x768xf32, #tpu.memory_space<vmem>>, vector<1x16xf32>,
        %parallel_loop3A_614 = vector.shape_cast %parallel_loop3A_613 : vector<1x16xf32> to vector<16xf32>
        %parallel_loop3A_615 = arith.mulf %parallel_loop3A_614, %parallel_loop3A_528 : vector<16xf32>
        %parallel_loop3A_616 = arith.addf %parallel_loop3A_518, %parallel_loop3A_615 : vector<16xf32>
        %parallel_loop3A_617 = arith.constant 11 : i32
        %parallel_loop3A_618 = arith.addi %mul3A_169, %parallel_loop3A_617 : i32
        %parallel_loop3A_619 = arith.index_cast %parallel_loop3A_618 : i32 to index
        %parallel_loop3A_620 = arith.index_cast %parallel_loop3A_525 : i32 to index
        %parallel_loop3A_621 = tpu.vector_load %arg7[%parallel_loop3A_619, %parallel_loop3A_620] {strides = array<i32>} : memref<64x768xf32, #tpu.memory_space<vmem>>, vector<1x16xf32>,
        %parallel_loop3A_622 = vector.shape_cast %parallel_loop3A_621 : vector<1x16xf32> to vector<16xf32>
        %parallel_loop3A_623 = arith.mulf %parallel_loop3A_622, %parallel_loop3A_528 : vector<16xf32>
        %parallel_loop3A_624 = arith.addf %parallel_loop3A_519, %parallel_loop3A_623 : vector<16xf32>
        %parallel_loop3A_625 = arith.constant 12 : i32
        %parallel_loop3A_626 = arith.addi %mul3A_169, %parallel_loop3A_625 : i32
        %parallel_loop3A_627 = arith.index_cast %parallel_loop3A_626 : i32 to index
        %parallel_loop3A_628 = arith.index_cast %parallel_loop3A_525 : i32 to index
        %parallel_loop3A_629 = tpu.vector_load %arg7[%parallel_loop3A_627, %parallel_loop3A_628] {strides = array<i32>} : memref<64x768xf32, #tpu.memory_space<vmem>>, vector<1x16xf32>,
        %parallel_loop3A_630 = vector.shape_cast %parallel_loop3A_629 : vector<1x16xf32> to vector<16xf32>
        %parallel_loop3A_631 = arith.mulf %parallel_loop3A_630, %parallel_loop3A_528 : vector<16xf32>
        %parallel_loop3A_632 = arith.addf %parallel_loop3A_520, %parallel_loop3A_631 : vector<16xf32>
        %parallel_loop3A_633 = arith.constant 13 : i32
        %parallel_loop3A_634 = arith.addi %mul3A_169, %parallel_loop3A_633 : i32
        %parallel_loop3A_635 = arith.index_cast %parallel_loop3A_634 : i32 to index
        %parallel_loop3A_636 = arith.index_cast %parallel_loop3A_525 : i32 to index
        %parallel_loop3A_637 = tpu.vector_load %arg7[%parallel_loop3A_635, %parallel_loop3A_636] {strides = array<i32>} : memref<64x768xf32, #tpu.memory_space<vmem>>, vector<1x16xf32>,
        %parallel_loop3A_638 = vector.shape_cast %parallel_loop3A_637 : vector<1x16xf32> to vector<16xf32>
        %parallel_loop3A_639 = arith.mulf %parallel_loop3A_638, %parallel_loop3A_528 : vector<16xf32>
        %parallel_loop3A_640 = arith.addf %parallel_loop3A_521, %parallel_loop3A_639 : vector<16xf32>
        %parallel_loop3A_641 = arith.constant 14 : i32
        %parallel_loop3A_642 = arith.addi %mul3A_169, %parallel_loop3A_641 : i32
        %parallel_loop3A_643 = arith.index_cast %parallel_loop3A_642 : i32 to index
        %parallel_loop3A_644 = arith.index_cast %parallel_loop3A_525 : i32 to index
        %parallel_loop3A_645 = tpu.vector_load %arg7[%parallel_loop3A_643, %parallel_loop3A_644] {strides = array<i32>} : memref<64x768xf32, #tpu.memory_space<vmem>>, vector<1x16xf32>,
        %parallel_loop3A_646 = vector.shape_cast %parallel_loop3A_645 : vector<1x16xf32> to vector<16xf32>
        %parallel_loop3A_647 = arith.mulf %parallel_loop3A_646, %parallel_loop3A_528 : vector<16xf32>
        %parallel_loop3A_648 = arith.addf %parallel_loop3A_522, %parallel_loop3A_647 : vector<16xf32>
        %parallel_loop3A_649 = arith.constant 15 : i32
        %parallel_loop3A_650 = arith.addi %mul3A_169, %parallel_loop3A_649 : i32
        %parallel_loop3A_651 = arith.index_cast %parallel_loop3A_650 : i32 to index
        %parallel_loop3A_652 = arith.index_cast %parallel_loop3A_525 : i32 to index
        %parallel_loop3A_653 = tpu.vector_load %arg7[%parallel_loop3A_651, %parallel_loop3A_652] {strides = array<i32>} : memref<64x768xf32, #tpu.memory_space<vmem>>, vector<1x16xf32>,
        %parallel_loop3A_654 = vector.shape_cast %parallel_loop3A_653 : vector<1x16xf32> to vector<16xf32>
        %parallel_loop3A_655 = arith.mulf %parallel_loop3A_654, %parallel_loop3A_528 : vector<16xf32>
        %parallel_loop3A_656 = arith.addf %parallel_loop3A_523, %parallel_loop3A_655 : vector<16xf32>
        scf.yield %parallel_loop3A_536, %parallel_loop3A_544, %parallel_loop3A_552, %parallel_loop3A_560, %parallel_loop3A_568, %parallel_loop3A_576, %parallel_loop3A_584, %parallel_loop3A_592, %parallel_loop3A_600, %parallel_loop3A_608, %parallel_loop3A_616, %parallel_loop3A_624, %parallel_loop3A_632, %parallel_loop3A_640, %parallel_loop3A_648, %parallel_loop3A_656 : vector<16xf32>, vector<16xf32>, vector<16xf32>, vector<16xf32>, vector<16xf32>, vector<16xf32>, vector<16xf32>, vector<16xf32>, vector<16xf32>, vector<16xf32>, vector<16xf32>, vector<16xf32>, vector<16xf32>, vector<16xf32>, vector<16xf32>, vector<16xf32>
      } {sc.loop_unroll_factor = 2 : i64, sc.parallel_access}
      %reshape3A_173 = vector.shape_cast %xor3A_70 : vector<16xi32> to vector<16x1xi32>
      %gather3A_174 = vector.shape_cast %reshape3A_173 : vector<16x1xi32> to vector<16xi32>
      %gather3A_175 = tpu.dynamic_gather %parallel_loop3A_172#0[%gather3A_174] in [0] : vector<16xf32>, vector<16xi32> -> vector<16xf32>
      %add3A_176 = arith.addf %parallel_loop3A_172#0, %gather3A_175 : vector<16xf32>
      %reshape3A_177 = vector.shape_cast %xor3A_73 : vector<16xi32> to vector<16x1xi32>
      %gather3A_178 = vector.shape_cast %reshape3A_177 : vector<16x1xi32> to vector<16xi32>
      %gather3A_179 = tpu.dynamic_gather %add3A_176[%gather3A_178] in [0] : vector<16xf32>, vector<16xi32> -> vector<16xf32>
      %add3A_180 = arith.addf %add3A_176, %gather3A_179 : vector<16xf32>
      %reshape3A_181 = vector.shape_cast %xor3A_76 : vector<16xi32> to vector<16x1xi32>
      %gather3A_182 = vector.shape_cast %reshape3A_181 : vector<16x1xi32> to vector<16xi32>
      %gather3A_183 = tpu.dynamic_gather %add3A_180[%gather3A_182] in [0] : vector<16xf32>, vector<16xi32> -> vector<16xf32>
      %add3A_184 = arith.addf %add3A_180, %gather3A_183 : vector<16xf32>
      %reshape3A_185 = vector.shape_cast %xor3A_79 : vector<16xi32> to vector<16x1xi32>
      %gather3A_186 = vector.shape_cast %reshape3A_185 : vector<16x1xi32> to vector<16xi32>
      %gather3A_187 = tpu.dynamic_gather %add3A_184[%gather3A_186] in [0] : vector<16xf32>, vector<16xi32> -> vector<16xf32>
      %add3A_188 = arith.addf %add3A_184, %gather3A_187 : vector<16xf32>
      %eq3A_189 = arith.constant 1 : i32
      %eq3A_190 = vector.broadcast %eq3A_189 : i32 to vector<16xi32>
      %eq3A_191 = arith.cmpi eq, %iota3A, %eq3A_190 : vector<16xi32>
      %reshape3A_192 = vector.shape_cast %xor3A_70 : vector<16xi32> to vector<16x1xi32>
      %gather3A_193 = vector.shape_cast %reshape3A_192 : vector<16x1xi32> to vector<16xi32>
      %gather3A_194 = tpu.dynamic_gather %parallel_loop3A_172#1[%gather3A_193] in [0] : vector<16xf32>, vector<16xi32> -> vector<16xf32>
      %add3A_195 = arith.addf %parallel_loop3A_172#1, %gather3A_194 : vector<16xf32>
      %reshape3A_196 = vector.shape_cast %xor3A_73 : vector<16xi32> to vector<16x1xi32>
      %gather3A_197 = vector.shape_cast %reshape3A_196 : vector<16x1xi32> to vector<16xi32>
      %gather3A_198 = tpu.dynamic_gather %add3A_195[%gather3A_197] in [0] : vector<16xf32>, vector<16xi32> -> vector<16xf32>
      %add3A_199 = arith.addf %add3A_195, %gather3A_198 : vector<16xf32>
      %reshape3A_200 = vector.shape_cast %xor3A_76 : vector<16xi32> to vector<16x1xi32>
      %gather3A_201 = vector.shape_cast %reshape3A_200 : vector<16x1xi32> to vector<16xi32>
      %gather3A_202 = tpu.dynamic_gather %add3A_199[%gather3A_201] in [0] : vector<16xf32>, vector<16xi32> -> vector<16xf32>
      %add3A_203 = arith.addf %add3A_199, %gather3A_202 : vector<16xf32>
      %reshape3A_204 = vector.shape_cast %xor3A_79 : vector<16xi32> to vector<16x1xi32>
      %gather3A_205 = vector.shape_cast %reshape3A_204 : vector<16x1xi32> to vector<16xi32>
      %gather3A_206 = tpu.dynamic_gather %add3A_203[%gather3A_205] in [0] : vector<16xf32>, vector<16xi32> -> vector<16xf32>
      %add3A_207 = arith.addf %add3A_203, %gather3A_206 : vector<16xf32>
      %select_n3A_208 = arith.select %eq3A_191, %add3A_207, %add3A_188 : vector<16xi1>, vector<16xf32>
      %eq3A_209 = arith.constant 2 : i32
      %eq3A_210 = vector.broadcast %eq3A_209 : i32 to vector<16xi32>
      %eq3A_211 = arith.cmpi eq, %iota3A, %eq3A_210 : vector<16xi32>
      %reshape3A_212 = vector.shape_cast %xor3A_70 : vector<16xi32> to vector<16x1xi32>
      %gather3A_213 = vector.shape_cast %reshape3A_212 : vector<16x1xi32> to vector<16xi32>
      %gather3A_214 = tpu.dynamic_gather %parallel_loop3A_172#2[%gather3A_213] in [0] : vector<16xf32>, vector<16xi32> -> vector<16xf32>
      %add3A_215 = arith.addf %parallel_loop3A_172#2, %gather3A_214 : vector<16xf32>
      %reshape3A_216 = vector.shape_cast %xor3A_73 : vector<16xi32> to vector<16x1xi32>
      %gather3A_217 = vector.shape_cast %reshape3A_216 : vector<16x1xi32> to vector<16xi32>
      %gather3A_218 = tpu.dynamic_gather %add3A_215[%gather3A_217] in [0] : vector<16xf32>, vector<16xi32> -> vector<16xf32>
      %add3A_219 = arith.addf %add3A_215, %gather3A_218 : vector<16xf32>
      %reshape3A_220 = vector.shape_cast %xor3A_76 : vector<16xi32> to vector<16x1xi32>
      %gather3A_221 = vector.shape_cast %reshape3A_220 : vector<16x1xi32> to vector<16xi32>
      %gather3A_222 = tpu.dynamic_gather %add3A_219[%gather3A_221] in [0] : vector<16xf32>, vector<16xi32> -> vector<16xf32>
      %add3A_223 = arith.addf %add3A_219, %gather3A_222 : vector<16xf32>
      %reshape3A_224 = vector.shape_cast %xor3A_79 : vector<16xi32> to vector<16x1xi32>
      %gather3A_225 = vector.shape_cast %reshape3A_224 : vector<16x1xi32> to vector<16xi32>
      %gather3A_226 = tpu.dynamic_gather %add3A_223[%gather3A_225] in [0] : vector<16xf32>, vector<16xi32> -> vector<16xf32>
      %add3A_227 = arith.addf %add3A_223, %gather3A_226 : vector<16xf32>
      %select_n3A_228 = arith.select %eq3A_211, %add3A_227, %select_n3A_208 : vector<16xi1>, vector<16xf32>
      %eq3A_229 = arith.constant 3 : i32
      %eq3A_230 = vector.broadcast %eq3A_229 : i32 to vector<16xi32>
      %eq3A_231 = arith.cmpi eq, %iota3A, %eq3A_230 : vector<16xi32>
      %reshape3A_232 = vector.shape_cast %xor3A_70 : vector<16xi32> to vector<16x1xi32>
      %gather3A_233 = vector.shape_cast %reshape3A_232 : vector<16x1xi32> to vector<16xi32>
      %gather3A_234 = tpu.dynamic_gather %parallel_loop3A_172#3[%gather3A_233] in [0] : vector<16xf32>, vector<16xi32> -> vector<16xf32>
      %add3A_235 = arith.addf %parallel_loop3A_172#3, %gather3A_234 : vector<16xf32>
      %reshape3A_236 = vector.shape_cast %xor3A_73 : vector<16xi32> to vector<16x1xi32>
      %gather3A_237 = vector.shape_cast %reshape3A_236 : vector<16x1xi32> to vector<16xi32>
      %gather3A_238 = tpu.dynamic_gather %add3A_235[%gather3A_237] in [0] : vector<16xf32>, vector<16xi32> -> vector<16xf32>
      %add3A_239 = arith.addf %add3A_235, %gather3A_238 : vector<16xf32>
      %reshape3A_240 = vector.shape_cast %xor3A_76 : vector<16xi32> to vector<16x1xi32>
      %gather3A_241 = vector.shape_cast %reshape3A_240 : vector<16x1xi32> to vector<16xi32>
      %gather3A_242 = tpu.dynamic_gather %add3A_239[%gather3A_241] in [0] : vector<16xf32>, vector<16xi32> -> vector<16xf32>
      %add3A_243 = arith.addf %add3A_239, %gather3A_242 : vector<16xf32>
      %reshape3A_244 = vector.shape_cast %xor3A_79 : vector<16xi32> to vector<16x1xi32>
      %gather3A_245 = vector.shape_cast %reshape3A_244 : vector<16x1xi32> to vector<16xi32>
      %gather3A_246 = tpu.dynamic_gather %add3A_243[%gather3A_245] in [0] : vector<16xf32>, vector<16xi32> -> vector<16xf32>
      %add3A_247 = arith.addf %add3A_243, %gather3A_246 : vector<16xf32>
      %select_n3A_248 = arith.select %eq3A_231, %add3A_247, %select_n3A_228 : vector<16xi1>, vector<16xf32>
      %eq3A_249 = arith.constant 4 : i32
      %eq3A_250 = vector.broadcast %eq3A_249 : i32 to vector<16xi32>
      %eq3A_251 = arith.cmpi eq, %iota3A, %eq3A_250 : vector<16xi32>
      %reshape3A_252 = vector.shape_cast %xor3A_70 : vector<16xi32> to vector<16x1xi32>
      %gather3A_253 = vector.shape_cast %reshape3A_252 : vector<16x1xi32> to vector<16xi32>
      %gather3A_254 = tpu.dynamic_gather %parallel_loop3A_172#4[%gather3A_253] in [0] : vector<16xf32>, vector<16xi32> -> vector<16xf32>
      %add3A_255 = arith.addf %parallel_loop3A_172#4, %gather3A_254 : vector<16xf32>
      %reshape3A_256 = vector.shape_cast %xor3A_73 : vector<16xi32> to vector<16x1xi32>
      %gather3A_257 = vector.shape_cast %reshape3A_256 : vector<16x1xi32> to vector<16xi32>
      %gather3A_258 = tpu.dynamic_gather %add3A_255[%gather3A_257] in [0] : vector<16xf32>, vector<16xi32> -> vector<16xf32>
      %add3A_259 = arith.addf %add3A_255, %gather3A_258 : vector<16xf32>
      %reshape3A_260 = vector.shape_cast %xor3A_76 : vector<16xi32> to vector<16x1xi32>
      %gather3A_261 = vector.shape_cast %reshape3A_260 : vector<16x1xi32> to vector<16xi32>
      %gather3A_262 = tpu.dynamic_gather %add3A_259[%gather3A_261] in [0] : vector<16xf32>, vector<16xi32> -> vector<16xf32>
      %add3A_263 = arith.addf %add3A_259, %gather3A_262 : vector<16xf32>
      %reshape3A_264 = vector.shape_cast %xor3A_79 : vector<16xi32> to vector<16x1xi32>
      %gather3A_265 = vector.shape_cast %reshape3A_264 : vector<16x1xi32> to vector<16xi32>
      %gather3A_266 = tpu.dynamic_gather %add3A_263[%gather3A_265] in [0] : vector<16xf32>, vector<16xi32> -> vector<16xf32>
      %add3A_267 = arith.addf %add3A_263, %gather3A_266 : vector<16xf32>
      %select_n3A_268 = arith.select %eq3A_251, %add3A_267, %select_n3A_248 : vector<16xi1>, vector<16xf32>
      %eq3A_269 = arith.constant 5 : i32
      %eq3A_270 = vector.broadcast %eq3A_269 : i32 to vector<16xi32>
      %eq3A_271 = arith.cmpi eq, %iota3A, %eq3A_270 : vector<16xi32>
      %reshape3A_272 = vector.shape_cast %xor3A_70 : vector<16xi32> to vector<16x1xi32>
      %gather3A_273 = vector.shape_cast %reshape3A_272 : vector<16x1xi32> to vector<16xi32>
      %gather3A_274 = tpu.dynamic_gather %parallel_loop3A_172#5[%gather3A_273] in [0] : vector<16xf32>, vector<16xi32> -> vector<16xf32>
      %add3A_275 = arith.addf %parallel_loop3A_172#5, %gather3A_274 : vector<16xf32>
      %reshape3A_276 = vector.shape_cast %xor3A_73 : vector<16xi32> to vector<16x1xi32>
      %gather3A_277 = vector.shape_cast %reshape3A_276 : vector<16x1xi32> to vector<16xi32>
      %gather3A_278 = tpu.dynamic_gather %add3A_275[%gather3A_277] in [0] : vector<16xf32>, vector<16xi32> -> vector<16xf32>
      %add3A_279 = arith.addf %add3A_275, %gather3A_278 : vector<16xf32>
      %reshape3A_280 = vector.shape_cast %xor3A_76 : vector<16xi32> to vector<16x1xi32>
      %gather3A_281 = vector.shape_cast %reshape3A_280 : vector<16x1xi32> to vector<16xi32>
      %gather3A_282 = tpu.dynamic_gather %add3A_279[%gather3A_281] in [0] : vector<16xf32>, vector<16xi32> -> vector<16xf32>
      %add3A_283 = arith.addf %add3A_279, %gather3A_282 : vector<16xf32>
      %reshape3A_284 = vector.shape_cast %xor3A_79 : vector<16xi32> to vector<16x1xi32>
      %gather3A_285 = vector.shape_cast %reshape3A_284 : vector<16x1xi32> to vector<16xi32>
      %gather3A_286 = tpu.dynamic_gather %add3A_283[%gather3A_285] in [0] : vector<16xf32>, vector<16xi32> -> vector<16xf32>
      %add3A_287 = arith.addf %add3A_283, %gather3A_286 : vector<16xf32>
      %select_n3A_288 = arith.select %eq3A_271, %add3A_287, %select_n3A_268 : vector<16xi1>, vector<16xf32>
      %eq3A_289 = arith.constant 6 : i32
      %eq3A_290 = vector.broadcast %eq3A_289 : i32 to vector<16xi32>
      %eq3A_291 = arith.cmpi eq, %iota3A, %eq3A_290 : vector<16xi32>
      %reshape3A_292 = vector.shape_cast %xor3A_70 : vector<16xi32> to vector<16x1xi32>
      %gather3A_293 = vector.shape_cast %reshape3A_292 : vector<16x1xi32> to vector<16xi32>
      %gather3A_294 = tpu.dynamic_gather %parallel_loop3A_172#6[%gather3A_293] in [0] : vector<16xf32>, vector<16xi32> -> vector<16xf32>
      %add3A_295 = arith.addf %parallel_loop3A_172#6, %gather3A_294 : vector<16xf32>
      %reshape3A_296 = vector.shape_cast %xor3A_73 : vector<16xi32> to vector<16x1xi32>
      %gather3A_297 = vector.shape_cast %reshape3A_296 : vector<16x1xi32> to vector<16xi32>
      %gather3A_298 = tpu.dynamic_gather %add3A_295[%gather3A_297] in [0] : vector<16xf32>, vector<16xi32> -> vector<16xf32>
      %add3A_299 = arith.addf %add3A_295, %gather3A_298 : vector<16xf32>
      %reshape3A_300 = vector.shape_cast %xor3A_76 : vector<16xi32> to vector<16x1xi32>
      %gather3A_301 = vector.shape_cast %reshape3A_300 : vector<16x1xi32> to vector<16xi32>
      %gather3A_302 = tpu.dynamic_gather %add3A_299[%gather3A_301] in [0] : vector<16xf32>, vector<16xi32> -> vector<16xf32>
      %add3A_303 = arith.addf %add3A_299, %gather3A_302 : vector<16xf32>
      %reshape3A_304 = vector.shape_cast %xor3A_79 : vector<16xi32> to vector<16x1xi32>
      %gather3A_305 = vector.shape_cast %reshape3A_304 : vector<16x1xi32> to vector<16xi32>
      %gather3A_306 = tpu.dynamic_gather %add3A_303[%gather3A_305] in [0] : vector<16xf32>, vector<16xi32> -> vector<16xf32>
      %add3A_307 = arith.addf %add3A_303, %gather3A_306 : vector<16xf32>
      %select_n3A_308 = arith.select %eq3A_291, %add3A_307, %select_n3A_288 : vector<16xi1>, vector<16xf32>
      %eq3A_309 = arith.constant 7 : i32
      %eq3A_310 = vector.broadcast %eq3A_309 : i32 to vector<16xi32>
      %eq3A_311 = arith.cmpi eq, %iota3A, %eq3A_310 : vector<16xi32>
      %reshape3A_312 = vector.shape_cast %xor3A_70 : vector<16xi32> to vector<16x1xi32>
      %gather3A_313 = vector.shape_cast %reshape3A_312 : vector<16x1xi32> to vector<16xi32>
      %gather3A_314 = tpu.dynamic_gather %parallel_loop3A_172#7[%gather3A_313] in [0] : vector<16xf32>, vector<16xi32> -> vector<16xf32>
      %add3A_315 = arith.addf %parallel_loop3A_172#7, %gather3A_314 : vector<16xf32>
      %reshape3A_316 = vector.shape_cast %xor3A_73 : vector<16xi32> to vector<16x1xi32>
      %gather3A_317 = vector.shape_cast %reshape3A_316 : vector<16x1xi32> to vector<16xi32>
      %gather3A_318 = tpu.dynamic_gather %add3A_315[%gather3A_317] in [0] : vector<16xf32>, vector<16xi32> -> vector<16xf32>
      %add3A_319 = arith.addf %add3A_315, %gather3A_318 : vector<16xf32>
      %reshape3A_320 = vector.shape_cast %xor3A_76 : vector<16xi32> to vector<16x1xi32>
      %gather3A_321 = vector.shape_cast %reshape3A_320 : vector<16x1xi32> to vector<16xi32>
      %gather3A_322 = tpu.dynamic_gather %add3A_319[%gather3A_321] in [0] : vector<16xf32>, vector<16xi32> -> vector<16xf32>
      %add3A_323 = arith.addf %add3A_319, %gather3A_322 : vector<16xf32>
      %reshape3A_324 = vector.shape_cast %xor3A_79 : vector<16xi32> to vector<16x1xi32>
      %gather3A_325 = vector.shape_cast %reshape3A_324 : vector<16x1xi32> to vector<16xi32>
      %gather3A_326 = tpu.dynamic_gather %add3A_323[%gather3A_325] in [0] : vector<16xf32>, vector<16xi32> -> vector<16xf32>
      %add3A_327 = arith.addf %add3A_323, %gather3A_326 : vector<16xf32>
      %select_n3A_328 = arith.select %eq3A_311, %add3A_327, %select_n3A_308 : vector<16xi1>, vector<16xf32>
      %eq3A_329 = arith.constant 8 : i32
      %eq3A_330 = vector.broadcast %eq3A_329 : i32 to vector<16xi32>
      %eq3A_331 = arith.cmpi eq, %iota3A, %eq3A_330 : vector<16xi32>
      %reshape3A_332 = vector.shape_cast %xor3A_70 : vector<16xi32> to vector<16x1xi32>
      %gather3A_333 = vector.shape_cast %reshape3A_332 : vector<16x1xi32> to vector<16xi32>
      %gather3A_334 = tpu.dynamic_gather %parallel_loop3A_172#8[%gather3A_333] in [0] : vector<16xf32>, vector<16xi32> -> vector<16xf32>
      %add3A_335 = arith.addf %parallel_loop3A_172#8, %gather3A_334 : vector<16xf32>
      %reshape3A_336 = vector.shape_cast %xor3A_73 : vector<16xi32> to vector<16x1xi32>
      %gather3A_337 = vector.shape_cast %reshape3A_336 : vector<16x1xi32> to vector<16xi32>
      %gather3A_338 = tpu.dynamic_gather %add3A_335[%gather3A_337] in [0] : vector<16xf32>, vector<16xi32> -> vector<16xf32>
      %add3A_339 = arith.addf %add3A_335, %gather3A_338 : vector<16xf32>
      %reshape3A_340 = vector.shape_cast %xor3A_76 : vector<16xi32> to vector<16x1xi32>
      %gather3A_341 = vector.shape_cast %reshape3A_340 : vector<16x1xi32> to vector<16xi32>
      %gather3A_342 = tpu.dynamic_gather %add3A_339[%gather3A_341] in [0] : vector<16xf32>, vector<16xi32> -> vector<16xf32>
      %add3A_343 = arith.addf %add3A_339, %gather3A_342 : vector<16xf32>
      %reshape3A_344 = vector.shape_cast %xor3A_79 : vector<16xi32> to vector<16x1xi32>
      %gather3A_345 = vector.shape_cast %reshape3A_344 : vector<16x1xi32> to vector<16xi32>
      %gather3A_346 = tpu.dynamic_gather %add3A_343[%gather3A_345] in [0] : vector<16xf32>, vector<16xi32> -> vector<16xf32>
      %add3A_347 = arith.addf %add3A_343, %gather3A_346 : vector<16xf32>
      %select_n3A_348 = arith.select %eq3A_331, %add3A_347, %select_n3A_328 : vector<16xi1>, vector<16xf32>
      %eq3A_349 = arith.constant 9 : i32
      %eq3A_350 = vector.broadcast %eq3A_349 : i32 to vector<16xi32>
      %eq3A_351 = arith.cmpi eq, %iota3A, %eq3A_350 : vector<16xi32>
      %reshape3A_352 = vector.shape_cast %xor3A_70 : vector<16xi32> to vector<16x1xi32>
      %gather3A_353 = vector.shape_cast %reshape3A_352 : vector<16x1xi32> to vector<16xi32>
      %gather3A_354 = tpu.dynamic_gather %parallel_loop3A_172#9[%gather3A_353] in [0] : vector<16xf32>, vector<16xi32> -> vector<16xf32>
      %add3A_355 = arith.addf %parallel_loop3A_172#9, %gather3A_354 : vector<16xf32>
      %reshape3A_356 = vector.shape_cast %xor3A_73 : vector<16xi32> to vector<16x1xi32>
      %gather3A_357 = vector.shape_cast %reshape3A_356 : vector<16x1xi32> to vector<16xi32>
      %gather3A_358 = tpu.dynamic_gather %add3A_355[%gather3A_357] in [0] : vector<16xf32>, vector<16xi32> -> vector<16xf32>
      %add3A_359 = arith.addf %add3A_355, %gather3A_358 : vector<16xf32>
      %reshape3A_360 = vector.shape_cast %xor3A_76 : vector<16xi32> to vector<16x1xi32>
      %gather3A_361 = vector.shape_cast %reshape3A_360 : vector<16x1xi32> to vector<16xi32>
      %gather3A_362 = tpu.dynamic_gather %add3A_359[%gather3A_361] in [0] : vector<16xf32>, vector<16xi32> -> vector<16xf32>
      %add3A_363 = arith.addf %add3A_359, %gather3A_362 : vector<16xf32>
      %reshape3A_364 = vector.shape_cast %xor3A_79 : vector<16xi32> to vector<16x1xi32>
      %gather3A_365 = vector.shape_cast %reshape3A_364 : vector<16x1xi32> to vector<16xi32>
      %gather3A_366 = tpu.dynamic_gather %add3A_363[%gather3A_365] in [0] : vector<16xf32>, vector<16xi32> -> vector<16xf32>
      %add3A_367 = arith.addf %add3A_363, %gather3A_366 : vector<16xf32>
      %select_n3A_368 = arith.select %eq3A_351, %add3A_367, %select_n3A_348 : vector<16xi1>, vector<16xf32>
      %eq3A_369 = arith.constant 10 : i32
      %eq3A_370 = vector.broadcast %eq3A_369 : i32 to vector<16xi32>
      %eq3A_371 = arith.cmpi eq, %iota3A, %eq3A_370 : vector<16xi32>
      %reshape3A_372 = vector.shape_cast %xor3A_70 : vector<16xi32> to vector<16x1xi32>
      %gather3A_373 = vector.shape_cast %reshape3A_372 : vector<16x1xi32> to vector<16xi32>
      %gather3A_374 = tpu.dynamic_gather %parallel_loop3A_172#10[%gather3A_373] in [0] : vector<16xf32>, vector<16xi32> -> vector<16xf32>
      %add3A_375 = arith.addf %parallel_loop3A_172#10, %gather3A_374 : vector<16xf32>
      %reshape3A_376 = vector.shape_cast %xor3A_73 : vector<16xi32> to vector<16x1xi32>
      %gather3A_377 = vector.shape_cast %reshape3A_376 : vector<16x1xi32> to vector<16xi32>
      %gather3A_378 = tpu.dynamic_gather %add3A_375[%gather3A_377] in [0] : vector<16xf32>, vector<16xi32> -> vector<16xf32>
      %add3A_379 = arith.addf %add3A_375, %gather3A_378 : vector<16xf32>
      %reshape3A_380 = vector.shape_cast %xor3A_76 : vector<16xi32> to vector<16x1xi32>
      %gather3A_381 = vector.shape_cast %reshape3A_380 : vector<16x1xi32> to vector<16xi32>
      %gather3A_382 = tpu.dynamic_gather %add3A_379[%gather3A_381] in [0] : vector<16xf32>, vector<16xi32> -> vector<16xf32>
      %add3A_383 = arith.addf %add3A_379, %gather3A_382 : vector<16xf32>
      %reshape3A_384 = vector.shape_cast %xor3A_79 : vector<16xi32> to vector<16x1xi32>
      %gather3A_385 = vector.shape_cast %reshape3A_384 : vector<16x1xi32> to vector<16xi32>
      %gather3A_386 = tpu.dynamic_gather %add3A_383[%gather3A_385] in [0] : vector<16xf32>, vector<16xi32> -> vector<16xf32>
      %add3A_387 = arith.addf %add3A_383, %gather3A_386 : vector<16xf32>
      %select_n3A_388 = arith.select %eq3A_371, %add3A_387, %select_n3A_368 : vector<16xi1>, vector<16xf32>
      %eq3A_389 = arith.constant 11 : i32
      %eq3A_390 = vector.broadcast %eq3A_389 : i32 to vector<16xi32>
      %eq3A_391 = arith.cmpi eq, %iota3A, %eq3A_390 : vector<16xi32>
      %reshape3A_392 = vector.shape_cast %xor3A_70 : vector<16xi32> to vector<16x1xi32>
      %gather3A_393 = vector.shape_cast %reshape3A_392 : vector<16x1xi32> to vector<16xi32>
      %gather3A_394 = tpu.dynamic_gather %parallel_loop3A_172#11[%gather3A_393] in [0] : vector<16xf32>, vector<16xi32> -> vector<16xf32>
      %add3A_395 = arith.addf %parallel_loop3A_172#11, %gather3A_394 : vector<16xf32>
      %reshape3A_396 = vector.shape_cast %xor3A_73 : vector<16xi32> to vector<16x1xi32>
      %gather3A_397 = vector.shape_cast %reshape3A_396 : vector<16x1xi32> to vector<16xi32>
      %gather3A_398 = tpu.dynamic_gather %add3A_395[%gather3A_397] in [0] : vector<16xf32>, vector<16xi32> -> vector<16xf32>
      %add3A_399 = arith.addf %add3A_395, %gather3A_398 : vector<16xf32>
      %reshape3A_400 = vector.shape_cast %xor3A_76 : vector<16xi32> to vector<16x1xi32>
      %gather3A_401 = vector.shape_cast %reshape3A_400 : vector<16x1xi32> to vector<16xi32>
      %gather3A_402 = tpu.dynamic_gather %add3A_399[%gather3A_401] in [0] : vector<16xf32>, vector<16xi32> -> vector<16xf32>
      %add3A_403 = arith.addf %add3A_399, %gather3A_402 : vector<16xf32>
      %reshape3A_404 = vector.shape_cast %xor3A_79 : vector<16xi32> to vector<16x1xi32>
      %gather3A_405 = vector.shape_cast %reshape3A_404 : vector<16x1xi32> to vector<16xi32>
      %gather3A_406 = tpu.dynamic_gather %add3A_403[%gather3A_405] in [0] : vector<16xf32>, vector<16xi32> -> vector<16xf32>
      %add3A_407 = arith.addf %add3A_403, %gather3A_406 : vector<16xf32>
      %select_n3A_408 = arith.select %eq3A_391, %add3A_407, %select_n3A_388 : vector<16xi1>, vector<16xf32>
      %eq3A_409 = arith.constant 12 : i32
      %eq3A_410 = vector.broadcast %eq3A_409 : i32 to vector<16xi32>
      %eq3A_411 = arith.cmpi eq, %iota3A, %eq3A_410 : vector<16xi32>
      %reshape3A_412 = vector.shape_cast %xor3A_70 : vector<16xi32> to vector<16x1xi32>
      %gather3A_413 = vector.shape_cast %reshape3A_412 : vector<16x1xi32> to vector<16xi32>
      %gather3A_414 = tpu.dynamic_gather %parallel_loop3A_172#12[%gather3A_413] in [0] : vector<16xf32>, vector<16xi32> -> vector<16xf32>
      %add3A_415 = arith.addf %parallel_loop3A_172#12, %gather3A_414 : vector<16xf32>
      %reshape3A_416 = vector.shape_cast %xor3A_73 : vector<16xi32> to vector<16x1xi32>
      %gather3A_417 = vector.shape_cast %reshape3A_416 : vector<16x1xi32> to vector<16xi32>
      %gather3A_418 = tpu.dynamic_gather %add3A_415[%gather3A_417] in [0] : vector<16xf32>, vector<16xi32> -> vector<16xf32>
      %add3A_419 = arith.addf %add3A_415, %gather3A_418 : vector<16xf32>
      %reshape3A_420 = vector.shape_cast %xor3A_76 : vector<16xi32> to vector<16x1xi32>
      %gather3A_421 = vector.shape_cast %reshape3A_420 : vector<16x1xi32> to vector<16xi32>
      %gather3A_422 = tpu.dynamic_gather %add3A_419[%gather3A_421] in [0] : vector<16xf32>, vector<16xi32> -> vector<16xf32>
      %add3A_423 = arith.addf %add3A_419, %gather3A_422 : vector<16xf32>
      %reshape3A_424 = vector.shape_cast %xor3A_79 : vector<16xi32> to vector<16x1xi32>
      %gather3A_425 = vector.shape_cast %reshape3A_424 : vector<16x1xi32> to vector<16xi32>
      %gather3A_426 = tpu.dynamic_gather %add3A_423[%gather3A_425] in [0] : vector<16xf32>, vector<16xi32> -> vector<16xf32>
      %add3A_427 = arith.addf %add3A_423, %gather3A_426 : vector<16xf32>
      %select_n3A_428 = arith.select %eq3A_411, %add3A_427, %select_n3A_408 : vector<16xi1>, vector<16xf32>
      %eq3A_429 = arith.constant 13 : i32
      %eq3A_430 = vector.broadcast %eq3A_429 : i32 to vector<16xi32>
      %eq3A_431 = arith.cmpi eq, %iota3A, %eq3A_430 : vector<16xi32>
      %reshape3A_432 = vector.shape_cast %xor3A_70 : vector<16xi32> to vector<16x1xi32>
      %gather3A_433 = vector.shape_cast %reshape3A_432 : vector<16x1xi32> to vector<16xi32>
      %gather3A_434 = tpu.dynamic_gather %parallel_loop3A_172#13[%gather3A_433] in [0] : vector<16xf32>, vector<16xi32> -> vector<16xf32>
      %add3A_435 = arith.addf %parallel_loop3A_172#13, %gather3A_434 : vector<16xf32>
      %reshape3A_436 = vector.shape_cast %xor3A_73 : vector<16xi32> to vector<16x1xi32>
      %gather3A_437 = vector.shape_cast %reshape3A_436 : vector<16x1xi32> to vector<16xi32>
      %gather3A_438 = tpu.dynamic_gather %add3A_435[%gather3A_437] in [0] : vector<16xf32>, vector<16xi32> -> vector<16xf32>
      %add3A_439 = arith.addf %add3A_435, %gather3A_438 : vector<16xf32>
      %reshape3A_440 = vector.shape_cast %xor3A_76 : vector<16xi32> to vector<16x1xi32>
      %gather3A_441 = vector.shape_cast %reshape3A_440 : vector<16x1xi32> to vector<16xi32>
      %gather3A_442 = tpu.dynamic_gather %add3A_439[%gather3A_441] in [0] : vector<16xf32>, vector<16xi32> -> vector<16xf32>
      %add3A_443 = arith.addf %add3A_439, %gather3A_442 : vector<16xf32>
      %reshape3A_444 = vector.shape_cast %xor3A_79 : vector<16xi32> to vector<16x1xi32>
      %gather3A_445 = vector.shape_cast %reshape3A_444 : vector<16x1xi32> to vector<16xi32>
      %gather3A_446 = tpu.dynamic_gather %add3A_443[%gather3A_445] in [0] : vector<16xf32>, vector<16xi32> -> vector<16xf32>
      %add3A_447 = arith.addf %add3A_443, %gather3A_446 : vector<16xf32>
      %select_n3A_448 = arith.select %eq3A_431, %add3A_447, %select_n3A_428 : vector<16xi1>, vector<16xf32>
      %eq3A_449 = arith.constant 14 : i32
      %eq3A_450 = vector.broadcast %eq3A_449 : i32 to vector<16xi32>
      %eq3A_451 = arith.cmpi eq, %iota3A, %eq3A_450 : vector<16xi32>
      %reshape3A_452 = vector.shape_cast %xor3A_70 : vector<16xi32> to vector<16x1xi32>
      %gather3A_453 = vector.shape_cast %reshape3A_452 : vector<16x1xi32> to vector<16xi32>
      %gather3A_454 = tpu.dynamic_gather %parallel_loop3A_172#14[%gather3A_453] in [0] : vector<16xf32>, vector<16xi32> -> vector<16xf32>
      %add3A_455 = arith.addf %parallel_loop3A_172#14, %gather3A_454 : vector<16xf32>
      %reshape3A_456 = vector.shape_cast %xor3A_73 : vector<16xi32> to vector<16x1xi32>
      %gather3A_457 = vector.shape_cast %reshape3A_456 : vector<16x1xi32> to vector<16xi32>
      %gather3A_458 = tpu.dynamic_gather %add3A_455[%gather3A_457] in [0] : vector<16xf32>, vector<16xi32> -> vector<16xf32>
      %add3A_459 = arith.addf %add3A_455, %gather3A_458 : vector<16xf32>
      %reshape3A_460 = vector.shape_cast %xor3A_76 : vector<16xi32> to vector<16x1xi32>
      %gather3A_461 = vector.shape_cast %reshape3A_460 : vector<16x1xi32> to vector<16xi32>
      %gather3A_462 = tpu.dynamic_gather %add3A_459[%gather3A_461] in [0] : vector<16xf32>, vector<16xi32> -> vector<16xf32>
      %add3A_463 = arith.addf %add3A_459, %gather3A_462 : vector<16xf32>
      %reshape3A_464 = vector.shape_cast %xor3A_79 : vector<16xi32> to vector<16x1xi32>
      %gather3A_465 = vector.shape_cast %reshape3A_464 : vector<16x1xi32> to vector<16xi32>
      %gather3A_466 = tpu.dynamic_gather %add3A_463[%gather3A_465] in [0] : vector<16xf32>, vector<16xi32> -> vector<16xf32>
      %add3A_467 = arith.addf %add3A_463, %gather3A_466 : vector<16xf32>
      %select_n3A_468 = arith.select %eq3A_451, %add3A_467, %select_n3A_448 : vector<16xi1>, vector<16xf32>
      %eq3A_469 = arith.constant 15 : i32
      %eq3A_470 = vector.broadcast %eq3A_469 : i32 to vector<16xi32>
      %eq3A_471 = arith.cmpi eq, %iota3A, %eq3A_470 : vector<16xi32>
      %reshape3A_472 = vector.shape_cast %xor3A_70 : vector<16xi32> to vector<16x1xi32>
      %gather3A_473 = vector.shape_cast %reshape3A_472 : vector<16x1xi32> to vector<16xi32>
      %gather3A_474 = tpu.dynamic_gather %parallel_loop3A_172#15[%gather3A_473] in [0] : vector<16xf32>, vector<16xi32> -> vector<16xf32>
      %add3A_475 = arith.addf %parallel_loop3A_172#15, %gather3A_474 : vector<16xf32>
      %reshape3A_476 = vector.shape_cast %xor3A_73 : vector<16xi32> to vector<16x1xi32>
      %gather3A_477 = vector.shape_cast %reshape3A_476 : vector<16x1xi32> to vector<16xi32>
      %gather3A_478 = tpu.dynamic_gather %add3A_475[%gather3A_477] in [0] : vector<16xf32>, vector<16xi32> -> vector<16xf32>
      %add3A_479 = arith.addf %add3A_475, %gather3A_478 : vector<16xf32>
      %reshape3A_480 = vector.shape_cast %xor3A_76 : vector<16xi32> to vector<16x1xi32>
      %gather3A_481 = vector.shape_cast %reshape3A_480 : vector<16x1xi32> to vector<16xi32>
      %gather3A_482 = tpu.dynamic_gather %add3A_479[%gather3A_481] in [0] : vector<16xf32>, vector<16xi32> -> vector<16xf32>
      %add3A_483 = arith.addf %add3A_479, %gather3A_482 : vector<16xf32>
      %reshape3A_484 = vector.shape_cast %xor3A_79 : vector<16xi32> to vector<16x1xi32>
      %gather3A_485 = vector.shape_cast %reshape3A_484 : vector<16x1xi32> to vector<16xi32>
      %gather3A_486 = tpu.dynamic_gather %add3A_483[%gather3A_485] in [0] : vector<16xf32>, vector<16xi32> -> vector<16xf32>
      %add3A_487 = arith.addf %add3A_483, %gather3A_486 : vector<16xf32>
      %select_n3A_488 = arith.select %eq3A_471, %add3A_487, %select_n3A_468 : vector<16xi1>, vector<16xf32>
      %add3A_489 = arith.constant 0 : i32
      %add3A_490 = arith.addi %add3A_489, %mul3A_169 : i32
      %get3A_491 = arith.index_cast %add3A_490 : i32 to index
      %get3A_492 = tpu.vector_load %arg10[%get3A_491] {strides = array<i32>} : memref<256xi32, #tpu.memory_space<vmem>>, vector<16xi32>,
      %get3A_493 = vector.shape_cast %get3A_492 : vector<16xi32> to vector<16xi32>
      %eq3A_494 = arith.constant 0 : i32
      %eq3A_495 = vector.broadcast %eq3A_494 : i32 to vector<16xi32>
      %eq3A_496 = arith.cmpi eq, %get3A_493, %eq3A_495 : vector<16xi32>
      %jit3A_497 = arith.constant 1.000000e+00 : f32
      %jit3A_498 = arith.constant 0.000000e+00 : f32
      %broadcast_in_dim3A_499 = vector.broadcast %jit3A_497 : f32 to vector<16xf32>
      %broadcast_in_dim3A_500 = vector.broadcast %jit3A_498 : f32 to vector<16xf32>
      %select_n3A_501 = arith.select %eq3A_496, %broadcast_in_dim3A_499, %broadcast_in_dim3A_500 : vector<16xi1>, vector<16xf32>
      %mul3A_502 = arith.mulf %select_n3A_488, %select_n3A_501 : vector<16xf32>
      %add3A_503 = arith.addf %mul3A_502, %gather3A_85 : vector<16xf32>
      %swap3A = arith.index_cast %add3A_490 : i32 to index
      %swap3A_504 = tpu.vector_load %arg12[%swap3A] {strides = array<i32>} : memref<256xf32, #tpu.memory_space<vmem>>, vector<16xf32>,
      %swap3A_505 = vector.shape_cast %swap3A_504 : vector<16xf32> to vector<16xf32>
      %swap3A_506 = vector.shape_cast %add3A_503 : vector<16xf32> to vector<16xf32>
      tpu.vector_store %arg12[%swap3A], %swap3A_506 {strides = array<i32>} : memref<256xf32, #tpu.memory_space<vmem>>, vector<16xf32>,
    }
    %scan3A_106 = arith.constant 4 : i32
    %add3A_107 = arith.constant 128 : i32
    %add3A_108 = arith.addi %select_n3A_34, %add3A_107 : i32
    %dma_start3A_109 = arith.constant 0 : i32
    %dma_start3A_110 = tpu.memref_slice %arg2[%select_n3A, %add3A_108, %dma_start3A_109] : memref<8x2048x768xf32, #tpu.memory_space<hbm>> -> memref<1x64x768xf32, #tpu.memory_space<hbm>>
    %dma_start3A_111 = tpu.memref_squeeze %dma_start3A_110 : memref<1x64x768xf32, #tpu.memory_space<hbm>> -> memref<64x768xf32, #tpu.memory_space<hbm>>
    %dma_start3A_112 = arith.constant 0 : i32
    %dma_start3A_113 = tpu.memref_slice %arg2[%select_n3A, %add3A_108, %dma_start3A_112] : memref<8x2048x768xf32, #tpu.memory_space<hbm>> -> memref<1x64x768xf32, #tpu.memory_space<hbm>>
    %dma_start3A_114 = tpu.memref_squeeze %dma_start3A_113 : memref<1x64x768xf32, #tpu.memory_space<hbm>> -> memref<64x768xf32, #tpu.memory_space<hbm>>
    tpu.enqueue_dma source(%dma_start3A_114 : memref<64x768xf32, #tpu.memory_space<hbm>>) target(%arg7 : memref<64x768xf32, #tpu.memory_space<vmem>>) target_semaphore(%arg13 : memref<!tpu.dma_semaphore, #tpu.memory_space<semaphore_mem>>)
    %add3A_115 = arith.constant 64 : i32
    %add3A_116 = arith.addi %select_n3A_34, %add3A_115 : i32
    %dma_wait3A_117 = arith.constant 0 : i32
    %dma_wait3A_118 = tpu.memref_slice %arg2[%select_n3A, %add3A_116, %dma_wait3A_117] : memref<8x2048x768xf32, #tpu.memory_space<hbm>> -> memref<1x64x768xf32, #tpu.memory_space<hbm>>
    %dma_wait3A_119 = tpu.memref_squeeze %dma_wait3A_118 : memref<1x64x768xf32, #tpu.memory_space<hbm>> -> memref<64x768xf32, #tpu.memory_space<hbm>>
    %dma_wait3A_120 = arith.constant 0 : i32
    %dma_wait3A_121 = tpu.memref_slice %arg2[%select_n3A, %add3A_116, %dma_wait3A_120] : memref<8x2048x768xf32, #tpu.memory_space<hbm>> -> memref<1x64x768xf32, #tpu.memory_space<hbm>>
    %dma_wait3A_122 = tpu.memref_squeeze %dma_wait3A_121 : memref<1x64x768xf32, #tpu.memory_space<hbm>> -> memref<64x768xf32, #tpu.memory_space<hbm>>
    tpu.wait_dma2 semaphore(%arg14 : memref<!tpu.dma_semaphore, #tpu.memory_space<semaphore_mem>>) src(%dma_wait3A_122 : memref<64x768xf32, #tpu.memory_space<hbm>>) dst(%arg8 : memref<64x768xf32, #tpu.memory_space<vmem>>)
    %scan3A_123 = arith.constant 0 : i32
    %scan3A_124 = arith.constant 0 : i32
    %scan3A_125 = arith.constant 4 : i32
    %scan3A_126 = arith.addi %scan3A_124, %scan3A_125 : i32
    %scan3A_127 = arith.constant 1 : i32
    scf.for %scan3A_167 = %scan3A_124 to %scan3A_126 step %scan3A_127  : i32 {
      %mul3A_168 = arith.constant 16 : i32
      %mul3A_169 = arith.muli %scan3A_167, %mul3A_168 : i32
      %parallel_loop3A = arith.constant 0 : i32
      %parallel_loop3A_170 = arith.constant 48 : i32
      %parallel_loop3A_171 = arith.constant 1 : i32
      %parallel_loop3A_172:16 = scf.for %parallel_loop3A_507 = %parallel_loop3A to %parallel_loop3A_170 step %parallel_loop3A_171 iter_args(%parallel_loop3A_508 = %broadcast_in_dim3A_80, %parallel_loop3A_509 = %broadcast_in_dim3A_80, %parallel_loop3A_510 = %broadcast_in_dim3A_80, %parallel_loop3A_511 = %broadcast_in_dim3A_80, %parallel_loop3A_512 = %broadcast_in_dim3A_80, %parallel_loop3A_513 = %broadcast_in_dim3A_80, %parallel_loop3A_514 = %broadcast_in_dim3A_80, %parallel_loop3A_515 = %broadcast_in_dim3A_80, %parallel_loop3A_516 = %broadcast_in_dim3A_80, %parallel_loop3A_517 = %broadcast_in_dim3A_80, %parallel_loop3A_518 = %broadcast_in_dim3A_80, %parallel_loop3A_519 = %broadcast_in_dim3A_80, %parallel_loop3A_520 = %broadcast_in_dim3A_80, %parallel_loop3A_521 = %broadcast_in_dim3A_80, %parallel_loop3A_522 = %broadcast_in_dim3A_80, %parallel_loop3A_523 = %broadcast_in_dim3A_80) -> (vector<16xf32>, vector<16xf32>, vector<16xf32>, vector<16xf32>, vector<16xf32>, vector<16xf32>, vector<16xf32>, vector<16xf32>, vector<16xf32>, vector<16xf32>, vector<16xf32>, vector<16xf32>, vector<16xf32>, vector<16xf32>, vector<16xf32>, vector<16xf32>)  : i32 {
        %parallel_loop3A_524 = arith.constant 16 : i32
        %parallel_loop3A_525 = arith.muli %parallel_loop3A_507, %parallel_loop3A_524 : i32
        %parallel_loop3A_526 = arith.index_cast %parallel_loop3A_525 : i32 to index
        %parallel_loop3A_527 = tpu.vector_load %arg9[%parallel_loop3A_526] {strides = array<i32>} : memref<768xf32, #tpu.memory_space<vmem>>, vector<16xf32>,
        %parallel_loop3A_528 = vector.shape_cast %parallel_loop3A_527 : vector<16xf32> to vector<16xf32>
        %parallel_loop3A_529 = arith.constant 0 : i32
        %parallel_loop3A_530 = arith.addi %mul3A_169, %parallel_loop3A_529 : i32
        %parallel_loop3A_531 = arith.index_cast %parallel_loop3A_530 : i32 to index
        %parallel_loop3A_532 = arith.index_cast %parallel_loop3A_525 : i32 to index
        %parallel_loop3A_533 = tpu.vector_load %arg8[%parallel_loop3A_531, %parallel_loop3A_532] {strides = array<i32>} : memref<64x768xf32, #tpu.memory_space<vmem>>, vector<1x16xf32>,
        %parallel_loop3A_534 = vector.shape_cast %parallel_loop3A_533 : vector<1x16xf32> to vector<16xf32>
        %parallel_loop3A_535 = arith.mulf %parallel_loop3A_534, %parallel_loop3A_528 : vector<16xf32>
        %parallel_loop3A_536 = arith.addf %parallel_loop3A_508, %parallel_loop3A_535 : vector<16xf32>
        %parallel_loop3A_537 = arith.constant 1 : i32
        %parallel_loop3A_538 = arith.addi %mul3A_169, %parallel_loop3A_537 : i32
        %parallel_loop3A_539 = arith.index_cast %parallel_loop3A_538 : i32 to index
        %parallel_loop3A_540 = arith.index_cast %parallel_loop3A_525 : i32 to index
        %parallel_loop3A_541 = tpu.vector_load %arg8[%parallel_loop3A_539, %parallel_loop3A_540] {strides = array<i32>} : memref<64x768xf32, #tpu.memory_space<vmem>>, vector<1x16xf32>,
        %parallel_loop3A_542 = vector.shape_cast %parallel_loop3A_541 : vector<1x16xf32> to vector<16xf32>
        %parallel_loop3A_543 = arith.mulf %parallel_loop3A_542, %parallel_loop3A_528 : vector<16xf32>
        %parallel_loop3A_544 = arith.addf %parallel_loop3A_509, %parallel_loop3A_543 : vector<16xf32>
        %parallel_loop3A_545 = arith.constant 2 : i32
        %parallel_loop3A_546 = arith.addi %mul3A_169, %parallel_loop3A_545 : i32
        %parallel_loop3A_547 = arith.index_cast %parallel_loop3A_546 : i32 to index
        %parallel_loop3A_548 = arith.index_cast %parallel_loop3A_525 : i32 to index
        %parallel_loop3A_549 = tpu.vector_load %arg8[%parallel_loop3A_547, %parallel_loop3A_548] {strides = array<i32>} : memref<64x768xf32, #tpu.memory_space<vmem>>, vector<1x16xf32>,
        %parallel_loop3A_550 = vector.shape_cast %parallel_loop3A_549 : vector<1x16xf32> to vector<16xf32>
        %parallel_loop3A_551 = arith.mulf %parallel_loop3A_550, %parallel_loop3A_528 : vector<16xf32>
        %parallel_loop3A_552 = arith.addf %parallel_loop3A_510, %parallel_loop3A_551 : vector<16xf32>
        %parallel_loop3A_553 = arith.constant 3 : i32
        %parallel_loop3A_554 = arith.addi %mul3A_169, %parallel_loop3A_553 : i32
        %parallel_loop3A_555 = arith.index_cast %parallel_loop3A_554 : i32 to index
        %parallel_loop3A_556 = arith.index_cast %parallel_loop3A_525 : i32 to index
        %parallel_loop3A_557 = tpu.vector_load %arg8[%parallel_loop3A_555, %parallel_loop3A_556] {strides = array<i32>} : memref<64x768xf32, #tpu.memory_space<vmem>>, vector<1x16xf32>,
        %parallel_loop3A_558 = vector.shape_cast %parallel_loop3A_557 : vector<1x16xf32> to vector<16xf32>
        %parallel_loop3A_559 = arith.mulf %parallel_loop3A_558, %parallel_loop3A_528 : vector<16xf32>
        %parallel_loop3A_560 = arith.addf %parallel_loop3A_511, %parallel_loop3A_559 : vector<16xf32>
        %parallel_loop3A_561 = arith.constant 4 : i32
        %parallel_loop3A_562 = arith.addi %mul3A_169, %parallel_loop3A_561 : i32
        %parallel_loop3A_563 = arith.index_cast %parallel_loop3A_562 : i32 to index
        %parallel_loop3A_564 = arith.index_cast %parallel_loop3A_525 : i32 to index
        %parallel_loop3A_565 = tpu.vector_load %arg8[%parallel_loop3A_563, %parallel_loop3A_564] {strides = array<i32>} : memref<64x768xf32, #tpu.memory_space<vmem>>, vector<1x16xf32>,
        %parallel_loop3A_566 = vector.shape_cast %parallel_loop3A_565 : vector<1x16xf32> to vector<16xf32>
        %parallel_loop3A_567 = arith.mulf %parallel_loop3A_566, %parallel_loop3A_528 : vector<16xf32>
        %parallel_loop3A_568 = arith.addf %parallel_loop3A_512, %parallel_loop3A_567 : vector<16xf32>
        %parallel_loop3A_569 = arith.constant 5 : i32
        %parallel_loop3A_570 = arith.addi %mul3A_169, %parallel_loop3A_569 : i32
        %parallel_loop3A_571 = arith.index_cast %parallel_loop3A_570 : i32 to index
        %parallel_loop3A_572 = arith.index_cast %parallel_loop3A_525 : i32 to index
        %parallel_loop3A_573 = tpu.vector_load %arg8[%parallel_loop3A_571, %parallel_loop3A_572] {strides = array<i32>} : memref<64x768xf32, #tpu.memory_space<vmem>>, vector<1x16xf32>,
        %parallel_loop3A_574 = vector.shape_cast %parallel_loop3A_573 : vector<1x16xf32> to vector<16xf32>
        %parallel_loop3A_575 = arith.mulf %parallel_loop3A_574, %parallel_loop3A_528 : vector<16xf32>
        %parallel_loop3A_576 = arith.addf %parallel_loop3A_513, %parallel_loop3A_575 : vector<16xf32>
        %parallel_loop3A_577 = arith.constant 6 : i32
        %parallel_loop3A_578 = arith.addi %mul3A_169, %parallel_loop3A_577 : i32
        %parallel_loop3A_579 = arith.index_cast %parallel_loop3A_578 : i32 to index
        %parallel_loop3A_580 = arith.index_cast %parallel_loop3A_525 : i32 to index
        %parallel_loop3A_581 = tpu.vector_load %arg8[%parallel_loop3A_579, %parallel_loop3A_580] {strides = array<i32>} : memref<64x768xf32, #tpu.memory_space<vmem>>, vector<1x16xf32>,
        %parallel_loop3A_582 = vector.shape_cast %parallel_loop3A_581 : vector<1x16xf32> to vector<16xf32>
        %parallel_loop3A_583 = arith.mulf %parallel_loop3A_582, %parallel_loop3A_528 : vector<16xf32>
        %parallel_loop3A_584 = arith.addf %parallel_loop3A_514, %parallel_loop3A_583 : vector<16xf32>
        %parallel_loop3A_585 = arith.constant 7 : i32
        %parallel_loop3A_586 = arith.addi %mul3A_169, %parallel_loop3A_585 : i32
        %parallel_loop3A_587 = arith.index_cast %parallel_loop3A_586 : i32 to index
        %parallel_loop3A_588 = arith.index_cast %parallel_loop3A_525 : i32 to index
        %parallel_loop3A_589 = tpu.vector_load %arg8[%parallel_loop3A_587, %parallel_loop3A_588] {strides = array<i32>} : memref<64x768xf32, #tpu.memory_space<vmem>>, vector<1x16xf32>,
        %parallel_loop3A_590 = vector.shape_cast %parallel_loop3A_589 : vector<1x16xf32> to vector<16xf32>
        %parallel_loop3A_591 = arith.mulf %parallel_loop3A_590, %parallel_loop3A_528 : vector<16xf32>
        %parallel_loop3A_592 = arith.addf %parallel_loop3A_515, %parallel_loop3A_591 : vector<16xf32>
        %parallel_loop3A_593 = arith.constant 8 : i32
        %parallel_loop3A_594 = arith.addi %mul3A_169, %parallel_loop3A_593 : i32
        %parallel_loop3A_595 = arith.index_cast %parallel_loop3A_594 : i32 to index
        %parallel_loop3A_596 = arith.index_cast %parallel_loop3A_525 : i32 to index
        %parallel_loop3A_597 = tpu.vector_load %arg8[%parallel_loop3A_595, %parallel_loop3A_596] {strides = array<i32>} : memref<64x768xf32, #tpu.memory_space<vmem>>, vector<1x16xf32>,
        %parallel_loop3A_598 = vector.shape_cast %parallel_loop3A_597 : vector<1x16xf32> to vector<16xf32>
        %parallel_loop3A_599 = arith.mulf %parallel_loop3A_598, %parallel_loop3A_528 : vector<16xf32>
        %parallel_loop3A_600 = arith.addf %parallel_loop3A_516, %parallel_loop3A_599 : vector<16xf32>
        %parallel_loop3A_601 = arith.constant 9 : i32
        %parallel_loop3A_602 = arith.addi %mul3A_169, %parallel_loop3A_601 : i32
        %parallel_loop3A_603 = arith.index_cast %parallel_loop3A_602 : i32 to index
        %parallel_loop3A_604 = arith.index_cast %parallel_loop3A_525 : i32 to index
        %parallel_loop3A_605 = tpu.vector_load %arg8[%parallel_loop3A_603, %parallel_loop3A_604] {strides = array<i32>} : memref<64x768xf32, #tpu.memory_space<vmem>>, vector<1x16xf32>,
        %parallel_loop3A_606 = vector.shape_cast %parallel_loop3A_605 : vector<1x16xf32> to vector<16xf32>
        %parallel_loop3A_607 = arith.mulf %parallel_loop3A_606, %parallel_loop3A_528 : vector<16xf32>
        %parallel_loop3A_608 = arith.addf %parallel_loop3A_517, %parallel_loop3A_607 : vector<16xf32>
        %parallel_loop3A_609 = arith.constant 10 : i32
        %parallel_loop3A_610 = arith.addi %mul3A_169, %parallel_loop3A_609 : i32
        %parallel_loop3A_611 = arith.index_cast %parallel_loop3A_610 : i32 to index
        %parallel_loop3A_612 = arith.index_cast %parallel_loop3A_525 : i32 to index
        %parallel_loop3A_613 = tpu.vector_load %arg8[%parallel_loop3A_611, %parallel_loop3A_612] {strides = array<i32>} : memref<64x768xf32, #tpu.memory_space<vmem>>, vector<1x16xf32>,
        %parallel_loop3A_614 = vector.shape_cast %parallel_loop3A_613 : vector<1x16xf32> to vector<16xf32>
        %parallel_loop3A_615 = arith.mulf %parallel_loop3A_614, %parallel_loop3A_528 : vector<16xf32>
        %parallel_loop3A_616 = arith.addf %parallel_loop3A_518, %parallel_loop3A_615 : vector<16xf32>
        %parallel_loop3A_617 = arith.constant 11 : i32
        %parallel_loop3A_618 = arith.addi %mul3A_169, %parallel_loop3A_617 : i32
        %parallel_loop3A_619 = arith.index_cast %parallel_loop3A_618 : i32 to index
        %parallel_loop3A_620 = arith.index_cast %parallel_loop3A_525 : i32 to index
        %parallel_loop3A_621 = tpu.vector_load %arg8[%parallel_loop3A_619, %parallel_loop3A_620] {strides = array<i32>} : memref<64x768xf32, #tpu.memory_space<vmem>>, vector<1x16xf32>,
        %parallel_loop3A_622 = vector.shape_cast %parallel_loop3A_621 : vector<1x16xf32> to vector<16xf32>
        %parallel_loop3A_623 = arith.mulf %parallel_loop3A_622, %parallel_loop3A_528 : vector<16xf32>
        %parallel_loop3A_624 = arith.addf %parallel_loop3A_519, %parallel_loop3A_623 : vector<16xf32>
        %parallel_loop3A_625 = arith.constant 12 : i32
        %parallel_loop3A_626 = arith.addi %mul3A_169, %parallel_loop3A_625 : i32
        %parallel_loop3A_627 = arith.index_cast %parallel_loop3A_626 : i32 to index
        %parallel_loop3A_628 = arith.index_cast %parallel_loop3A_525 : i32 to index
        %parallel_loop3A_629 = tpu.vector_load %arg8[%parallel_loop3A_627, %parallel_loop3A_628] {strides = array<i32>} : memref<64x768xf32, #tpu.memory_space<vmem>>, vector<1x16xf32>,
        %parallel_loop3A_630 = vector.shape_cast %parallel_loop3A_629 : vector<1x16xf32> to vector<16xf32>
        %parallel_loop3A_631 = arith.mulf %parallel_loop3A_630, %parallel_loop3A_528 : vector<16xf32>
        %parallel_loop3A_632 = arith.addf %parallel_loop3A_520, %parallel_loop3A_631 : vector<16xf32>
        %parallel_loop3A_633 = arith.constant 13 : i32
        %parallel_loop3A_634 = arith.addi %mul3A_169, %parallel_loop3A_633 : i32
        %parallel_loop3A_635 = arith.index_cast %parallel_loop3A_634 : i32 to index
        %parallel_loop3A_636 = arith.index_cast %parallel_loop3A_525 : i32 to index
        %parallel_loop3A_637 = tpu.vector_load %arg8[%parallel_loop3A_635, %parallel_loop3A_636] {strides = array<i32>} : memref<64x768xf32, #tpu.memory_space<vmem>>, vector<1x16xf32>,
        %parallel_loop3A_638 = vector.shape_cast %parallel_loop3A_637 : vector<1x16xf32> to vector<16xf32>
        %parallel_loop3A_639 = arith.mulf %parallel_loop3A_638, %parallel_loop3A_528 : vector<16xf32>
        %parallel_loop3A_640 = arith.addf %parallel_loop3A_521, %parallel_loop3A_639 : vector<16xf32>
        %parallel_loop3A_641 = arith.constant 14 : i32
        %parallel_loop3A_642 = arith.addi %mul3A_169, %parallel_loop3A_641 : i32
        %parallel_loop3A_643 = arith.index_cast %parallel_loop3A_642 : i32 to index
        %parallel_loop3A_644 = arith.index_cast %parallel_loop3A_525 : i32 to index
        %parallel_loop3A_645 = tpu.vector_load %arg8[%parallel_loop3A_643, %parallel_loop3A_644] {strides = array<i32>} : memref<64x768xf32, #tpu.memory_space<vmem>>, vector<1x16xf32>,
        %parallel_loop3A_646 = vector.shape_cast %parallel_loop3A_645 : vector<1x16xf32> to vector<16xf32>
        %parallel_loop3A_647 = arith.mulf %parallel_loop3A_646, %parallel_loop3A_528 : vector<16xf32>
        %parallel_loop3A_648 = arith.addf %parallel_loop3A_522, %parallel_loop3A_647 : vector<16xf32>
        %parallel_loop3A_649 = arith.constant 15 : i32
        %parallel_loop3A_650 = arith.addi %mul3A_169, %parallel_loop3A_649 : i32
        %parallel_loop3A_651 = arith.index_cast %parallel_loop3A_650 : i32 to index
        %parallel_loop3A_652 = arith.index_cast %parallel_loop3A_525 : i32 to index
        %parallel_loop3A_653 = tpu.vector_load %arg8[%parallel_loop3A_651, %parallel_loop3A_652] {strides = array<i32>} : memref<64x768xf32, #tpu.memory_space<vmem>>, vector<1x16xf32>,
        %parallel_loop3A_654 = vector.shape_cast %parallel_loop3A_653 : vector<1x16xf32> to vector<16xf32>
        %parallel_loop3A_655 = arith.mulf %parallel_loop3A_654, %parallel_loop3A_528 : vector<16xf32>
        %parallel_loop3A_656 = arith.addf %parallel_loop3A_523, %parallel_loop3A_655 : vector<16xf32>
        scf.yield %parallel_loop3A_536, %parallel_loop3A_544, %parallel_loop3A_552, %parallel_loop3A_560, %parallel_loop3A_568, %parallel_loop3A_576, %parallel_loop3A_584, %parallel_loop3A_592, %parallel_loop3A_600, %parallel_loop3A_608, %parallel_loop3A_616, %parallel_loop3A_624, %parallel_loop3A_632, %parallel_loop3A_640, %parallel_loop3A_648, %parallel_loop3A_656 : vector<16xf32>, vector<16xf32>, vector<16xf32>, vector<16xf32>, vector<16xf32>, vector<16xf32>, vector<16xf32>, vector<16xf32>, vector<16xf32>, vector<16xf32>, vector<16xf32>, vector<16xf32>, vector<16xf32>, vector<16xf32>, vector<16xf32>, vector<16xf32>
      } {sc.loop_unroll_factor = 2 : i64, sc.parallel_access}
      %reshape3A_173 = vector.shape_cast %xor3A_70 : vector<16xi32> to vector<16x1xi32>
      %gather3A_174 = vector.shape_cast %reshape3A_173 : vector<16x1xi32> to vector<16xi32>
      %gather3A_175 = tpu.dynamic_gather %parallel_loop3A_172#0[%gather3A_174] in [0] : vector<16xf32>, vector<16xi32> -> vector<16xf32>
      %add3A_176 = arith.addf %parallel_loop3A_172#0, %gather3A_175 : vector<16xf32>
      %reshape3A_177 = vector.shape_cast %xor3A_73 : vector<16xi32> to vector<16x1xi32>
      %gather3A_178 = vector.shape_cast %reshape3A_177 : vector<16x1xi32> to vector<16xi32>
      %gather3A_179 = tpu.dynamic_gather %add3A_176[%gather3A_178] in [0] : vector<16xf32>, vector<16xi32> -> vector<16xf32>
      %add3A_180 = arith.addf %add3A_176, %gather3A_179 : vector<16xf32>
      %reshape3A_181 = vector.shape_cast %xor3A_76 : vector<16xi32> to vector<16x1xi32>
      %gather3A_182 = vector.shape_cast %reshape3A_181 : vector<16x1xi32> to vector<16xi32>
      %gather3A_183 = tpu.dynamic_gather %add3A_180[%gather3A_182] in [0] : vector<16xf32>, vector<16xi32> -> vector<16xf32>
      %add3A_184 = arith.addf %add3A_180, %gather3A_183 : vector<16xf32>
      %reshape3A_185 = vector.shape_cast %xor3A_79 : vector<16xi32> to vector<16x1xi32>
      %gather3A_186 = vector.shape_cast %reshape3A_185 : vector<16x1xi32> to vector<16xi32>
      %gather3A_187 = tpu.dynamic_gather %add3A_184[%gather3A_186] in [0] : vector<16xf32>, vector<16xi32> -> vector<16xf32>
      %add3A_188 = arith.addf %add3A_184, %gather3A_187 : vector<16xf32>
      %eq3A_189 = arith.constant 1 : i32
      %eq3A_190 = vector.broadcast %eq3A_189 : i32 to vector<16xi32>
      %eq3A_191 = arith.cmpi eq, %iota3A, %eq3A_190 : vector<16xi32>
      %reshape3A_192 = vector.shape_cast %xor3A_70 : vector<16xi32> to vector<16x1xi32>
      %gather3A_193 = vector.shape_cast %reshape3A_192 : vector<16x1xi32> to vector<16xi32>
      %gather3A_194 = tpu.dynamic_gather %parallel_loop3A_172#1[%gather3A_193] in [0] : vector<16xf32>, vector<16xi32> -> vector<16xf32>
      %add3A_195 = arith.addf %parallel_loop3A_172#1, %gather3A_194 : vector<16xf32>
      %reshape3A_196 = vector.shape_cast %xor3A_73 : vector<16xi32> to vector<16x1xi32>
      %gather3A_197 = vector.shape_cast %reshape3A_196 : vector<16x1xi32> to vector<16xi32>
      %gather3A_198 = tpu.dynamic_gather %add3A_195[%gather3A_197] in [0] : vector<16xf32>, vector<16xi32> -> vector<16xf32>
      %add3A_199 = arith.addf %add3A_195, %gather3A_198 : vector<16xf32>
      %reshape3A_200 = vector.shape_cast %xor3A_76 : vector<16xi32> to vector<16x1xi32>
      %gather3A_201 = vector.shape_cast %reshape3A_200 : vector<16x1xi32> to vector<16xi32>
      %gather3A_202 = tpu.dynamic_gather %add3A_199[%gather3A_201] in [0] : vector<16xf32>, vector<16xi32> -> vector<16xf32>
      %add3A_203 = arith.addf %add3A_199, %gather3A_202 : vector<16xf32>
      %reshape3A_204 = vector.shape_cast %xor3A_79 : vector<16xi32> to vector<16x1xi32>
      %gather3A_205 = vector.shape_cast %reshape3A_204 : vector<16x1xi32> to vector<16xi32>
      %gather3A_206 = tpu.dynamic_gather %add3A_203[%gather3A_205] in [0] : vector<16xf32>, vector<16xi32> -> vector<16xf32>
      %add3A_207 = arith.addf %add3A_203, %gather3A_206 : vector<16xf32>
      %select_n3A_208 = arith.select %eq3A_191, %add3A_207, %add3A_188 : vector<16xi1>, vector<16xf32>
      %eq3A_209 = arith.constant 2 : i32
      %eq3A_210 = vector.broadcast %eq3A_209 : i32 to vector<16xi32>
      %eq3A_211 = arith.cmpi eq, %iota3A, %eq3A_210 : vector<16xi32>
      %reshape3A_212 = vector.shape_cast %xor3A_70 : vector<16xi32> to vector<16x1xi32>
      %gather3A_213 = vector.shape_cast %reshape3A_212 : vector<16x1xi32> to vector<16xi32>
      %gather3A_214 = tpu.dynamic_gather %parallel_loop3A_172#2[%gather3A_213] in [0] : vector<16xf32>, vector<16xi32> -> vector<16xf32>
      %add3A_215 = arith.addf %parallel_loop3A_172#2, %gather3A_214 : vector<16xf32>
      %reshape3A_216 = vector.shape_cast %xor3A_73 : vector<16xi32> to vector<16x1xi32>
      %gather3A_217 = vector.shape_cast %reshape3A_216 : vector<16x1xi32> to vector<16xi32>
      %gather3A_218 = tpu.dynamic_gather %add3A_215[%gather3A_217] in [0] : vector<16xf32>, vector<16xi32> -> vector<16xf32>
      %add3A_219 = arith.addf %add3A_215, %gather3A_218 : vector<16xf32>
      %reshape3A_220 = vector.shape_cast %xor3A_76 : vector<16xi32> to vector<16x1xi32>
      %gather3A_221 = vector.shape_cast %reshape3A_220 : vector<16x1xi32> to vector<16xi32>
      %gather3A_222 = tpu.dynamic_gather %add3A_219[%gather3A_221] in [0] : vector<16xf32>, vector<16xi32> -> vector<16xf32>
      %add3A_223 = arith.addf %add3A_219, %gather3A_222 : vector<16xf32>
      %reshape3A_224 = vector.shape_cast %xor3A_79 : vector<16xi32> to vector<16x1xi32>
      %gather3A_225 = vector.shape_cast %reshape3A_224 : vector<16x1xi32> to vector<16xi32>
      %gather3A_226 = tpu.dynamic_gather %add3A_223[%gather3A_225] in [0] : vector<16xf32>, vector<16xi32> -> vector<16xf32>
      %add3A_227 = arith.addf %add3A_223, %gather3A_226 : vector<16xf32>
      %select_n3A_228 = arith.select %eq3A_211, %add3A_227, %select_n3A_208 : vector<16xi1>, vector<16xf32>
      %eq3A_229 = arith.constant 3 : i32
      %eq3A_230 = vector.broadcast %eq3A_229 : i32 to vector<16xi32>
      %eq3A_231 = arith.cmpi eq, %iota3A, %eq3A_230 : vector<16xi32>
      %reshape3A_232 = vector.shape_cast %xor3A_70 : vector<16xi32> to vector<16x1xi32>
      %gather3A_233 = vector.shape_cast %reshape3A_232 : vector<16x1xi32> to vector<16xi32>
      %gather3A_234 = tpu.dynamic_gather %parallel_loop3A_172#3[%gather3A_233] in [0] : vector<16xf32>, vector<16xi32> -> vector<16xf32>
      %add3A_235 = arith.addf %parallel_loop3A_172#3, %gather3A_234 : vector<16xf32>
      %reshape3A_236 = vector.shape_cast %xor3A_73 : vector<16xi32> to vector<16x1xi32>
      %gather3A_237 = vector.shape_cast %reshape3A_236 : vector<16x1xi32> to vector<16xi32>
      %gather3A_238 = tpu.dynamic_gather %add3A_235[%gather3A_237] in [0] : vector<16xf32>, vector<16xi32> -> vector<16xf32>
      %add3A_239 = arith.addf %add3A_235, %gather3A_238 : vector<16xf32>
      %reshape3A_240 = vector.shape_cast %xor3A_76 : vector<16xi32> to vector<16x1xi32>
      %gather3A_241 = vector.shape_cast %reshape3A_240 : vector<16x1xi32> to vector<16xi32>
      %gather3A_242 = tpu.dynamic_gather %add3A_239[%gather3A_241] in [0] : vector<16xf32>, vector<16xi32> -> vector<16xf32>
      %add3A_243 = arith.addf %add3A_239, %gather3A_242 : vector<16xf32>
      %reshape3A_244 = vector.shape_cast %xor3A_79 : vector<16xi32> to vector<16x1xi32>
      %gather3A_245 = vector.shape_cast %reshape3A_244 : vector<16x1xi32> to vector<16xi32>
      %gather3A_246 = tpu.dynamic_gather %add3A_243[%gather3A_245] in [0] : vector<16xf32>, vector<16xi32> -> vector<16xf32>
      %add3A_247 = arith.addf %add3A_243, %gather3A_246 : vector<16xf32>
      %select_n3A_248 = arith.select %eq3A_231, %add3A_247, %select_n3A_228 : vector<16xi1>, vector<16xf32>
      %eq3A_249 = arith.constant 4 : i32
      %eq3A_250 = vector.broadcast %eq3A_249 : i32 to vector<16xi32>
      %eq3A_251 = arith.cmpi eq, %iota3A, %eq3A_250 : vector<16xi32>
      %reshape3A_252 = vector.shape_cast %xor3A_70 : vector<16xi32> to vector<16x1xi32>
      %gather3A_253 = vector.shape_cast %reshape3A_252 : vector<16x1xi32> to vector<16xi32>
      %gather3A_254 = tpu.dynamic_gather %parallel_loop3A_172#4[%gather3A_253] in [0] : vector<16xf32>, vector<16xi32> -> vector<16xf32>
      %add3A_255 = arith.addf %parallel_loop3A_172#4, %gather3A_254 : vector<16xf32>
      %reshape3A_256 = vector.shape_cast %xor3A_73 : vector<16xi32> to vector<16x1xi32>
      %gather3A_257 = vector.shape_cast %reshape3A_256 : vector<16x1xi32> to vector<16xi32>
      %gather3A_258 = tpu.dynamic_gather %add3A_255[%gather3A_257] in [0] : vector<16xf32>, vector<16xi32> -> vector<16xf32>
      %add3A_259 = arith.addf %add3A_255, %gather3A_258 : vector<16xf32>
      %reshape3A_260 = vector.shape_cast %xor3A_76 : vector<16xi32> to vector<16x1xi32>
      %gather3A_261 = vector.shape_cast %reshape3A_260 : vector<16x1xi32> to vector<16xi32>
      %gather3A_262 = tpu.dynamic_gather %add3A_259[%gather3A_261] in [0] : vector<16xf32>, vector<16xi32> -> vector<16xf32>
      %add3A_263 = arith.addf %add3A_259, %gather3A_262 : vector<16xf32>
      %reshape3A_264 = vector.shape_cast %xor3A_79 : vector<16xi32> to vector<16x1xi32>
      %gather3A_265 = vector.shape_cast %reshape3A_264 : vector<16x1xi32> to vector<16xi32>
      %gather3A_266 = tpu.dynamic_gather %add3A_263[%gather3A_265] in [0] : vector<16xf32>, vector<16xi32> -> vector<16xf32>
      %add3A_267 = arith.addf %add3A_263, %gather3A_266 : vector<16xf32>
      %select_n3A_268 = arith.select %eq3A_251, %add3A_267, %select_n3A_248 : vector<16xi1>, vector<16xf32>
      %eq3A_269 = arith.constant 5 : i32
      %eq3A_270 = vector.broadcast %eq3A_269 : i32 to vector<16xi32>
      %eq3A_271 = arith.cmpi eq, %iota3A, %eq3A_270 : vector<16xi32>
      %reshape3A_272 = vector.shape_cast %xor3A_70 : vector<16xi32> to vector<16x1xi32>
      %gather3A_273 = vector.shape_cast %reshape3A_272 : vector<16x1xi32> to vector<16xi32>
      %gather3A_274 = tpu.dynamic_gather %parallel_loop3A_172#5[%gather3A_273] in [0] : vector<16xf32>, vector<16xi32> -> vector<16xf32>
      %add3A_275 = arith.addf %parallel_loop3A_172#5, %gather3A_274 : vector<16xf32>
      %reshape3A_276 = vector.shape_cast %xor3A_73 : vector<16xi32> to vector<16x1xi32>
      %gather3A_277 = vector.shape_cast %reshape3A_276 : vector<16x1xi32> to vector<16xi32>
      %gather3A_278 = tpu.dynamic_gather %add3A_275[%gather3A_277] in [0] : vector<16xf32>, vector<16xi32> -> vector<16xf32>
      %add3A_279 = arith.addf %add3A_275, %gather3A_278 : vector<16xf32>
      %reshape3A_280 = vector.shape_cast %xor3A_76 : vector<16xi32> to vector<16x1xi32>
      %gather3A_281 = vector.shape_cast %reshape3A_280 : vector<16x1xi32> to vector<16xi32>
      %gather3A_282 = tpu.dynamic_gather %add3A_279[%gather3A_281] in [0] : vector<16xf32>, vector<16xi32> -> vector<16xf32>
      %add3A_283 = arith.addf %add3A_279, %gather3A_282 : vector<16xf32>
      %reshape3A_284 = vector.shape_cast %xor3A_79 : vector<16xi32> to vector<16x1xi32>
      %gather3A_285 = vector.shape_cast %reshape3A_284 : vector<16x1xi32> to vector<16xi32>
      %gather3A_286 = tpu.dynamic_gather %add3A_283[%gather3A_285] in [0] : vector<16xf32>, vector<16xi32> -> vector<16xf32>
      %add3A_287 = arith.addf %add3A_283, %gather3A_286 : vector<16xf32>
      %select_n3A_288 = arith.select %eq3A_271, %add3A_287, %select_n3A_268 : vector<16xi1>, vector<16xf32>
      %eq3A_289 = arith.constant 6 : i32
      %eq3A_290 = vector.broadcast %eq3A_289 : i32 to vector<16xi32>
      %eq3A_291 = arith.cmpi eq, %iota3A, %eq3A_290 : vector<16xi32>
      %reshape3A_292 = vector.shape_cast %xor3A_70 : vector<16xi32> to vector<16x1xi32>
      %gather3A_293 = vector.shape_cast %reshape3A_292 : vector<16x1xi32> to vector<16xi32>
      %gather3A_294 = tpu.dynamic_gather %parallel_loop3A_172#6[%gather3A_293] in [0] : vector<16xf32>, vector<16xi32> -> vector<16xf32>
      %add3A_295 = arith.addf %parallel_loop3A_172#6, %gather3A_294 : vector<16xf32>
      %reshape3A_296 = vector.shape_cast %xor3A_73 : vector<16xi32> to vector<16x1xi32>
      %gather3A_297 = vector.shape_cast %reshape3A_296 : vector<16x1xi32> to vector<16xi32>
      %gather3A_298 = tpu.dynamic_gather %add3A_295[%gather3A_297] in [0] : vector<16xf32>, vector<16xi32> -> vector<16xf32>
      %add3A_299 = arith.addf %add3A_295, %gather3A_298 : vector<16xf32>
      %reshape3A_300 = vector.shape_cast %xor3A_76 : vector<16xi32> to vector<16x1xi32>
      %gather3A_301 = vector.shape_cast %reshape3A_300 : vector<16x1xi32> to vector<16xi32>
      %gather3A_302 = tpu.dynamic_gather %add3A_299[%gather3A_301] in [0] : vector<16xf32>, vector<16xi32> -> vector<16xf32>
      %add3A_303 = arith.addf %add3A_299, %gather3A_302 : vector<16xf32>
      %reshape3A_304 = vector.shape_cast %xor3A_79 : vector<16xi32> to vector<16x1xi32>
      %gather3A_305 = vector.shape_cast %reshape3A_304 : vector<16x1xi32> to vector<16xi32>
      %gather3A_306 = tpu.dynamic_gather %add3A_303[%gather3A_305] in [0] : vector<16xf32>, vector<16xi32> -> vector<16xf32>
      %add3A_307 = arith.addf %add3A_303, %gather3A_306 : vector<16xf32>
      %select_n3A_308 = arith.select %eq3A_291, %add3A_307, %select_n3A_288 : vector<16xi1>, vector<16xf32>
      %eq3A_309 = arith.constant 7 : i32
      %eq3A_310 = vector.broadcast %eq3A_309 : i32 to vector<16xi32>
      %eq3A_311 = arith.cmpi eq, %iota3A, %eq3A_310 : vector<16xi32>
      %reshape3A_312 = vector.shape_cast %xor3A_70 : vector<16xi32> to vector<16x1xi32>
      %gather3A_313 = vector.shape_cast %reshape3A_312 : vector<16x1xi32> to vector<16xi32>
      %gather3A_314 = tpu.dynamic_gather %parallel_loop3A_172#7[%gather3A_313] in [0] : vector<16xf32>, vector<16xi32> -> vector<16xf32>
      %add3A_315 = arith.addf %parallel_loop3A_172#7, %gather3A_314 : vector<16xf32>
      %reshape3A_316 = vector.shape_cast %xor3A_73 : vector<16xi32> to vector<16x1xi32>
      %gather3A_317 = vector.shape_cast %reshape3A_316 : vector<16x1xi32> to vector<16xi32>
      %gather3A_318 = tpu.dynamic_gather %add3A_315[%gather3A_317] in [0] : vector<16xf32>, vector<16xi32> -> vector<16xf32>
      %add3A_319 = arith.addf %add3A_315, %gather3A_318 : vector<16xf32>
      %reshape3A_320 = vector.shape_cast %xor3A_76 : vector<16xi32> to vector<16x1xi32>
      %gather3A_321 = vector.shape_cast %reshape3A_320 : vector<16x1xi32> to vector<16xi32>
      %gather3A_322 = tpu.dynamic_gather %add3A_319[%gather3A_321] in [0] : vector<16xf32>, vector<16xi32> -> vector<16xf32>
      %add3A_323 = arith.addf %add3A_319, %gather3A_322 : vector<16xf32>
      %reshape3A_324 = vector.shape_cast %xor3A_79 : vector<16xi32> to vector<16x1xi32>
      %gather3A_325 = vector.shape_cast %reshape3A_324 : vector<16x1xi32> to vector<16xi32>
      %gather3A_326 = tpu.dynamic_gather %add3A_323[%gather3A_325] in [0] : vector<16xf32>, vector<16xi32> -> vector<16xf32>
      %add3A_327 = arith.addf %add3A_323, %gather3A_326 : vector<16xf32>
      %select_n3A_328 = arith.select %eq3A_311, %add3A_327, %select_n3A_308 : vector<16xi1>, vector<16xf32>
      %eq3A_329 = arith.constant 8 : i32
      %eq3A_330 = vector.broadcast %eq3A_329 : i32 to vector<16xi32>
      %eq3A_331 = arith.cmpi eq, %iota3A, %eq3A_330 : vector<16xi32>
      %reshape3A_332 = vector.shape_cast %xor3A_70 : vector<16xi32> to vector<16x1xi32>
      %gather3A_333 = vector.shape_cast %reshape3A_332 : vector<16x1xi32> to vector<16xi32>
      %gather3A_334 = tpu.dynamic_gather %parallel_loop3A_172#8[%gather3A_333] in [0] : vector<16xf32>, vector<16xi32> -> vector<16xf32>
      %add3A_335 = arith.addf %parallel_loop3A_172#8, %gather3A_334 : vector<16xf32>
      %reshape3A_336 = vector.shape_cast %xor3A_73 : vector<16xi32> to vector<16x1xi32>
      %gather3A_337 = vector.shape_cast %reshape3A_336 : vector<16x1xi32> to vector<16xi32>
      %gather3A_338 = tpu.dynamic_gather %add3A_335[%gather3A_337] in [0] : vector<16xf32>, vector<16xi32> -> vector<16xf32>
      %add3A_339 = arith.addf %add3A_335, %gather3A_338 : vector<16xf32>
      %reshape3A_340 = vector.shape_cast %xor3A_76 : vector<16xi32> to vector<16x1xi32>
      %gather3A_341 = vector.shape_cast %reshape3A_340 : vector<16x1xi32> to vector<16xi32>
      %gather3A_342 = tpu.dynamic_gather %add3A_339[%gather3A_341] in [0] : vector<16xf32>, vector<16xi32> -> vector<16xf32>
      %add3A_343 = arith.addf %add3A_339, %gather3A_342 : vector<16xf32>
      %reshape3A_344 = vector.shape_cast %xor3A_79 : vector<16xi32> to vector<16x1xi32>
      %gather3A_345 = vector.shape_cast %reshape3A_344 : vector<16x1xi32> to vector<16xi32>
      %gather3A_346 = tpu.dynamic_gather %add3A_343[%gather3A_345] in [0] : vector<16xf32>, vector<16xi32> -> vector<16xf32>
      %add3A_347 = arith.addf %add3A_343, %gather3A_346 : vector<16xf32>
      %select_n3A_348 = arith.select %eq3A_331, %add3A_347, %select_n3A_328 : vector<16xi1>, vector<16xf32>
      %eq3A_349 = arith.constant 9 : i32
      %eq3A_350 = vector.broadcast %eq3A_349 : i32 to vector<16xi32>
      %eq3A_351 = arith.cmpi eq, %iota3A, %eq3A_350 : vector<16xi32>
      %reshape3A_352 = vector.shape_cast %xor3A_70 : vector<16xi32> to vector<16x1xi32>
      %gather3A_353 = vector.shape_cast %reshape3A_352 : vector<16x1xi32> to vector<16xi32>
      %gather3A_354 = tpu.dynamic_gather %parallel_loop3A_172#9[%gather3A_353] in [0] : vector<16xf32>, vector<16xi32> -> vector<16xf32>
      %add3A_355 = arith.addf %parallel_loop3A_172#9, %gather3A_354 : vector<16xf32>
      %reshape3A_356 = vector.shape_cast %xor3A_73 : vector<16xi32> to vector<16x1xi32>
      %gather3A_357 = vector.shape_cast %reshape3A_356 : vector<16x1xi32> to vector<16xi32>
      %gather3A_358 = tpu.dynamic_gather %add3A_355[%gather3A_357] in [0] : vector<16xf32>, vector<16xi32> -> vector<16xf32>
      %add3A_359 = arith.addf %add3A_355, %gather3A_358 : vector<16xf32>
      %reshape3A_360 = vector.shape_cast %xor3A_76 : vector<16xi32> to vector<16x1xi32>
      %gather3A_361 = vector.shape_cast %reshape3A_360 : vector<16x1xi32> to vector<16xi32>
      %gather3A_362 = tpu.dynamic_gather %add3A_359[%gather3A_361] in [0] : vector<16xf32>, vector<16xi32> -> vector<16xf32>
      %add3A_363 = arith.addf %add3A_359, %gather3A_362 : vector<16xf32>
      %reshape3A_364 = vector.shape_cast %xor3A_79 : vector<16xi32> to vector<16x1xi32>
      %gather3A_365 = vector.shape_cast %reshape3A_364 : vector<16x1xi32> to vector<16xi32>
      %gather3A_366 = tpu.dynamic_gather %add3A_363[%gather3A_365] in [0] : vector<16xf32>, vector<16xi32> -> vector<16xf32>
      %add3A_367 = arith.addf %add3A_363, %gather3A_366 : vector<16xf32>
      %select_n3A_368 = arith.select %eq3A_351, %add3A_367, %select_n3A_348 : vector<16xi1>, vector<16xf32>
      %eq3A_369 = arith.constant 10 : i32
      %eq3A_370 = vector.broadcast %eq3A_369 : i32 to vector<16xi32>
      %eq3A_371 = arith.cmpi eq, %iota3A, %eq3A_370 : vector<16xi32>
      %reshape3A_372 = vector.shape_cast %xor3A_70 : vector<16xi32> to vector<16x1xi32>
      %gather3A_373 = vector.shape_cast %reshape3A_372 : vector<16x1xi32> to vector<16xi32>
      %gather3A_374 = tpu.dynamic_gather %parallel_loop3A_172#10[%gather3A_373] in [0] : vector<16xf32>, vector<16xi32> -> vector<16xf32>
      %add3A_375 = arith.addf %parallel_loop3A_172#10, %gather3A_374 : vector<16xf32>
      %reshape3A_376 = vector.shape_cast %xor3A_73 : vector<16xi32> to vector<16x1xi32>
      %gather3A_377 = vector.shape_cast %reshape3A_376 : vector<16x1xi32> to vector<16xi32>
      %gather3A_378 = tpu.dynamic_gather %add3A_375[%gather3A_377] in [0] : vector<16xf32>, vector<16xi32> -> vector<16xf32>
      %add3A_379 = arith.addf %add3A_375, %gather3A_378 : vector<16xf32>
      %reshape3A_380 = vector.shape_cast %xor3A_76 : vector<16xi32> to vector<16x1xi32>
      %gather3A_381 = vector.shape_cast %reshape3A_380 : vector<16x1xi32> to vector<16xi32>
      %gather3A_382 = tpu.dynamic_gather %add3A_379[%gather3A_381] in [0] : vector<16xf32>, vector<16xi32> -> vector<16xf32>
      %add3A_383 = arith.addf %add3A_379, %gather3A_382 : vector<16xf32>
      %reshape3A_384 = vector.shape_cast %xor3A_79 : vector<16xi32> to vector<16x1xi32>
      %gather3A_385 = vector.shape_cast %reshape3A_384 : vector<16x1xi32> to vector<16xi32>
      %gather3A_386 = tpu.dynamic_gather %add3A_383[%gather3A_385] in [0] : vector<16xf32>, vector<16xi32> -> vector<16xf32>
      %add3A_387 = arith.addf %add3A_383, %gather3A_386 : vector<16xf32>
      %select_n3A_388 = arith.select %eq3A_371, %add3A_387, %select_n3A_368 : vector<16xi1>, vector<16xf32>
      %eq3A_389 = arith.constant 11 : i32
      %eq3A_390 = vector.broadcast %eq3A_389 : i32 to vector<16xi32>
      %eq3A_391 = arith.cmpi eq, %iota3A, %eq3A_390 : vector<16xi32>
      %reshape3A_392 = vector.shape_cast %xor3A_70 : vector<16xi32> to vector<16x1xi32>
      %gather3A_393 = vector.shape_cast %reshape3A_392 : vector<16x1xi32> to vector<16xi32>
      %gather3A_394 = tpu.dynamic_gather %parallel_loop3A_172#11[%gather3A_393] in [0] : vector<16xf32>, vector<16xi32> -> vector<16xf32>
      %add3A_395 = arith.addf %parallel_loop3A_172#11, %gather3A_394 : vector<16xf32>
      %reshape3A_396 = vector.shape_cast %xor3A_73 : vector<16xi32> to vector<16x1xi32>
      %gather3A_397 = vector.shape_cast %reshape3A_396 : vector<16x1xi32> to vector<16xi32>
      %gather3A_398 = tpu.dynamic_gather %add3A_395[%gather3A_397] in [0] : vector<16xf32>, vector<16xi32> -> vector<16xf32>
      %add3A_399 = arith.addf %add3A_395, %gather3A_398 : vector<16xf32>
      %reshape3A_400 = vector.shape_cast %xor3A_76 : vector<16xi32> to vector<16x1xi32>
      %gather3A_401 = vector.shape_cast %reshape3A_400 : vector<16x1xi32> to vector<16xi32>
      %gather3A_402 = tpu.dynamic_gather %add3A_399[%gather3A_401] in [0] : vector<16xf32>, vector<16xi32> -> vector<16xf32>
      %add3A_403 = arith.addf %add3A_399, %gather3A_402 : vector<16xf32>
      %reshape3A_404 = vector.shape_cast %xor3A_79 : vector<16xi32> to vector<16x1xi32>
      %gather3A_405 = vector.shape_cast %reshape3A_404 : vector<16x1xi32> to vector<16xi32>
      %gather3A_406 = tpu.dynamic_gather %add3A_403[%gather3A_405] in [0] : vector<16xf32>, vector<16xi32> -> vector<16xf32>
      %add3A_407 = arith.addf %add3A_403, %gather3A_406 : vector<16xf32>
      %select_n3A_408 = arith.select %eq3A_391, %add3A_407, %select_n3A_388 : vector<16xi1>, vector<16xf32>
      %eq3A_409 = arith.constant 12 : i32
      %eq3A_410 = vector.broadcast %eq3A_409 : i32 to vector<16xi32>
      %eq3A_411 = arith.cmpi eq, %iota3A, %eq3A_410 : vector<16xi32>
      %reshape3A_412 = vector.shape_cast %xor3A_70 : vector<16xi32> to vector<16x1xi32>
      %gather3A_413 = vector.shape_cast %reshape3A_412 : vector<16x1xi32> to vector<16xi32>
      %gather3A_414 = tpu.dynamic_gather %parallel_loop3A_172#12[%gather3A_413] in [0] : vector<16xf32>, vector<16xi32> -> vector<16xf32>
      %add3A_415 = arith.addf %parallel_loop3A_172#12, %gather3A_414 : vector<16xf32>
      %reshape3A_416 = vector.shape_cast %xor3A_73 : vector<16xi32> to vector<16x1xi32>
      %gather3A_417 = vector.shape_cast %reshape3A_416 : vector<16x1xi32> to vector<16xi32>
      %gather3A_418 = tpu.dynamic_gather %add3A_415[%gather3A_417] in [0] : vector<16xf32>, vector<16xi32> -> vector<16xf32>
      %add3A_419 = arith.addf %add3A_415, %gather3A_418 : vector<16xf32>
      %reshape3A_420 = vector.shape_cast %xor3A_76 : vector<16xi32> to vector<16x1xi32>
      %gather3A_421 = vector.shape_cast %reshape3A_420 : vector<16x1xi32> to vector<16xi32>
      %gather3A_422 = tpu.dynamic_gather %add3A_419[%gather3A_421] in [0] : vector<16xf32>, vector<16xi32> -> vector<16xf32>
      %add3A_423 = arith.addf %add3A_419, %gather3A_422 : vector<16xf32>
      %reshape3A_424 = vector.shape_cast %xor3A_79 : vector<16xi32> to vector<16x1xi32>
      %gather3A_425 = vector.shape_cast %reshape3A_424 : vector<16x1xi32> to vector<16xi32>
      %gather3A_426 = tpu.dynamic_gather %add3A_423[%gather3A_425] in [0] : vector<16xf32>, vector<16xi32> -> vector<16xf32>
      %add3A_427 = arith.addf %add3A_423, %gather3A_426 : vector<16xf32>
      %select_n3A_428 = arith.select %eq3A_411, %add3A_427, %select_n3A_408 : vector<16xi1>, vector<16xf32>
      %eq3A_429 = arith.constant 13 : i32
      %eq3A_430 = vector.broadcast %eq3A_429 : i32 to vector<16xi32>
      %eq3A_431 = arith.cmpi eq, %iota3A, %eq3A_430 : vector<16xi32>
      %reshape3A_432 = vector.shape_cast %xor3A_70 : vector<16xi32> to vector<16x1xi32>
      %gather3A_433 = vector.shape_cast %reshape3A_432 : vector<16x1xi32> to vector<16xi32>
      %gather3A_434 = tpu.dynamic_gather %parallel_loop3A_172#13[%gather3A_433] in [0] : vector<16xf32>, vector<16xi32> -> vector<16xf32>
      %add3A_435 = arith.addf %parallel_loop3A_172#13, %gather3A_434 : vector<16xf32>
      %reshape3A_436 = vector.shape_cast %xor3A_73 : vector<16xi32> to vector<16x1xi32>
      %gather3A_437 = vector.shape_cast %reshape3A_436 : vector<16x1xi32> to vector<16xi32>
      %gather3A_438 = tpu.dynamic_gather %add3A_435[%gather3A_437] in [0] : vector<16xf32>, vector<16xi32> -> vector<16xf32>
      %add3A_439 = arith.addf %add3A_435, %gather3A_438 : vector<16xf32>
      %reshape3A_440 = vector.shape_cast %xor3A_76 : vector<16xi32> to vector<16x1xi32>
      %gather3A_441 = vector.shape_cast %reshape3A_440 : vector<16x1xi32> to vector<16xi32>
      %gather3A_442 = tpu.dynamic_gather %add3A_439[%gather3A_441] in [0] : vector<16xf32>, vector<16xi32> -> vector<16xf32>
      %add3A_443 = arith.addf %add3A_439, %gather3A_442 : vector<16xf32>
      %reshape3A_444 = vector.shape_cast %xor3A_79 : vector<16xi32> to vector<16x1xi32>
      %gather3A_445 = vector.shape_cast %reshape3A_444 : vector<16x1xi32> to vector<16xi32>
      %gather3A_446 = tpu.dynamic_gather %add3A_443[%gather3A_445] in [0] : vector<16xf32>, vector<16xi32> -> vector<16xf32>
      %add3A_447 = arith.addf %add3A_443, %gather3A_446 : vector<16xf32>
      %select_n3A_448 = arith.select %eq3A_431, %add3A_447, %select_n3A_428 : vector<16xi1>, vector<16xf32>
      %eq3A_449 = arith.constant 14 : i32
      %eq3A_450 = vector.broadcast %eq3A_449 : i32 to vector<16xi32>
      %eq3A_451 = arith.cmpi eq, %iota3A, %eq3A_450 : vector<16xi32>
      %reshape3A_452 = vector.shape_cast %xor3A_70 : vector<16xi32> to vector<16x1xi32>
      %gather3A_453 = vector.shape_cast %reshape3A_452 : vector<16x1xi32> to vector<16xi32>
      %gather3A_454 = tpu.dynamic_gather %parallel_loop3A_172#14[%gather3A_453] in [0] : vector<16xf32>, vector<16xi32> -> vector<16xf32>
      %add3A_455 = arith.addf %parallel_loop3A_172#14, %gather3A_454 : vector<16xf32>
      %reshape3A_456 = vector.shape_cast %xor3A_73 : vector<16xi32> to vector<16x1xi32>
      %gather3A_457 = vector.shape_cast %reshape3A_456 : vector<16x1xi32> to vector<16xi32>
      %gather3A_458 = tpu.dynamic_gather %add3A_455[%gather3A_457] in [0] : vector<16xf32>, vector<16xi32> -> vector<16xf32>
      %add3A_459 = arith.addf %add3A_455, %gather3A_458 : vector<16xf32>
      %reshape3A_460 = vector.shape_cast %xor3A_76 : vector<16xi32> to vector<16x1xi32>
      %gather3A_461 = vector.shape_cast %reshape3A_460 : vector<16x1xi32> to vector<16xi32>
      %gather3A_462 = tpu.dynamic_gather %add3A_459[%gather3A_461] in [0] : vector<16xf32>, vector<16xi32> -> vector<16xf32>
      %add3A_463 = arith.addf %add3A_459, %gather3A_462 : vector<16xf32>
      %reshape3A_464 = vector.shape_cast %xor3A_79 : vector<16xi32> to vector<16x1xi32>
      %gather3A_465 = vector.shape_cast %reshape3A_464 : vector<16x1xi32> to vector<16xi32>
      %gather3A_466 = tpu.dynamic_gather %add3A_463[%gather3A_465] in [0] : vector<16xf32>, vector<16xi32> -> vector<16xf32>
      %add3A_467 = arith.addf %add3A_463, %gather3A_466 : vector<16xf32>
      %select_n3A_468 = arith.select %eq3A_451, %add3A_467, %select_n3A_448 : vector<16xi1>, vector<16xf32>
      %eq3A_469 = arith.constant 15 : i32
      %eq3A_470 = vector.broadcast %eq3A_469 : i32 to vector<16xi32>
      %eq3A_471 = arith.cmpi eq, %iota3A, %eq3A_470 : vector<16xi32>
      %reshape3A_472 = vector.shape_cast %xor3A_70 : vector<16xi32> to vector<16x1xi32>
      %gather3A_473 = vector.shape_cast %reshape3A_472 : vector<16x1xi32> to vector<16xi32>
      %gather3A_474 = tpu.dynamic_gather %parallel_loop3A_172#15[%gather3A_473] in [0] : vector<16xf32>, vector<16xi32> -> vector<16xf32>
      %add3A_475 = arith.addf %parallel_loop3A_172#15, %gather3A_474 : vector<16xf32>
      %reshape3A_476 = vector.shape_cast %xor3A_73 : vector<16xi32> to vector<16x1xi32>
      %gather3A_477 = vector.shape_cast %reshape3A_476 : vector<16x1xi32> to vector<16xi32>
      %gather3A_478 = tpu.dynamic_gather %add3A_475[%gather3A_477] in [0] : vector<16xf32>, vector<16xi32> -> vector<16xf32>
      %add3A_479 = arith.addf %add3A_475, %gather3A_478 : vector<16xf32>
      %reshape3A_480 = vector.shape_cast %xor3A_76 : vector<16xi32> to vector<16x1xi32>
      %gather3A_481 = vector.shape_cast %reshape3A_480 : vector<16x1xi32> to vector<16xi32>
      %gather3A_482 = tpu.dynamic_gather %add3A_479[%gather3A_481] in [0] : vector<16xf32>, vector<16xi32> -> vector<16xf32>
      %add3A_483 = arith.addf %add3A_479, %gather3A_482 : vector<16xf32>
      %reshape3A_484 = vector.shape_cast %xor3A_79 : vector<16xi32> to vector<16x1xi32>
      %gather3A_485 = vector.shape_cast %reshape3A_484 : vector<16x1xi32> to vector<16xi32>
      %gather3A_486 = tpu.dynamic_gather %add3A_483[%gather3A_485] in [0] : vector<16xf32>, vector<16xi32> -> vector<16xf32>
      %add3A_487 = arith.addf %add3A_483, %gather3A_486 : vector<16xf32>
      %select_n3A_488 = arith.select %eq3A_471, %add3A_487, %select_n3A_468 : vector<16xi1>, vector<16xf32>
      %add3A_489 = arith.constant 64 : i32
      %add3A_490 = arith.addi %add3A_489, %mul3A_169 : i32
      %get3A_491 = arith.index_cast %add3A_490 : i32 to index
      %get3A_492 = tpu.vector_load %arg10[%get3A_491] {strides = array<i32>} : memref<256xi32, #tpu.memory_space<vmem>>, vector<16xi32>,
      %get3A_493 = vector.shape_cast %get3A_492 : vector<16xi32> to vector<16xi32>
      %eq3A_494 = arith.constant 0 : i32
      %eq3A_495 = vector.broadcast %eq3A_494 : i32 to vector<16xi32>
      %eq3A_496 = arith.cmpi eq, %get3A_493, %eq3A_495 : vector<16xi32>
      %jit3A_497 = arith.constant 1.000000e+00 : f32
      %jit3A_498 = arith.constant 0.000000e+00 : f32
      %broadcast_in_dim3A_499 = vector.broadcast %jit3A_497 : f32 to vector<16xf32>
      %broadcast_in_dim3A_500 = vector.broadcast %jit3A_498 : f32 to vector<16xf32>
      %select_n3A_501 = arith.select %eq3A_496, %broadcast_in_dim3A_499, %broadcast_in_dim3A_500 : vector<16xi1>, vector<16xf32>
      %mul3A_502 = arith.mulf %select_n3A_488, %select_n3A_501 : vector<16xf32>
      %add3A_503 = arith.addf %mul3A_502, %gather3A_85 : vector<16xf32>
      %swap3A = arith.index_cast %add3A_490 : i32 to index
      %swap3A_504 = tpu.vector_load %arg12[%swap3A] {strides = array<i32>} : memref<256xf32, #tpu.memory_space<vmem>>, vector<16xf32>,
      %swap3A_505 = vector.shape_cast %swap3A_504 : vector<16xf32> to vector<16xf32>
      %swap3A_506 = vector.shape_cast %add3A_503 : vector<16xf32> to vector<16xf32>
      tpu.vector_store %arg12[%swap3A], %swap3A_506 {strides = array<i32>} : memref<256xf32, #tpu.memory_space<vmem>>, vector<16xf32>,
    }
    %scan3A_128 = arith.constant 4 : i32
    %add3A_129 = arith.constant 192 : i32
    %add3A_130 = arith.addi %select_n3A_34, %add3A_129 : i32
    %dma_start3A_131 = arith.constant 0 : i32
    %dma_start3A_132 = tpu.memref_slice %arg2[%select_n3A, %add3A_130, %dma_start3A_131] : memref<8x2048x768xf32, #tpu.memory_space<hbm>> -> memref<1x64x768xf32, #tpu.memory_space<hbm>>
    %dma_start3A_133 = tpu.memref_squeeze %dma_start3A_132 : memref<1x64x768xf32, #tpu.memory_space<hbm>> -> memref<64x768xf32, #tpu.memory_space<hbm>>
    %dma_start3A_134 = arith.constant 0 : i32
    %dma_start3A_135 = tpu.memref_slice %arg2[%select_n3A, %add3A_130, %dma_start3A_134] : memref<8x2048x768xf32, #tpu.memory_space<hbm>> -> memref<1x64x768xf32, #tpu.memory_space<hbm>>
    %dma_start3A_136 = tpu.memref_squeeze %dma_start3A_135 : memref<1x64x768xf32, #tpu.memory_space<hbm>> -> memref<64x768xf32, #tpu.memory_space<hbm>>
    tpu.enqueue_dma source(%dma_start3A_136 : memref<64x768xf32, #tpu.memory_space<hbm>>) target(%arg8 : memref<64x768xf32, #tpu.memory_space<vmem>>) target_semaphore(%arg14 : memref<!tpu.dma_semaphore, #tpu.memory_space<semaphore_mem>>)
    %add3A_137 = arith.constant 128 : i32
    %add3A_138 = arith.addi %select_n3A_34, %add3A_137 : i32
    %dma_wait3A_139 = arith.constant 0 : i32
    %dma_wait3A_140 = tpu.memref_slice %arg2[%select_n3A, %add3A_138, %dma_wait3A_139] : memref<8x2048x768xf32, #tpu.memory_space<hbm>> -> memref<1x64x768xf32, #tpu.memory_space<hbm>>
    %dma_wait3A_141 = tpu.memref_squeeze %dma_wait3A_140 : memref<1x64x768xf32, #tpu.memory_space<hbm>> -> memref<64x768xf32, #tpu.memory_space<hbm>>
    %dma_wait3A_142 = arith.constant 0 : i32
    %dma_wait3A_143 = tpu.memref_slice %arg2[%select_n3A, %add3A_138, %dma_wait3A_142] : memref<8x2048x768xf32, #tpu.memory_space<hbm>> -> memref<1x64x768xf32, #tpu.memory_space<hbm>>
    %dma_wait3A_144 = tpu.memref_squeeze %dma_wait3A_143 : memref<1x64x768xf32, #tpu.memory_space<hbm>> -> memref<64x768xf32, #tpu.memory_space<hbm>>
    tpu.wait_dma2 semaphore(%arg13 : memref<!tpu.dma_semaphore, #tpu.memory_space<semaphore_mem>>) src(%dma_wait3A_144 : memref<64x768xf32, #tpu.memory_space<hbm>>) dst(%arg7 : memref<64x768xf32, #tpu.memory_space<vmem>>)
    %scan3A_145 = arith.constant 0 : i32
    %scan3A_146 = arith.constant 0 : i32
    %scan3A_147 = arith.constant 4 : i32
    %scan3A_148 = arith.addi %scan3A_146, %scan3A_147 : i32
    %scan3A_149 = arith.constant 1 : i32
    scf.for %scan3A_167 = %scan3A_146 to %scan3A_148 step %scan3A_149  : i32 {
      %mul3A_168 = arith.constant 16 : i32
      %mul3A_169 = arith.muli %scan3A_167, %mul3A_168 : i32
      %parallel_loop3A = arith.constant 0 : i32
      %parallel_loop3A_170 = arith.constant 48 : i32
      %parallel_loop3A_171 = arith.constant 1 : i32
      %parallel_loop3A_172:16 = scf.for %parallel_loop3A_507 = %parallel_loop3A to %parallel_loop3A_170 step %parallel_loop3A_171 iter_args(%parallel_loop3A_508 = %broadcast_in_dim3A_80, %parallel_loop3A_509 = %broadcast_in_dim3A_80, %parallel_loop3A_510 = %broadcast_in_dim3A_80, %parallel_loop3A_511 = %broadcast_in_dim3A_80, %parallel_loop3A_512 = %broadcast_in_dim3A_80, %parallel_loop3A_513 = %broadcast_in_dim3A_80, %parallel_loop3A_514 = %broadcast_in_dim3A_80, %parallel_loop3A_515 = %broadcast_in_dim3A_80, %parallel_loop3A_516 = %broadcast_in_dim3A_80, %parallel_loop3A_517 = %broadcast_in_dim3A_80, %parallel_loop3A_518 = %broadcast_in_dim3A_80, %parallel_loop3A_519 = %broadcast_in_dim3A_80, %parallel_loop3A_520 = %broadcast_in_dim3A_80, %parallel_loop3A_521 = %broadcast_in_dim3A_80, %parallel_loop3A_522 = %broadcast_in_dim3A_80, %parallel_loop3A_523 = %broadcast_in_dim3A_80) -> (vector<16xf32>, vector<16xf32>, vector<16xf32>, vector<16xf32>, vector<16xf32>, vector<16xf32>, vector<16xf32>, vector<16xf32>, vector<16xf32>, vector<16xf32>, vector<16xf32>, vector<16xf32>, vector<16xf32>, vector<16xf32>, vector<16xf32>, vector<16xf32>)  : i32 {
        %parallel_loop3A_524 = arith.constant 16 : i32
        %parallel_loop3A_525 = arith.muli %parallel_loop3A_507, %parallel_loop3A_524 : i32
        %parallel_loop3A_526 = arith.index_cast %parallel_loop3A_525 : i32 to index
        %parallel_loop3A_527 = tpu.vector_load %arg9[%parallel_loop3A_526] {strides = array<i32>} : memref<768xf32, #tpu.memory_space<vmem>>, vector<16xf32>,
        %parallel_loop3A_528 = vector.shape_cast %parallel_loop3A_527 : vector<16xf32> to vector<16xf32>
        %parallel_loop3A_529 = arith.constant 0 : i32
        %parallel_loop3A_530 = arith.addi %mul3A_169, %parallel_loop3A_529 : i32
        %parallel_loop3A_531 = arith.index_cast %parallel_loop3A_530 : i32 to index
        %parallel_loop3A_532 = arith.index_cast %parallel_loop3A_525 : i32 to index
        %parallel_loop3A_533 = tpu.vector_load %arg7[%parallel_loop3A_531, %parallel_loop3A_532] {strides = array<i32>} : memref<64x768xf32, #tpu.memory_space<vmem>>, vector<1x16xf32>,
        %parallel_loop3A_534 = vector.shape_cast %parallel_loop3A_533 : vector<1x16xf32> to vector<16xf32>
        %parallel_loop3A_535 = arith.mulf %parallel_loop3A_534, %parallel_loop3A_528 : vector<16xf32>
        %parallel_loop3A_536 = arith.addf %parallel_loop3A_508, %parallel_loop3A_535 : vector<16xf32>
        %parallel_loop3A_537 = arith.constant 1 : i32
        %parallel_loop3A_538 = arith.addi %mul3A_169, %parallel_loop3A_537 : i32
        %parallel_loop3A_539 = arith.index_cast %parallel_loop3A_538 : i32 to index
        %parallel_loop3A_540 = arith.index_cast %parallel_loop3A_525 : i32 to index
        %parallel_loop3A_541 = tpu.vector_load %arg7[%parallel_loop3A_539, %parallel_loop3A_540] {strides = array<i32>} : memref<64x768xf32, #tpu.memory_space<vmem>>, vector<1x16xf32>,
        %parallel_loop3A_542 = vector.shape_cast %parallel_loop3A_541 : vector<1x16xf32> to vector<16xf32>
        %parallel_loop3A_543 = arith.mulf %parallel_loop3A_542, %parallel_loop3A_528 : vector<16xf32>
        %parallel_loop3A_544 = arith.addf %parallel_loop3A_509, %parallel_loop3A_543 : vector<16xf32>
        %parallel_loop3A_545 = arith.constant 2 : i32
        %parallel_loop3A_546 = arith.addi %mul3A_169, %parallel_loop3A_545 : i32
        %parallel_loop3A_547 = arith.index_cast %parallel_loop3A_546 : i32 to index
        %parallel_loop3A_548 = arith.index_cast %parallel_loop3A_525 : i32 to index
        %parallel_loop3A_549 = tpu.vector_load %arg7[%parallel_loop3A_547, %parallel_loop3A_548] {strides = array<i32>} : memref<64x768xf32, #tpu.memory_space<vmem>>, vector<1x16xf32>,
        %parallel_loop3A_550 = vector.shape_cast %parallel_loop3A_549 : vector<1x16xf32> to vector<16xf32>
        %parallel_loop3A_551 = arith.mulf %parallel_loop3A_550, %parallel_loop3A_528 : vector<16xf32>
        %parallel_loop3A_552 = arith.addf %parallel_loop3A_510, %parallel_loop3A_551 : vector<16xf32>
        %parallel_loop3A_553 = arith.constant 3 : i32
        %parallel_loop3A_554 = arith.addi %mul3A_169, %parallel_loop3A_553 : i32
        %parallel_loop3A_555 = arith.index_cast %parallel_loop3A_554 : i32 to index
        %parallel_loop3A_556 = arith.index_cast %parallel_loop3A_525 : i32 to index
        %parallel_loop3A_557 = tpu.vector_load %arg7[%parallel_loop3A_555, %parallel_loop3A_556] {strides = array<i32>} : memref<64x768xf32, #tpu.memory_space<vmem>>, vector<1x16xf32>,
        %parallel_loop3A_558 = vector.shape_cast %parallel_loop3A_557 : vector<1x16xf32> to vector<16xf32>
        %parallel_loop3A_559 = arith.mulf %parallel_loop3A_558, %parallel_loop3A_528 : vector<16xf32>
        %parallel_loop3A_560 = arith.addf %parallel_loop3A_511, %parallel_loop3A_559 : vector<16xf32>
        %parallel_loop3A_561 = arith.constant 4 : i32
        %parallel_loop3A_562 = arith.addi %mul3A_169, %parallel_loop3A_561 : i32
        %parallel_loop3A_563 = arith.index_cast %parallel_loop3A_562 : i32 to index
        %parallel_loop3A_564 = arith.index_cast %parallel_loop3A_525 : i32 to index
        %parallel_loop3A_565 = tpu.vector_load %arg7[%parallel_loop3A_563, %parallel_loop3A_564] {strides = array<i32>} : memref<64x768xf32, #tpu.memory_space<vmem>>, vector<1x16xf32>,
        %parallel_loop3A_566 = vector.shape_cast %parallel_loop3A_565 : vector<1x16xf32> to vector<16xf32>
        %parallel_loop3A_567 = arith.mulf %parallel_loop3A_566, %parallel_loop3A_528 : vector<16xf32>
        %parallel_loop3A_568 = arith.addf %parallel_loop3A_512, %parallel_loop3A_567 : vector<16xf32>
        %parallel_loop3A_569 = arith.constant 5 : i32
        %parallel_loop3A_570 = arith.addi %mul3A_169, %parallel_loop3A_569 : i32
        %parallel_loop3A_571 = arith.index_cast %parallel_loop3A_570 : i32 to index
        %parallel_loop3A_572 = arith.index_cast %parallel_loop3A_525 : i32 to index
        %parallel_loop3A_573 = tpu.vector_load %arg7[%parallel_loop3A_571, %parallel_loop3A_572] {strides = array<i32>} : memref<64x768xf32, #tpu.memory_space<vmem>>, vector<1x16xf32>,
        %parallel_loop3A_574 = vector.shape_cast %parallel_loop3A_573 : vector<1x16xf32> to vector<16xf32>
        %parallel_loop3A_575 = arith.mulf %parallel_loop3A_574, %parallel_loop3A_528 : vector<16xf32>
        %parallel_loop3A_576 = arith.addf %parallel_loop3A_513, %parallel_loop3A_575 : vector<16xf32>
        %parallel_loop3A_577 = arith.constant 6 : i32
        %parallel_loop3A_578 = arith.addi %mul3A_169, %parallel_loop3A_577 : i32
        %parallel_loop3A_579 = arith.index_cast %parallel_loop3A_578 : i32 to index
        %parallel_loop3A_580 = arith.index_cast %parallel_loop3A_525 : i32 to index
        %parallel_loop3A_581 = tpu.vector_load %arg7[%parallel_loop3A_579, %parallel_loop3A_580] {strides = array<i32>} : memref<64x768xf32, #tpu.memory_space<vmem>>, vector<1x16xf32>,
        %parallel_loop3A_582 = vector.shape_cast %parallel_loop3A_581 : vector<1x16xf32> to vector<16xf32>
        %parallel_loop3A_583 = arith.mulf %parallel_loop3A_582, %parallel_loop3A_528 : vector<16xf32>
        %parallel_loop3A_584 = arith.addf %parallel_loop3A_514, %parallel_loop3A_583 : vector<16xf32>
        %parallel_loop3A_585 = arith.constant 7 : i32
        %parallel_loop3A_586 = arith.addi %mul3A_169, %parallel_loop3A_585 : i32
        %parallel_loop3A_587 = arith.index_cast %parallel_loop3A_586 : i32 to index
        %parallel_loop3A_588 = arith.index_cast %parallel_loop3A_525 : i32 to index
        %parallel_loop3A_589 = tpu.vector_load %arg7[%parallel_loop3A_587, %parallel_loop3A_588] {strides = array<i32>} : memref<64x768xf32, #tpu.memory_space<vmem>>, vector<1x16xf32>,
        %parallel_loop3A_590 = vector.shape_cast %parallel_loop3A_589 : vector<1x16xf32> to vector<16xf32>
        %parallel_loop3A_591 = arith.mulf %parallel_loop3A_590, %parallel_loop3A_528 : vector<16xf32>
        %parallel_loop3A_592 = arith.addf %parallel_loop3A_515, %parallel_loop3A_591 : vector<16xf32>
        %parallel_loop3A_593 = arith.constant 8 : i32
        %parallel_loop3A_594 = arith.addi %mul3A_169, %parallel_loop3A_593 : i32
        %parallel_loop3A_595 = arith.index_cast %parallel_loop3A_594 : i32 to index
        %parallel_loop3A_596 = arith.index_cast %parallel_loop3A_525 : i32 to index
        %parallel_loop3A_597 = tpu.vector_load %arg7[%parallel_loop3A_595, %parallel_loop3A_596] {strides = array<i32>} : memref<64x768xf32, #tpu.memory_space<vmem>>, vector<1x16xf32>,
        %parallel_loop3A_598 = vector.shape_cast %parallel_loop3A_597 : vector<1x16xf32> to vector<16xf32>
        %parallel_loop3A_599 = arith.mulf %parallel_loop3A_598, %parallel_loop3A_528 : vector<16xf32>
        %parallel_loop3A_600 = arith.addf %parallel_loop3A_516, %parallel_loop3A_599 : vector<16xf32>
        %parallel_loop3A_601 = arith.constant 9 : i32
        %parallel_loop3A_602 = arith.addi %mul3A_169, %parallel_loop3A_601 : i32
        %parallel_loop3A_603 = arith.index_cast %parallel_loop3A_602 : i32 to index
        %parallel_loop3A_604 = arith.index_cast %parallel_loop3A_525 : i32 to index
        %parallel_loop3A_605 = tpu.vector_load %arg7[%parallel_loop3A_603, %parallel_loop3A_604] {strides = array<i32>} : memref<64x768xf32, #tpu.memory_space<vmem>>, vector<1x16xf32>,
        %parallel_loop3A_606 = vector.shape_cast %parallel_loop3A_605 : vector<1x16xf32> to vector<16xf32>
        %parallel_loop3A_607 = arith.mulf %parallel_loop3A_606, %parallel_loop3A_528 : vector<16xf32>
        %parallel_loop3A_608 = arith.addf %parallel_loop3A_517, %parallel_loop3A_607 : vector<16xf32>
        %parallel_loop3A_609 = arith.constant 10 : i32
        %parallel_loop3A_610 = arith.addi %mul3A_169, %parallel_loop3A_609 : i32
        %parallel_loop3A_611 = arith.index_cast %parallel_loop3A_610 : i32 to index
        %parallel_loop3A_612 = arith.index_cast %parallel_loop3A_525 : i32 to index
        %parallel_loop3A_613 = tpu.vector_load %arg7[%parallel_loop3A_611, %parallel_loop3A_612] {strides = array<i32>} : memref<64x768xf32, #tpu.memory_space<vmem>>, vector<1x16xf32>,
        %parallel_loop3A_614 = vector.shape_cast %parallel_loop3A_613 : vector<1x16xf32> to vector<16xf32>
        %parallel_loop3A_615 = arith.mulf %parallel_loop3A_614, %parallel_loop3A_528 : vector<16xf32>
        %parallel_loop3A_616 = arith.addf %parallel_loop3A_518, %parallel_loop3A_615 : vector<16xf32>
        %parallel_loop3A_617 = arith.constant 11 : i32
        %parallel_loop3A_618 = arith.addi %mul3A_169, %parallel_loop3A_617 : i32
        %parallel_loop3A_619 = arith.index_cast %parallel_loop3A_618 : i32 to index
        %parallel_loop3A_620 = arith.index_cast %parallel_loop3A_525 : i32 to index
        %parallel_loop3A_621 = tpu.vector_load %arg7[%parallel_loop3A_619, %parallel_loop3A_620] {strides = array<i32>} : memref<64x768xf32, #tpu.memory_space<vmem>>, vector<1x16xf32>,
        %parallel_loop3A_622 = vector.shape_cast %parallel_loop3A_621 : vector<1x16xf32> to vector<16xf32>
        %parallel_loop3A_623 = arith.mulf %parallel_loop3A_622, %parallel_loop3A_528 : vector<16xf32>
        %parallel_loop3A_624 = arith.addf %parallel_loop3A_519, %parallel_loop3A_623 : vector<16xf32>
        %parallel_loop3A_625 = arith.constant 12 : i32
        %parallel_loop3A_626 = arith.addi %mul3A_169, %parallel_loop3A_625 : i32
        %parallel_loop3A_627 = arith.index_cast %parallel_loop3A_626 : i32 to index
        %parallel_loop3A_628 = arith.index_cast %parallel_loop3A_525 : i32 to index
        %parallel_loop3A_629 = tpu.vector_load %arg7[%parallel_loop3A_627, %parallel_loop3A_628] {strides = array<i32>} : memref<64x768xf32, #tpu.memory_space<vmem>>, vector<1x16xf32>,
        %parallel_loop3A_630 = vector.shape_cast %parallel_loop3A_629 : vector<1x16xf32> to vector<16xf32>
        %parallel_loop3A_631 = arith.mulf %parallel_loop3A_630, %parallel_loop3A_528 : vector<16xf32>
        %parallel_loop3A_632 = arith.addf %parallel_loop3A_520, %parallel_loop3A_631 : vector<16xf32>
        %parallel_loop3A_633 = arith.constant 13 : i32
        %parallel_loop3A_634 = arith.addi %mul3A_169, %parallel_loop3A_633 : i32
        %parallel_loop3A_635 = arith.index_cast %parallel_loop3A_634 : i32 to index
        %parallel_loop3A_636 = arith.index_cast %parallel_loop3A_525 : i32 to index
        %parallel_loop3A_637 = tpu.vector_load %arg7[%parallel_loop3A_635, %parallel_loop3A_636] {strides = array<i32>} : memref<64x768xf32, #tpu.memory_space<vmem>>, vector<1x16xf32>,
        %parallel_loop3A_638 = vector.shape_cast %parallel_loop3A_637 : vector<1x16xf32> to vector<16xf32>
        %parallel_loop3A_639 = arith.mulf %parallel_loop3A_638, %parallel_loop3A_528 : vector<16xf32>
        %parallel_loop3A_640 = arith.addf %parallel_loop3A_521, %parallel_loop3A_639 : vector<16xf32>
        %parallel_loop3A_641 = arith.constant 14 : i32
        %parallel_loop3A_642 = arith.addi %mul3A_169, %parallel_loop3A_641 : i32
        %parallel_loop3A_643 = arith.index_cast %parallel_loop3A_642 : i32 to index
        %parallel_loop3A_644 = arith.index_cast %parallel_loop3A_525 : i32 to index
        %parallel_loop3A_645 = tpu.vector_load %arg7[%parallel_loop3A_643, %parallel_loop3A_644] {strides = array<i32>} : memref<64x768xf32, #tpu.memory_space<vmem>>, vector<1x16xf32>,
        %parallel_loop3A_646 = vector.shape_cast %parallel_loop3A_645 : vector<1x16xf32> to vector<16xf32>
        %parallel_loop3A_647 = arith.mulf %parallel_loop3A_646, %parallel_loop3A_528 : vector<16xf32>
        %parallel_loop3A_648 = arith.addf %parallel_loop3A_522, %parallel_loop3A_647 : vector<16xf32>
        %parallel_loop3A_649 = arith.constant 15 : i32
        %parallel_loop3A_650 = arith.addi %mul3A_169, %parallel_loop3A_649 : i32
        %parallel_loop3A_651 = arith.index_cast %parallel_loop3A_650 : i32 to index
        %parallel_loop3A_652 = arith.index_cast %parallel_loop3A_525 : i32 to index
        %parallel_loop3A_653 = tpu.vector_load %arg7[%parallel_loop3A_651, %parallel_loop3A_652] {strides = array<i32>} : memref<64x768xf32, #tpu.memory_space<vmem>>, vector<1x16xf32>,
        %parallel_loop3A_654 = vector.shape_cast %parallel_loop3A_653 : vector<1x16xf32> to vector<16xf32>
        %parallel_loop3A_655 = arith.mulf %parallel_loop3A_654, %parallel_loop3A_528 : vector<16xf32>
        %parallel_loop3A_656 = arith.addf %parallel_loop3A_523, %parallel_loop3A_655 : vector<16xf32>
        scf.yield %parallel_loop3A_536, %parallel_loop3A_544, %parallel_loop3A_552, %parallel_loop3A_560, %parallel_loop3A_568, %parallel_loop3A_576, %parallel_loop3A_584, %parallel_loop3A_592, %parallel_loop3A_600, %parallel_loop3A_608, %parallel_loop3A_616, %parallel_loop3A_624, %parallel_loop3A_632, %parallel_loop3A_640, %parallel_loop3A_648, %parallel_loop3A_656 : vector<16xf32>, vector<16xf32>, vector<16xf32>, vector<16xf32>, vector<16xf32>, vector<16xf32>, vector<16xf32>, vector<16xf32>, vector<16xf32>, vector<16xf32>, vector<16xf32>, vector<16xf32>, vector<16xf32>, vector<16xf32>, vector<16xf32>, vector<16xf32>
      } {sc.loop_unroll_factor = 2 : i64, sc.parallel_access}
      %reshape3A_173 = vector.shape_cast %xor3A_70 : vector<16xi32> to vector<16x1xi32>
      %gather3A_174 = vector.shape_cast %reshape3A_173 : vector<16x1xi32> to vector<16xi32>
      %gather3A_175 = tpu.dynamic_gather %parallel_loop3A_172#0[%gather3A_174] in [0] : vector<16xf32>, vector<16xi32> -> vector<16xf32>
      %add3A_176 = arith.addf %parallel_loop3A_172#0, %gather3A_175 : vector<16xf32>
      %reshape3A_177 = vector.shape_cast %xor3A_73 : vector<16xi32> to vector<16x1xi32>
      %gather3A_178 = vector.shape_cast %reshape3A_177 : vector<16x1xi32> to vector<16xi32>
      %gather3A_179 = tpu.dynamic_gather %add3A_176[%gather3A_178] in [0] : vector<16xf32>, vector<16xi32> -> vector<16xf32>
      %add3A_180 = arith.addf %add3A_176, %gather3A_179 : vector<16xf32>
      %reshape3A_181 = vector.shape_cast %xor3A_76 : vector<16xi32> to vector<16x1xi32>
      %gather3A_182 = vector.shape_cast %reshape3A_181 : vector<16x1xi32> to vector<16xi32>
      %gather3A_183 = tpu.dynamic_gather %add3A_180[%gather3A_182] in [0] : vector<16xf32>, vector<16xi32> -> vector<16xf32>
      %add3A_184 = arith.addf %add3A_180, %gather3A_183 : vector<16xf32>
      %reshape3A_185 = vector.shape_cast %xor3A_79 : vector<16xi32> to vector<16x1xi32>
      %gather3A_186 = vector.shape_cast %reshape3A_185 : vector<16x1xi32> to vector<16xi32>
      %gather3A_187 = tpu.dynamic_gather %add3A_184[%gather3A_186] in [0] : vector<16xf32>, vector<16xi32> -> vector<16xf32>
      %add3A_188 = arith.addf %add3A_184, %gather3A_187 : vector<16xf32>
      %eq3A_189 = arith.constant 1 : i32
      %eq3A_190 = vector.broadcast %eq3A_189 : i32 to vector<16xi32>
      %eq3A_191 = arith.cmpi eq, %iota3A, %eq3A_190 : vector<16xi32>
      %reshape3A_192 = vector.shape_cast %xor3A_70 : vector<16xi32> to vector<16x1xi32>
      %gather3A_193 = vector.shape_cast %reshape3A_192 : vector<16x1xi32> to vector<16xi32>
      %gather3A_194 = tpu.dynamic_gather %parallel_loop3A_172#1[%gather3A_193] in [0] : vector<16xf32>, vector<16xi32> -> vector<16xf32>
      %add3A_195 = arith.addf %parallel_loop3A_172#1, %gather3A_194 : vector<16xf32>
      %reshape3A_196 = vector.shape_cast %xor3A_73 : vector<16xi32> to vector<16x1xi32>
      %gather3A_197 = vector.shape_cast %reshape3A_196 : vector<16x1xi32> to vector<16xi32>
      %gather3A_198 = tpu.dynamic_gather %add3A_195[%gather3A_197] in [0] : vector<16xf32>, vector<16xi32> -> vector<16xf32>
      %add3A_199 = arith.addf %add3A_195, %gather3A_198 : vector<16xf32>
      %reshape3A_200 = vector.shape_cast %xor3A_76 : vector<16xi32> to vector<16x1xi32>
      %gather3A_201 = vector.shape_cast %reshape3A_200 : vector<16x1xi32> to vector<16xi32>
      %gather3A_202 = tpu.dynamic_gather %add3A_199[%gather3A_201] in [0] : vector<16xf32>, vector<16xi32> -> vector<16xf32>
      %add3A_203 = arith.addf %add3A_199, %gather3A_202 : vector<16xf32>
      %reshape3A_204 = vector.shape_cast %xor3A_79 : vector<16xi32> to vector<16x1xi32>
      %gather3A_205 = vector.shape_cast %reshape3A_204 : vector<16x1xi32> to vector<16xi32>
      %gather3A_206 = tpu.dynamic_gather %add3A_203[%gather3A_205] in [0] : vector<16xf32>, vector<16xi32> -> vector<16xf32>
      %add3A_207 = arith.addf %add3A_203, %gather3A_206 : vector<16xf32>
      %select_n3A_208 = arith.select %eq3A_191, %add3A_207, %add3A_188 : vector<16xi1>, vector<16xf32>
      %eq3A_209 = arith.constant 2 : i32
      %eq3A_210 = vector.broadcast %eq3A_209 : i32 to vector<16xi32>
      %eq3A_211 = arith.cmpi eq, %iota3A, %eq3A_210 : vector<16xi32>
      %reshape3A_212 = vector.shape_cast %xor3A_70 : vector<16xi32> to vector<16x1xi32>
      %gather3A_213 = vector.shape_cast %reshape3A_212 : vector<16x1xi32> to vector<16xi32>
      %gather3A_214 = tpu.dynamic_gather %parallel_loop3A_172#2[%gather3A_213] in [0] : vector<16xf32>, vector<16xi32> -> vector<16xf32>
      %add3A_215 = arith.addf %parallel_loop3A_172#2, %gather3A_214 : vector<16xf32>
      %reshape3A_216 = vector.shape_cast %xor3A_73 : vector<16xi32> to vector<16x1xi32>
      %gather3A_217 = vector.shape_cast %reshape3A_216 : vector<16x1xi32> to vector<16xi32>
      %gather3A_218 = tpu.dynamic_gather %add3A_215[%gather3A_217] in [0] : vector<16xf32>, vector<16xi32> -> vector<16xf32>
      %add3A_219 = arith.addf %add3A_215, %gather3A_218 : vector<16xf32>
      %reshape3A_220 = vector.shape_cast %xor3A_76 : vector<16xi32> to vector<16x1xi32>
      %gather3A_221 = vector.shape_cast %reshape3A_220 : vector<16x1xi32> to vector<16xi32>
      %gather3A_222 = tpu.dynamic_gather %add3A_219[%gather3A_221] in [0] : vector<16xf32>, vector<16xi32> -> vector<16xf32>
      %add3A_223 = arith.addf %add3A_219, %gather3A_222 : vector<16xf32>
      %reshape3A_224 = vector.shape_cast %xor3A_79 : vector<16xi32> to vector<16x1xi32>
      %gather3A_225 = vector.shape_cast %reshape3A_224 : vector<16x1xi32> to vector<16xi32>
      %gather3A_226 = tpu.dynamic_gather %add3A_223[%gather3A_225] in [0] : vector<16xf32>, vector<16xi32> -> vector<16xf32>
      %add3A_227 = arith.addf %add3A_223, %gather3A_226 : vector<16xf32>
      %select_n3A_228 = arith.select %eq3A_211, %add3A_227, %select_n3A_208 : vector<16xi1>, vector<16xf32>
      %eq3A_229 = arith.constant 3 : i32
      %eq3A_230 = vector.broadcast %eq3A_229 : i32 to vector<16xi32>
      %eq3A_231 = arith.cmpi eq, %iota3A, %eq3A_230 : vector<16xi32>
      %reshape3A_232 = vector.shape_cast %xor3A_70 : vector<16xi32> to vector<16x1xi32>
      %gather3A_233 = vector.shape_cast %reshape3A_232 : vector<16x1xi32> to vector<16xi32>
      %gather3A_234 = tpu.dynamic_gather %parallel_loop3A_172#3[%gather3A_233] in [0] : vector<16xf32>, vector<16xi32> -> vector<16xf32>
      %add3A_235 = arith.addf %parallel_loop3A_172#3, %gather3A_234 : vector<16xf32>
      %reshape3A_236 = vector.shape_cast %xor3A_73 : vector<16xi32> to vector<16x1xi32>
      %gather3A_237 = vector.shape_cast %reshape3A_236 : vector<16x1xi32> to vector<16xi32>
      %gather3A_238 = tpu.dynamic_gather %add3A_235[%gather3A_237] in [0] : vector<16xf32>, vector<16xi32> -> vector<16xf32>
      %add3A_239 = arith.addf %add3A_235, %gather3A_238 : vector<16xf32>
      %reshape3A_240 = vector.shape_cast %xor3A_76 : vector<16xi32> to vector<16x1xi32>
      %gather3A_241 = vector.shape_cast %reshape3A_240 : vector<16x1xi32> to vector<16xi32>
      %gather3A_242 = tpu.dynamic_gather %add3A_239[%gather3A_241] in [0] : vector<16xf32>, vector<16xi32> -> vector<16xf32>
      %add3A_243 = arith.addf %add3A_239, %gather3A_242 : vector<16xf32>
      %reshape3A_244 = vector.shape_cast %xor3A_79 : vector<16xi32> to vector<16x1xi32>
      %gather3A_245 = vector.shape_cast %reshape3A_244 : vector<16x1xi32> to vector<16xi32>
      %gather3A_246 = tpu.dynamic_gather %add3A_243[%gather3A_245] in [0] : vector<16xf32>, vector<16xi32> -> vector<16xf32>
      %add3A_247 = arith.addf %add3A_243, %gather3A_246 : vector<16xf32>
      %select_n3A_248 = arith.select %eq3A_231, %add3A_247, %select_n3A_228 : vector<16xi1>, vector<16xf32>
      %eq3A_249 = arith.constant 4 : i32
      %eq3A_250 = vector.broadcast %eq3A_249 : i32 to vector<16xi32>
      %eq3A_251 = arith.cmpi eq, %iota3A, %eq3A_250 : vector<16xi32>
      %reshape3A_252 = vector.shape_cast %xor3A_70 : vector<16xi32> to vector<16x1xi32>
      %gather3A_253 = vector.shape_cast %reshape3A_252 : vector<16x1xi32> to vector<16xi32>
      %gather3A_254 = tpu.dynamic_gather %parallel_loop3A_172#4[%gather3A_253] in [0] : vector<16xf32>, vector<16xi32> -> vector<16xf32>
      %add3A_255 = arith.addf %parallel_loop3A_172#4, %gather3A_254 : vector<16xf32>
      %reshape3A_256 = vector.shape_cast %xor3A_73 : vector<16xi32> to vector<16x1xi32>
      %gather3A_257 = vector.shape_cast %reshape3A_256 : vector<16x1xi32> to vector<16xi32>
      %gather3A_258 = tpu.dynamic_gather %add3A_255[%gather3A_257] in [0] : vector<16xf32>, vector<16xi32> -> vector<16xf32>
      %add3A_259 = arith.addf %add3A_255, %gather3A_258 : vector<16xf32>
      %reshape3A_260 = vector.shape_cast %xor3A_76 : vector<16xi32> to vector<16x1xi32>
      %gather3A_261 = vector.shape_cast %reshape3A_260 : vector<16x1xi32> to vector<16xi32>
      %gather3A_262 = tpu.dynamic_gather %add3A_259[%gather3A_261] in [0] : vector<16xf32>, vector<16xi32> -> vector<16xf32>
      %add3A_263 = arith.addf %add3A_259, %gather3A_262 : vector<16xf32>
      %reshape3A_264 = vector.shape_cast %xor3A_79 : vector<16xi32> to vector<16x1xi32>
      %gather3A_265 = vector.shape_cast %reshape3A_264 : vector<16x1xi32> to vector<16xi32>
      %gather3A_266 = tpu.dynamic_gather %add3A_263[%gather3A_265] in [0] : vector<16xf32>, vector<16xi32> -> vector<16xf32>
      %add3A_267 = arith.addf %add3A_263, %gather3A_266 : vector<16xf32>
      %select_n3A_268 = arith.select %eq3A_251, %add3A_267, %select_n3A_248 : vector<16xi1>, vector<16xf32>
      %eq3A_269 = arith.constant 5 : i32
      %eq3A_270 = vector.broadcast %eq3A_269 : i32 to vector<16xi32>
      %eq3A_271 = arith.cmpi eq, %iota3A, %eq3A_270 : vector<16xi32>
      %reshape3A_272 = vector.shape_cast %xor3A_70 : vector<16xi32> to vector<16x1xi32>
      %gather3A_273 = vector.shape_cast %reshape3A_272 : vector<16x1xi32> to vector<16xi32>
      %gather3A_274 = tpu.dynamic_gather %parallel_loop3A_172#5[%gather3A_273] in [0] : vector<16xf32>, vector<16xi32> -> vector<16xf32>
      %add3A_275 = arith.addf %parallel_loop3A_172#5, %gather3A_274 : vector<16xf32>
      %reshape3A_276 = vector.shape_cast %xor3A_73 : vector<16xi32> to vector<16x1xi32>
      %gather3A_277 = vector.shape_cast %reshape3A_276 : vector<16x1xi32> to vector<16xi32>
      %gather3A_278 = tpu.dynamic_gather %add3A_275[%gather3A_277] in [0] : vector<16xf32>, vector<16xi32> -> vector<16xf32>
      %add3A_279 = arith.addf %add3A_275, %gather3A_278 : vector<16xf32>
      %reshape3A_280 = vector.shape_cast %xor3A_76 : vector<16xi32> to vector<16x1xi32>
      %gather3A_281 = vector.shape_cast %reshape3A_280 : vector<16x1xi32> to vector<16xi32>
      %gather3A_282 = tpu.dynamic_gather %add3A_279[%gather3A_281] in [0] : vector<16xf32>, vector<16xi32> -> vector<16xf32>
      %add3A_283 = arith.addf %add3A_279, %gather3A_282 : vector<16xf32>
      %reshape3A_284 = vector.shape_cast %xor3A_79 : vector<16xi32> to vector<16x1xi32>
      %gather3A_285 = vector.shape_cast %reshape3A_284 : vector<16x1xi32> to vector<16xi32>
      %gather3A_286 = tpu.dynamic_gather %add3A_283[%gather3A_285] in [0] : vector<16xf32>, vector<16xi32> -> vector<16xf32>
      %add3A_287 = arith.addf %add3A_283, %gather3A_286 : vector<16xf32>
      %select_n3A_288 = arith.select %eq3A_271, %add3A_287, %select_n3A_268 : vector<16xi1>, vector<16xf32>
      %eq3A_289 = arith.constant 6 : i32
      %eq3A_290 = vector.broadcast %eq3A_289 : i32 to vector<16xi32>
      %eq3A_291 = arith.cmpi eq, %iota3A, %eq3A_290 : vector<16xi32>
      %reshape3A_292 = vector.shape_cast %xor3A_70 : vector<16xi32> to vector<16x1xi32>
      %gather3A_293 = vector.shape_cast %reshape3A_292 : vector<16x1xi32> to vector<16xi32>
      %gather3A_294 = tpu.dynamic_gather %parallel_loop3A_172#6[%gather3A_293] in [0] : vector<16xf32>, vector<16xi32> -> vector<16xf32>
      %add3A_295 = arith.addf %parallel_loop3A_172#6, %gather3A_294 : vector<16xf32>
      %reshape3A_296 = vector.shape_cast %xor3A_73 : vector<16xi32> to vector<16x1xi32>
      %gather3A_297 = vector.shape_cast %reshape3A_296 : vector<16x1xi32> to vector<16xi32>
      %gather3A_298 = tpu.dynamic_gather %add3A_295[%gather3A_297] in [0] : vector<16xf32>, vector<16xi32> -> vector<16xf32>
      %add3A_299 = arith.addf %add3A_295, %gather3A_298 : vector<16xf32>
      %reshape3A_300 = vector.shape_cast %xor3A_76 : vector<16xi32> to vector<16x1xi32>
      %gather3A_301 = vector.shape_cast %reshape3A_300 : vector<16x1xi32> to vector<16xi32>
      %gather3A_302 = tpu.dynamic_gather %add3A_299[%gather3A_301] in [0] : vector<16xf32>, vector<16xi32> -> vector<16xf32>
      %add3A_303 = arith.addf %add3A_299, %gather3A_302 : vector<16xf32>
      %reshape3A_304 = vector.shape_cast %xor3A_79 : vector<16xi32> to vector<16x1xi32>
      %gather3A_305 = vector.shape_cast %reshape3A_304 : vector<16x1xi32> to vector<16xi32>
      %gather3A_306 = tpu.dynamic_gather %add3A_303[%gather3A_305] in [0] : vector<16xf32>, vector<16xi32> -> vector<16xf32>
      %add3A_307 = arith.addf %add3A_303, %gather3A_306 : vector<16xf32>
      %select_n3A_308 = arith.select %eq3A_291, %add3A_307, %select_n3A_288 : vector<16xi1>, vector<16xf32>
      %eq3A_309 = arith.constant 7 : i32
      %eq3A_310 = vector.broadcast %eq3A_309 : i32 to vector<16xi32>
      %eq3A_311 = arith.cmpi eq, %iota3A, %eq3A_310 : vector<16xi32>
      %reshape3A_312 = vector.shape_cast %xor3A_70 : vector<16xi32> to vector<16x1xi32>
      %gather3A_313 = vector.shape_cast %reshape3A_312 : vector<16x1xi32> to vector<16xi32>
      %gather3A_314 = tpu.dynamic_gather %parallel_loop3A_172#7[%gather3A_313] in [0] : vector<16xf32>, vector<16xi32> -> vector<16xf32>
      %add3A_315 = arith.addf %parallel_loop3A_172#7, %gather3A_314 : vector<16xf32>
      %reshape3A_316 = vector.shape_cast %xor3A_73 : vector<16xi32> to vector<16x1xi32>
      %gather3A_317 = vector.shape_cast %reshape3A_316 : vector<16x1xi32> to vector<16xi32>
      %gather3A_318 = tpu.dynamic_gather %add3A_315[%gather3A_317] in [0] : vector<16xf32>, vector<16xi32> -> vector<16xf32>
      %add3A_319 = arith.addf %add3A_315, %gather3A_318 : vector<16xf32>
      %reshape3A_320 = vector.shape_cast %xor3A_76 : vector<16xi32> to vector<16x1xi32>
      %gather3A_321 = vector.shape_cast %reshape3A_320 : vector<16x1xi32> to vector<16xi32>
      %gather3A_322 = tpu.dynamic_gather %add3A_319[%gather3A_321] in [0] : vector<16xf32>, vector<16xi32> -> vector<16xf32>
      %add3A_323 = arith.addf %add3A_319, %gather3A_322 : vector<16xf32>
      %reshape3A_324 = vector.shape_cast %xor3A_79 : vector<16xi32> to vector<16x1xi32>
      %gather3A_325 = vector.shape_cast %reshape3A_324 : vector<16x1xi32> to vector<16xi32>
      %gather3A_326 = tpu.dynamic_gather %add3A_323[%gather3A_325] in [0] : vector<16xf32>, vector<16xi32> -> vector<16xf32>
      %add3A_327 = arith.addf %add3A_323, %gather3A_326 : vector<16xf32>
      %select_n3A_328 = arith.select %eq3A_311, %add3A_327, %select_n3A_308 : vector<16xi1>, vector<16xf32>
      %eq3A_329 = arith.constant 8 : i32
      %eq3A_330 = vector.broadcast %eq3A_329 : i32 to vector<16xi32>
      %eq3A_331 = arith.cmpi eq, %iota3A, %eq3A_330 : vector<16xi32>
      %reshape3A_332 = vector.shape_cast %xor3A_70 : vector<16xi32> to vector<16x1xi32>
      %gather3A_333 = vector.shape_cast %reshape3A_332 : vector<16x1xi32> to vector<16xi32>
      %gather3A_334 = tpu.dynamic_gather %parallel_loop3A_172#8[%gather3A_333] in [0] : vector<16xf32>, vector<16xi32> -> vector<16xf32>
      %add3A_335 = arith.addf %parallel_loop3A_172#8, %gather3A_334 : vector<16xf32>
      %reshape3A_336 = vector.shape_cast %xor3A_73 : vector<16xi32> to vector<16x1xi32>
      %gather3A_337 = vector.shape_cast %reshape3A_336 : vector<16x1xi32> to vector<16xi32>
      %gather3A_338 = tpu.dynamic_gather %add3A_335[%gather3A_337] in [0] : vector<16xf32>, vector<16xi32> -> vector<16xf32>
      %add3A_339 = arith.addf %add3A_335, %gather3A_338 : vector<16xf32>
      %reshape3A_340 = vector.shape_cast %xor3A_76 : vector<16xi32> to vector<16x1xi32>
      %gather3A_341 = vector.shape_cast %reshape3A_340 : vector<16x1xi32> to vector<16xi32>
      %gather3A_342 = tpu.dynamic_gather %add3A_339[%gather3A_341] in [0] : vector<16xf32>, vector<16xi32> -> vector<16xf32>
      %add3A_343 = arith.addf %add3A_339, %gather3A_342 : vector<16xf32>
      %reshape3A_344 = vector.shape_cast %xor3A_79 : vector<16xi32> to vector<16x1xi32>
      %gather3A_345 = vector.shape_cast %reshape3A_344 : vector<16x1xi32> to vector<16xi32>
      %gather3A_346 = tpu.dynamic_gather %add3A_343[%gather3A_345] in [0] : vector<16xf32>, vector<16xi32> -> vector<16xf32>
      %add3A_347 = arith.addf %add3A_343, %gather3A_346 : vector<16xf32>
      %select_n3A_348 = arith.select %eq3A_331, %add3A_347, %select_n3A_328 : vector<16xi1>, vector<16xf32>
      %eq3A_349 = arith.constant 9 : i32
      %eq3A_350 = vector.broadcast %eq3A_349 : i32 to vector<16xi32>
      %eq3A_351 = arith.cmpi eq, %iota3A, %eq3A_350 : vector<16xi32>
      %reshape3A_352 = vector.shape_cast %xor3A_70 : vector<16xi32> to vector<16x1xi32>
      %gather3A_353 = vector.shape_cast %reshape3A_352 : vector<16x1xi32> to vector<16xi32>
      %gather3A_354 = tpu.dynamic_gather %parallel_loop3A_172#9[%gather3A_353] in [0] : vector<16xf32>, vector<16xi32> -> vector<16xf32>
      %add3A_355 = arith.addf %parallel_loop3A_172#9, %gather3A_354 : vector<16xf32>
      %reshape3A_356 = vector.shape_cast %xor3A_73 : vector<16xi32> to vector<16x1xi32>
      %gather3A_357 = vector.shape_cast %reshape3A_356 : vector<16x1xi32> to vector<16xi32>
      %gather3A_358 = tpu.dynamic_gather %add3A_355[%gather3A_357] in [0] : vector<16xf32>, vector<16xi32> -> vector<16xf32>
      %add3A_359 = arith.addf %add3A_355, %gather3A_358 : vector<16xf32>
      %reshape3A_360 = vector.shape_cast %xor3A_76 : vector<16xi32> to vector<16x1xi32>
      %gather3A_361 = vector.shape_cast %reshape3A_360 : vector<16x1xi32> to vector<16xi32>
      %gather3A_362 = tpu.dynamic_gather %add3A_359[%gather3A_361] in [0] : vector<16xf32>, vector<16xi32> -> vector<16xf32>
      %add3A_363 = arith.addf %add3A_359, %gather3A_362 : vector<16xf32>
      %reshape3A_364 = vector.shape_cast %xor3A_79 : vector<16xi32> to vector<16x1xi32>
      %gather3A_365 = vector.shape_cast %reshape3A_364 : vector<16x1xi32> to vector<16xi32>
      %gather3A_366 = tpu.dynamic_gather %add3A_363[%gather3A_365] in [0] : vector<16xf32>, vector<16xi32> -> vector<16xf32>
      %add3A_367 = arith.addf %add3A_363, %gather3A_366 : vector<16xf32>
      %select_n3A_368 = arith.select %eq3A_351, %add3A_367, %select_n3A_348 : vector<16xi1>, vector<16xf32>
      %eq3A_369 = arith.constant 10 : i32
      %eq3A_370 = vector.broadcast %eq3A_369 : i32 to vector<16xi32>
      %eq3A_371 = arith.cmpi eq, %iota3A, %eq3A_370 : vector<16xi32>
      %reshape3A_372 = vector.shape_cast %xor3A_70 : vector<16xi32> to vector<16x1xi32>
      %gather3A_373 = vector.shape_cast %reshape3A_372 : vector<16x1xi32> to vector<16xi32>
      %gather3A_374 = tpu.dynamic_gather %parallel_loop3A_172#10[%gather3A_373] in [0] : vector<16xf32>, vector<16xi32> -> vector<16xf32>
      %add3A_375 = arith.addf %parallel_loop3A_172#10, %gather3A_374 : vector<16xf32>
      %reshape3A_376 = vector.shape_cast %xor3A_73 : vector<16xi32> to vector<16x1xi32>
      %gather3A_377 = vector.shape_cast %reshape3A_376 : vector<16x1xi32> to vector<16xi32>
      %gather3A_378 = tpu.dynamic_gather %add3A_375[%gather3A_377] in [0] : vector<16xf32>, vector<16xi32> -> vector<16xf32>
      %add3A_379 = arith.addf %add3A_375, %gather3A_378 : vector<16xf32>
      %reshape3A_380 = vector.shape_cast %xor3A_76 : vector<16xi32> to vector<16x1xi32>
      %gather3A_381 = vector.shape_cast %reshape3A_380 : vector<16x1xi32> to vector<16xi32>
      %gather3A_382 = tpu.dynamic_gather %add3A_379[%gather3A_381] in [0] : vector<16xf32>, vector<16xi32> -> vector<16xf32>
      %add3A_383 = arith.addf %add3A_379, %gather3A_382 : vector<16xf32>
      %reshape3A_384 = vector.shape_cast %xor3A_79 : vector<16xi32> to vector<16x1xi32>
      %gather3A_385 = vector.shape_cast %reshape3A_384 : vector<16x1xi32> to vector<16xi32>
      %gather3A_386 = tpu.dynamic_gather %add3A_383[%gather3A_385] in [0] : vector<16xf32>, vector<16xi32> -> vector<16xf32>
      %add3A_387 = arith.addf %add3A_383, %gather3A_386 : vector<16xf32>
      %select_n3A_388 = arith.select %eq3A_371, %add3A_387, %select_n3A_368 : vector<16xi1>, vector<16xf32>
      %eq3A_389 = arith.constant 11 : i32
      %eq3A_390 = vector.broadcast %eq3A_389 : i32 to vector<16xi32>
      %eq3A_391 = arith.cmpi eq, %iota3A, %eq3A_390 : vector<16xi32>
      %reshape3A_392 = vector.shape_cast %xor3A_70 : vector<16xi32> to vector<16x1xi32>
      %gather3A_393 = vector.shape_cast %reshape3A_392 : vector<16x1xi32> to vector<16xi32>
      %gather3A_394 = tpu.dynamic_gather %parallel_loop3A_172#11[%gather3A_393] in [0] : vector<16xf32>, vector<16xi32> -> vector<16xf32>
      %add3A_395 = arith.addf %parallel_loop3A_172#11, %gather3A_394 : vector<16xf32>
      %reshape3A_396 = vector.shape_cast %xor3A_73 : vector<16xi32> to vector<16x1xi32>
      %gather3A_397 = vector.shape_cast %reshape3A_396 : vector<16x1xi32> to vector<16xi32>
      %gather3A_398 = tpu.dynamic_gather %add3A_395[%gather3A_397] in [0] : vector<16xf32>, vector<16xi32> -> vector<16xf32>
      %add3A_399 = arith.addf %add3A_395, %gather3A_398 : vector<16xf32>
      %reshape3A_400 = vector.shape_cast %xor3A_76 : vector<16xi32> to vector<16x1xi32>
      %gather3A_401 = vector.shape_cast %reshape3A_400 : vector<16x1xi32> to vector<16xi32>
      %gather3A_402 = tpu.dynamic_gather %add3A_399[%gather3A_401] in [0] : vector<16xf32>, vector<16xi32> -> vector<16xf32>
      %add3A_403 = arith.addf %add3A_399, %gather3A_402 : vector<16xf32>
      %reshape3A_404 = vector.shape_cast %xor3A_79 : vector<16xi32> to vector<16x1xi32>
      %gather3A_405 = vector.shape_cast %reshape3A_404 : vector<16x1xi32> to vector<16xi32>
      %gather3A_406 = tpu.dynamic_gather %add3A_403[%gather3A_405] in [0] : vector<16xf32>, vector<16xi32> -> vector<16xf32>
      %add3A_407 = arith.addf %add3A_403, %gather3A_406 : vector<16xf32>
      %select_n3A_408 = arith.select %eq3A_391, %add3A_407, %select_n3A_388 : vector<16xi1>, vector<16xf32>
      %eq3A_409 = arith.constant 12 : i32
      %eq3A_410 = vector.broadcast %eq3A_409 : i32 to vector<16xi32>
      %eq3A_411 = arith.cmpi eq, %iota3A, %eq3A_410 : vector<16xi32>
      %reshape3A_412 = vector.shape_cast %xor3A_70 : vector<16xi32> to vector<16x1xi32>
      %gather3A_413 = vector.shape_cast %reshape3A_412 : vector<16x1xi32> to vector<16xi32>
      %gather3A_414 = tpu.dynamic_gather %parallel_loop3A_172#12[%gather3A_413] in [0] : vector<16xf32>, vector<16xi32> -> vector<16xf32>
      %add3A_415 = arith.addf %parallel_loop3A_172#12, %gather3A_414 : vector<16xf32>
      %reshape3A_416 = vector.shape_cast %xor3A_73 : vector<16xi32> to vector<16x1xi32>
      %gather3A_417 = vector.shape_cast %reshape3A_416 : vector<16x1xi32> to vector<16xi32>
      %gather3A_418 = tpu.dynamic_gather %add3A_415[%gather3A_417] in [0] : vector<16xf32>, vector<16xi32> -> vector<16xf32>
      %add3A_419 = arith.addf %add3A_415, %gather3A_418 : vector<16xf32>
      %reshape3A_420 = vector.shape_cast %xor3A_76 : vector<16xi32> to vector<16x1xi32>
      %gather3A_421 = vector.shape_cast %reshape3A_420 : vector<16x1xi32> to vector<16xi32>
      %gather3A_422 = tpu.dynamic_gather %add3A_419[%gather3A_421] in [0] : vector<16xf32>, vector<16xi32> -> vector<16xf32>
      %add3A_423 = arith.addf %add3A_419, %gather3A_422 : vector<16xf32>
      %reshape3A_424 = vector.shape_cast %xor3A_79 : vector<16xi32> to vector<16x1xi32>
      %gather3A_425 = vector.shape_cast %reshape3A_424 : vector<16x1xi32> to vector<16xi32>
      %gather3A_426 = tpu.dynamic_gather %add3A_423[%gather3A_425] in [0] : vector<16xf32>, vector<16xi32> -> vector<16xf32>
      %add3A_427 = arith.addf %add3A_423, %gather3A_426 : vector<16xf32>
      %select_n3A_428 = arith.select %eq3A_411, %add3A_427, %select_n3A_408 : vector<16xi1>, vector<16xf32>
      %eq3A_429 = arith.constant 13 : i32
      %eq3A_430 = vector.broadcast %eq3A_429 : i32 to vector<16xi32>
      %eq3A_431 = arith.cmpi eq, %iota3A, %eq3A_430 : vector<16xi32>
      %reshape3A_432 = vector.shape_cast %xor3A_70 : vector<16xi32> to vector<16x1xi32>
      %gather3A_433 = vector.shape_cast %reshape3A_432 : vector<16x1xi32> to vector<16xi32>
      %gather3A_434 = tpu.dynamic_gather %parallel_loop3A_172#13[%gather3A_433] in [0] : vector<16xf32>, vector<16xi32> -> vector<16xf32>
      %add3A_435 = arith.addf %parallel_loop3A_172#13, %gather3A_434 : vector<16xf32>
      %reshape3A_436 = vector.shape_cast %xor3A_73 : vector<16xi32> to vector<16x1xi32>
      %gather3A_437 = vector.shape_cast %reshape3A_436 : vector<16x1xi32> to vector<16xi32>
      %gather3A_438 = tpu.dynamic_gather %add3A_435[%gather3A_437] in [0] : vector<16xf32>, vector<16xi32> -> vector<16xf32>
      %add3A_439 = arith.addf %add3A_435, %gather3A_438 : vector<16xf32>
      %reshape3A_440 = vector.shape_cast %xor3A_76 : vector<16xi32> to vector<16x1xi32>
      %gather3A_441 = vector.shape_cast %reshape3A_440 : vector<16x1xi32> to vector<16xi32>
      %gather3A_442 = tpu.dynamic_gather %add3A_439[%gather3A_441] in [0] : vector<16xf32>, vector<16xi32> -> vector<16xf32>
      %add3A_443 = arith.addf %add3A_439, %gather3A_442 : vector<16xf32>
      %reshape3A_444 = vector.shape_cast %xor3A_79 : vector<16xi32> to vector<16x1xi32>
      %gather3A_445 = vector.shape_cast %reshape3A_444 : vector<16x1xi32> to vector<16xi32>
      %gather3A_446 = tpu.dynamic_gather %add3A_443[%gather3A_445] in [0] : vector<16xf32>, vector<16xi32> -> vector<16xf32>
      %add3A_447 = arith.addf %add3A_443, %gather3A_446 : vector<16xf32>
      %select_n3A_448 = arith.select %eq3A_431, %add3A_447, %select_n3A_428 : vector<16xi1>, vector<16xf32>
      %eq3A_449 = arith.constant 14 : i32
      %eq3A_450 = vector.broadcast %eq3A_449 : i32 to vector<16xi32>
      %eq3A_451 = arith.cmpi eq, %iota3A, %eq3A_450 : vector<16xi32>
      %reshape3A_452 = vector.shape_cast %xor3A_70 : vector<16xi32> to vector<16x1xi32>
      %gather3A_453 = vector.shape_cast %reshape3A_452 : vector<16x1xi32> to vector<16xi32>
      %gather3A_454 = tpu.dynamic_gather %parallel_loop3A_172#14[%gather3A_453] in [0] : vector<16xf32>, vector<16xi32> -> vector<16xf32>
      %add3A_455 = arith.addf %parallel_loop3A_172#14, %gather3A_454 : vector<16xf32>
      %reshape3A_456 = vector.shape_cast %xor3A_73 : vector<16xi32> to vector<16x1xi32>
      %gather3A_457 = vector.shape_cast %reshape3A_456 : vector<16x1xi32> to vector<16xi32>
      %gather3A_458 = tpu.dynamic_gather %add3A_455[%gather3A_457] in [0] : vector<16xf32>, vector<16xi32> -> vector<16xf32>
      %add3A_459 = arith.addf %add3A_455, %gather3A_458 : vector<16xf32>
      %reshape3A_460 = vector.shape_cast %xor3A_76 : vector<16xi32> to vector<16x1xi32>
      %gather3A_461 = vector.shape_cast %reshape3A_460 : vector<16x1xi32> to vector<16xi32>
      %gather3A_462 = tpu.dynamic_gather %add3A_459[%gather3A_461] in [0] : vector<16xf32>, vector<16xi32> -> vector<16xf32>
      %add3A_463 = arith.addf %add3A_459, %gather3A_462 : vector<16xf32>
      %reshape3A_464 = vector.shape_cast %xor3A_79 : vector<16xi32> to vector<16x1xi32>
      %gather3A_465 = vector.shape_cast %reshape3A_464 : vector<16x1xi32> to vector<16xi32>
      %gather3A_466 = tpu.dynamic_gather %add3A_463[%gather3A_465] in [0] : vector<16xf32>, vector<16xi32> -> vector<16xf32>
      %add3A_467 = arith.addf %add3A_463, %gather3A_466 : vector<16xf32>
      %select_n3A_468 = arith.select %eq3A_451, %add3A_467, %select_n3A_448 : vector<16xi1>, vector<16xf32>
      %eq3A_469 = arith.constant 15 : i32
      %eq3A_470 = vector.broadcast %eq3A_469 : i32 to vector<16xi32>
      %eq3A_471 = arith.cmpi eq, %iota3A, %eq3A_470 : vector<16xi32>
      %reshape3A_472 = vector.shape_cast %xor3A_70 : vector<16xi32> to vector<16x1xi32>
      %gather3A_473 = vector.shape_cast %reshape3A_472 : vector<16x1xi32> to vector<16xi32>
      %gather3A_474 = tpu.dynamic_gather %parallel_loop3A_172#15[%gather3A_473] in [0] : vector<16xf32>, vector<16xi32> -> vector<16xf32>
      %add3A_475 = arith.addf %parallel_loop3A_172#15, %gather3A_474 : vector<16xf32>
      %reshape3A_476 = vector.shape_cast %xor3A_73 : vector<16xi32> to vector<16x1xi32>
      %gather3A_477 = vector.shape_cast %reshape3A_476 : vector<16x1xi32> to vector<16xi32>
      %gather3A_478 = tpu.dynamic_gather %add3A_475[%gather3A_477] in [0] : vector<16xf32>, vector<16xi32> -> vector<16xf32>
      %add3A_479 = arith.addf %add3A_475, %gather3A_478 : vector<16xf32>
      %reshape3A_480 = vector.shape_cast %xor3A_76 : vector<16xi32> to vector<16x1xi32>
      %gather3A_481 = vector.shape_cast %reshape3A_480 : vector<16x1xi32> to vector<16xi32>
      %gather3A_482 = tpu.dynamic_gather %add3A_479[%gather3A_481] in [0] : vector<16xf32>, vector<16xi32> -> vector<16xf32>
      %add3A_483 = arith.addf %add3A_479, %gather3A_482 : vector<16xf32>
      %reshape3A_484 = vector.shape_cast %xor3A_79 : vector<16xi32> to vector<16x1xi32>
      %gather3A_485 = vector.shape_cast %reshape3A_484 : vector<16x1xi32> to vector<16xi32>
      %gather3A_486 = tpu.dynamic_gather %add3A_483[%gather3A_485] in [0] : vector<16xf32>, vector<16xi32> -> vector<16xf32>
      %add3A_487 = arith.addf %add3A_483, %gather3A_486 : vector<16xf32>
      %select_n3A_488 = arith.select %eq3A_471, %add3A_487, %select_n3A_468 : vector<16xi1>, vector<16xf32>
      %add3A_489 = arith.constant 128 : i32
      %add3A_490 = arith.addi %add3A_489, %mul3A_169 : i32
      %get3A_491 = arith.index_cast %add3A_490 : i32 to index
      %get3A_492 = tpu.vector_load %arg10[%get3A_491] {strides = array<i32>} : memref<256xi32, #tpu.memory_space<vmem>>, vector<16xi32>,
      %get3A_493 = vector.shape_cast %get3A_492 : vector<16xi32> to vector<16xi32>
      %eq3A_494 = arith.constant 0 : i32
      %eq3A_495 = vector.broadcast %eq3A_494 : i32 to vector<16xi32>
      %eq3A_496 = arith.cmpi eq, %get3A_493, %eq3A_495 : vector<16xi32>
      %jit3A_497 = arith.constant 1.000000e+00 : f32
      %jit3A_498 = arith.constant 0.000000e+00 : f32
      %broadcast_in_dim3A_499 = vector.broadcast %jit3A_497 : f32 to vector<16xf32>
      %broadcast_in_dim3A_500 = vector.broadcast %jit3A_498 : f32 to vector<16xf32>
      %select_n3A_501 = arith.select %eq3A_496, %broadcast_in_dim3A_499, %broadcast_in_dim3A_500 : vector<16xi1>, vector<16xf32>
      %mul3A_502 = arith.mulf %select_n3A_488, %select_n3A_501 : vector<16xf32>
      %add3A_503 = arith.addf %mul3A_502, %gather3A_85 : vector<16xf32>
      %swap3A = arith.index_cast %add3A_490 : i32 to index
      %swap3A_504 = tpu.vector_load %arg12[%swap3A] {strides = array<i32>} : memref<256xf32, #tpu.memory_space<vmem>>, vector<16xf32>,
      %swap3A_505 = vector.shape_cast %swap3A_504 : vector<16xf32> to vector<16xf32>
      %swap3A_506 = vector.shape_cast %add3A_503 : vector<16xf32> to vector<16xf32>
      tpu.vector_store %arg12[%swap3A], %swap3A_506 {strides = array<i32>} : memref<256xf32, #tpu.memory_space<vmem>>, vector<16xf32>,
    }
    %scan3A_150 = arith.constant 4 : i32
    %add3A_151 = arith.constant 192 : i32
    %add3A_152 = arith.addi %select_n3A_34, %add3A_151 : i32
    %dma_wait3A_153 = arith.constant 0 : i32
    %dma_wait3A_154 = tpu.memref_slice %arg2[%select_n3A, %add3A_152, %dma_wait3A_153] : memref<8x2048x768xf32, #tpu.memory_space<hbm>> -> memref<1x64x768xf32, #tpu.memory_space<hbm>>
    %dma_wait3A_155 = tpu.memref_squeeze %dma_wait3A_154 : memref<1x64x768xf32, #tpu.memory_space<hbm>> -> memref<64x768xf32, #tpu.memory_space<hbm>>
    %dma_wait3A_156 = arith.constant 0 : i32
    %dma_wait3A_157 = tpu.memref_slice %arg2[%select_n3A, %add3A_152, %dma_wait3A_156] : memref<8x2048x768xf32, #tpu.memory_space<hbm>> -> memref<1x64x768xf32, #tpu.memory_space<hbm>>
    %dma_wait3A_158 = tpu.memref_squeeze %dma_wait3A_157 : memref<1x64x768xf32, #tpu.memory_space<hbm>> -> memref<64x768xf32, #tpu.memory_space<hbm>>
    tpu.wait_dma2 semaphore(%arg14 : memref<!tpu.dma_semaphore, #tpu.memory_space<semaphore_mem>>) src(%dma_wait3A_158 : memref<64x768xf32, #tpu.memory_space<hbm>>) dst(%arg8 : memref<64x768xf32, #tpu.memory_space<vmem>>)
    %scan3A_159 = arith.constant 0 : i32
    %scan3A_160 = arith.constant 0 : i32
    %scan3A_161 = arith.constant 4 : i32
    %scan3A_162 = arith.addi %scan3A_160, %scan3A_161 : i32
    %scan3A_163 = arith.constant 1 : i32
    scf.for %scan3A_167 = %scan3A_160 to %scan3A_162 step %scan3A_163  : i32 {
      %mul3A_168 = arith.constant 16 : i32
      %mul3A_169 = arith.muli %scan3A_167, %mul3A_168 : i32
      %parallel_loop3A = arith.constant 0 : i32
      %parallel_loop3A_170 = arith.constant 48 : i32
      %parallel_loop3A_171 = arith.constant 1 : i32
      %parallel_loop3A_172:16 = scf.for %parallel_loop3A_507 = %parallel_loop3A to %parallel_loop3A_170 step %parallel_loop3A_171 iter_args(%parallel_loop3A_508 = %broadcast_in_dim3A_80, %parallel_loop3A_509 = %broadcast_in_dim3A_80, %parallel_loop3A_510 = %broadcast_in_dim3A_80, %parallel_loop3A_511 = %broadcast_in_dim3A_80, %parallel_loop3A_512 = %broadcast_in_dim3A_80, %parallel_loop3A_513 = %broadcast_in_dim3A_80, %parallel_loop3A_514 = %broadcast_in_dim3A_80, %parallel_loop3A_515 = %broadcast_in_dim3A_80, %parallel_loop3A_516 = %broadcast_in_dim3A_80, %parallel_loop3A_517 = %broadcast_in_dim3A_80, %parallel_loop3A_518 = %broadcast_in_dim3A_80, %parallel_loop3A_519 = %broadcast_in_dim3A_80, %parallel_loop3A_520 = %broadcast_in_dim3A_80, %parallel_loop3A_521 = %broadcast_in_dim3A_80, %parallel_loop3A_522 = %broadcast_in_dim3A_80, %parallel_loop3A_523 = %broadcast_in_dim3A_80) -> (vector<16xf32>, vector<16xf32>, vector<16xf32>, vector<16xf32>, vector<16xf32>, vector<16xf32>, vector<16xf32>, vector<16xf32>, vector<16xf32>, vector<16xf32>, vector<16xf32>, vector<16xf32>, vector<16xf32>, vector<16xf32>, vector<16xf32>, vector<16xf32>)  : i32 {
        %parallel_loop3A_524 = arith.constant 16 : i32
        %parallel_loop3A_525 = arith.muli %parallel_loop3A_507, %parallel_loop3A_524 : i32
        %parallel_loop3A_526 = arith.index_cast %parallel_loop3A_525 : i32 to index
        %parallel_loop3A_527 = tpu.vector_load %arg9[%parallel_loop3A_526] {strides = array<i32>} : memref<768xf32, #tpu.memory_space<vmem>>, vector<16xf32>,
        %parallel_loop3A_528 = vector.shape_cast %parallel_loop3A_527 : vector<16xf32> to vector<16xf32>
        %parallel_loop3A_529 = arith.constant 0 : i32
        %parallel_loop3A_530 = arith.addi %mul3A_169, %parallel_loop3A_529 : i32
        %parallel_loop3A_531 = arith.index_cast %parallel_loop3A_530 : i32 to index
        %parallel_loop3A_532 = arith.index_cast %parallel_loop3A_525 : i32 to index
        %parallel_loop3A_533 = tpu.vector_load %arg8[%parallel_loop3A_531, %parallel_loop3A_532] {strides = array<i32>} : memref<64x768xf32, #tpu.memory_space<vmem>>, vector<1x16xf32>,
        %parallel_loop3A_534 = vector.shape_cast %parallel_loop3A_533 : vector<1x16xf32> to vector<16xf32>
        %parallel_loop3A_535 = arith.mulf %parallel_loop3A_534, %parallel_loop3A_528 : vector<16xf32>
        %parallel_loop3A_536 = arith.addf %parallel_loop3A_508, %parallel_loop3A_535 : vector<16xf32>
        %parallel_loop3A_537 = arith.constant 1 : i32
        %parallel_loop3A_538 = arith.addi %mul3A_169, %parallel_loop3A_537 : i32
        %parallel_loop3A_539 = arith.index_cast %parallel_loop3A_538 : i32 to index
        %parallel_loop3A_540 = arith.index_cast %parallel_loop3A_525 : i32 to index
        %parallel_loop3A_541 = tpu.vector_load %arg8[%parallel_loop3A_539, %parallel_loop3A_540] {strides = array<i32>} : memref<64x768xf32, #tpu.memory_space<vmem>>, vector<1x16xf32>,
        %parallel_loop3A_542 = vector.shape_cast %parallel_loop3A_541 : vector<1x16xf32> to vector<16xf32>
        %parallel_loop3A_543 = arith.mulf %parallel_loop3A_542, %parallel_loop3A_528 : vector<16xf32>
        %parallel_loop3A_544 = arith.addf %parallel_loop3A_509, %parallel_loop3A_543 : vector<16xf32>
        %parallel_loop3A_545 = arith.constant 2 : i32
        %parallel_loop3A_546 = arith.addi %mul3A_169, %parallel_loop3A_545 : i32
        %parallel_loop3A_547 = arith.index_cast %parallel_loop3A_546 : i32 to index
        %parallel_loop3A_548 = arith.index_cast %parallel_loop3A_525 : i32 to index
        %parallel_loop3A_549 = tpu.vector_load %arg8[%parallel_loop3A_547, %parallel_loop3A_548] {strides = array<i32>} : memref<64x768xf32, #tpu.memory_space<vmem>>, vector<1x16xf32>,
        %parallel_loop3A_550 = vector.shape_cast %parallel_loop3A_549 : vector<1x16xf32> to vector<16xf32>
        %parallel_loop3A_551 = arith.mulf %parallel_loop3A_550, %parallel_loop3A_528 : vector<16xf32>
        %parallel_loop3A_552 = arith.addf %parallel_loop3A_510, %parallel_loop3A_551 : vector<16xf32>
        %parallel_loop3A_553 = arith.constant 3 : i32
        %parallel_loop3A_554 = arith.addi %mul3A_169, %parallel_loop3A_553 : i32
        %parallel_loop3A_555 = arith.index_cast %parallel_loop3A_554 : i32 to index
        %parallel_loop3A_556 = arith.index_cast %parallel_loop3A_525 : i32 to index
        %parallel_loop3A_557 = tpu.vector_load %arg8[%parallel_loop3A_555, %parallel_loop3A_556] {strides = array<i32>} : memref<64x768xf32, #tpu.memory_space<vmem>>, vector<1x16xf32>,
        %parallel_loop3A_558 = vector.shape_cast %parallel_loop3A_557 : vector<1x16xf32> to vector<16xf32>
        %parallel_loop3A_559 = arith.mulf %parallel_loop3A_558, %parallel_loop3A_528 : vector<16xf32>
        %parallel_loop3A_560 = arith.addf %parallel_loop3A_511, %parallel_loop3A_559 : vector<16xf32>
        %parallel_loop3A_561 = arith.constant 4 : i32
        %parallel_loop3A_562 = arith.addi %mul3A_169, %parallel_loop3A_561 : i32
        %parallel_loop3A_563 = arith.index_cast %parallel_loop3A_562 : i32 to index
        %parallel_loop3A_564 = arith.index_cast %parallel_loop3A_525 : i32 to index
        %parallel_loop3A_565 = tpu.vector_load %arg8[%parallel_loop3A_563, %parallel_loop3A_564] {strides = array<i32>} : memref<64x768xf32, #tpu.memory_space<vmem>>, vector<1x16xf32>,
        %parallel_loop3A_566 = vector.shape_cast %parallel_loop3A_565 : vector<1x16xf32> to vector<16xf32>
        %parallel_loop3A_567 = arith.mulf %parallel_loop3A_566, %parallel_loop3A_528 : vector<16xf32>
        %parallel_loop3A_568 = arith.addf %parallel_loop3A_512, %parallel_loop3A_567 : vector<16xf32>
        %parallel_loop3A_569 = arith.constant 5 : i32
        %parallel_loop3A_570 = arith.addi %mul3A_169, %parallel_loop3A_569 : i32
        %parallel_loop3A_571 = arith.index_cast %parallel_loop3A_570 : i32 to index
        %parallel_loop3A_572 = arith.index_cast %parallel_loop3A_525 : i32 to index
        %parallel_loop3A_573 = tpu.vector_load %arg8[%parallel_loop3A_571, %parallel_loop3A_572] {strides = array<i32>} : memref<64x768xf32, #tpu.memory_space<vmem>>, vector<1x16xf32>,
        %parallel_loop3A_574 = vector.shape_cast %parallel_loop3A_573 : vector<1x16xf32> to vector<16xf32>
        %parallel_loop3A_575 = arith.mulf %parallel_loop3A_574, %parallel_loop3A_528 : vector<16xf32>
        %parallel_loop3A_576 = arith.addf %parallel_loop3A_513, %parallel_loop3A_575 : vector<16xf32>
        %parallel_loop3A_577 = arith.constant 6 : i32
        %parallel_loop3A_578 = arith.addi %mul3A_169, %parallel_loop3A_577 : i32
        %parallel_loop3A_579 = arith.index_cast %parallel_loop3A_578 : i32 to index
        %parallel_loop3A_580 = arith.index_cast %parallel_loop3A_525 : i32 to index
        %parallel_loop3A_581 = tpu.vector_load %arg8[%parallel_loop3A_579, %parallel_loop3A_580] {strides = array<i32>} : memref<64x768xf32, #tpu.memory_space<vmem>>, vector<1x16xf32>,
        %parallel_loop3A_582 = vector.shape_cast %parallel_loop3A_581 : vector<1x16xf32> to vector<16xf32>
        %parallel_loop3A_583 = arith.mulf %parallel_loop3A_582, %parallel_loop3A_528 : vector<16xf32>
        %parallel_loop3A_584 = arith.addf %parallel_loop3A_514, %parallel_loop3A_583 : vector<16xf32>
        %parallel_loop3A_585 = arith.constant 7 : i32
        %parallel_loop3A_586 = arith.addi %mul3A_169, %parallel_loop3A_585 : i32
        %parallel_loop3A_587 = arith.index_cast %parallel_loop3A_586 : i32 to index
        %parallel_loop3A_588 = arith.index_cast %parallel_loop3A_525 : i32 to index
        %parallel_loop3A_589 = tpu.vector_load %arg8[%parallel_loop3A_587, %parallel_loop3A_588] {strides = array<i32>} : memref<64x768xf32, #tpu.memory_space<vmem>>, vector<1x16xf32>,
        %parallel_loop3A_590 = vector.shape_cast %parallel_loop3A_589 : vector<1x16xf32> to vector<16xf32>
        %parallel_loop3A_591 = arith.mulf %parallel_loop3A_590, %parallel_loop3A_528 : vector<16xf32>
        %parallel_loop3A_592 = arith.addf %parallel_loop3A_515, %parallel_loop3A_591 : vector<16xf32>
        %parallel_loop3A_593 = arith.constant 8 : i32
        %parallel_loop3A_594 = arith.addi %mul3A_169, %parallel_loop3A_593 : i32
        %parallel_loop3A_595 = arith.index_cast %parallel_loop3A_594 : i32 to index
        %parallel_loop3A_596 = arith.index_cast %parallel_loop3A_525 : i32 to index
        %parallel_loop3A_597 = tpu.vector_load %arg8[%parallel_loop3A_595, %parallel_loop3A_596] {strides = array<i32>} : memref<64x768xf32, #tpu.memory_space<vmem>>, vector<1x16xf32>,
        %parallel_loop3A_598 = vector.shape_cast %parallel_loop3A_597 : vector<1x16xf32> to vector<16xf32>
        %parallel_loop3A_599 = arith.mulf %parallel_loop3A_598, %parallel_loop3A_528 : vector<16xf32>
        %parallel_loop3A_600 = arith.addf %parallel_loop3A_516, %parallel_loop3A_599 : vector<16xf32>
        %parallel_loop3A_601 = arith.constant 9 : i32
        %parallel_loop3A_602 = arith.addi %mul3A_169, %parallel_loop3A_601 : i32
        %parallel_loop3A_603 = arith.index_cast %parallel_loop3A_602 : i32 to index
        %parallel_loop3A_604 = arith.index_cast %parallel_loop3A_525 : i32 to index
        %parallel_loop3A_605 = tpu.vector_load %arg8[%parallel_loop3A_603, %parallel_loop3A_604] {strides = array<i32>} : memref<64x768xf32, #tpu.memory_space<vmem>>, vector<1x16xf32>,
        %parallel_loop3A_606 = vector.shape_cast %parallel_loop3A_605 : vector<1x16xf32> to vector<16xf32>
        %parallel_loop3A_607 = arith.mulf %parallel_loop3A_606, %parallel_loop3A_528 : vector<16xf32>
        %parallel_loop3A_608 = arith.addf %parallel_loop3A_517, %parallel_loop3A_607 : vector<16xf32>
        %parallel_loop3A_609 = arith.constant 10 : i32
        %parallel_loop3A_610 = arith.addi %mul3A_169, %parallel_loop3A_609 : i32
        %parallel_loop3A_611 = arith.index_cast %parallel_loop3A_610 : i32 to index
        %parallel_loop3A_612 = arith.index_cast %parallel_loop3A_525 : i32 to index
        %parallel_loop3A_613 = tpu.vector_load %arg8[%parallel_loop3A_611, %parallel_loop3A_612] {strides = array<i32>} : memref<64x768xf32, #tpu.memory_space<vmem>>, vector<1x16xf32>,
        %parallel_loop3A_614 = vector.shape_cast %parallel_loop3A_613 : vector<1x16xf32> to vector<16xf32>
        %parallel_loop3A_615 = arith.mulf %parallel_loop3A_614, %parallel_loop3A_528 : vector<16xf32>
        %parallel_loop3A_616 = arith.addf %parallel_loop3A_518, %parallel_loop3A_615 : vector<16xf32>
        %parallel_loop3A_617 = arith.constant 11 : i32
        %parallel_loop3A_618 = arith.addi %mul3A_169, %parallel_loop3A_617 : i32
        %parallel_loop3A_619 = arith.index_cast %parallel_loop3A_618 : i32 to index
        %parallel_loop3A_620 = arith.index_cast %parallel_loop3A_525 : i32 to index
        %parallel_loop3A_621 = tpu.vector_load %arg8[%parallel_loop3A_619, %parallel_loop3A_620] {strides = array<i32>} : memref<64x768xf32, #tpu.memory_space<vmem>>, vector<1x16xf32>,
        %parallel_loop3A_622 = vector.shape_cast %parallel_loop3A_621 : vector<1x16xf32> to vector<16xf32>
        %parallel_loop3A_623 = arith.mulf %parallel_loop3A_622, %parallel_loop3A_528 : vector<16xf32>
        %parallel_loop3A_624 = arith.addf %parallel_loop3A_519, %parallel_loop3A_623 : vector<16xf32>
        %parallel_loop3A_625 = arith.constant 12 : i32
        %parallel_loop3A_626 = arith.addi %mul3A_169, %parallel_loop3A_625 : i32
        %parallel_loop3A_627 = arith.index_cast %parallel_loop3A_626 : i32 to index
        %parallel_loop3A_628 = arith.index_cast %parallel_loop3A_525 : i32 to index
        %parallel_loop3A_629 = tpu.vector_load %arg8[%parallel_loop3A_627, %parallel_loop3A_628] {strides = array<i32>} : memref<64x768xf32, #tpu.memory_space<vmem>>, vector<1x16xf32>,
        %parallel_loop3A_630 = vector.shape_cast %parallel_loop3A_629 : vector<1x16xf32> to vector<16xf32>
        %parallel_loop3A_631 = arith.mulf %parallel_loop3A_630, %parallel_loop3A_528 : vector<16xf32>
        %parallel_loop3A_632 = arith.addf %parallel_loop3A_520, %parallel_loop3A_631 : vector<16xf32>
        %parallel_loop3A_633 = arith.constant 13 : i32
        %parallel_loop3A_634 = arith.addi %mul3A_169, %parallel_loop3A_633 : i32
        %parallel_loop3A_635 = arith.index_cast %parallel_loop3A_634 : i32 to index
        %parallel_loop3A_636 = arith.index_cast %parallel_loop3A_525 : i32 to index
        %parallel_loop3A_637 = tpu.vector_load %arg8[%parallel_loop3A_635, %parallel_loop3A_636] {strides = array<i32>} : memref<64x768xf32, #tpu.memory_space<vmem>>, vector<1x16xf32>,
        %parallel_loop3A_638 = vector.shape_cast %parallel_loop3A_637 : vector<1x16xf32> to vector<16xf32>
        %parallel_loop3A_639 = arith.mulf %parallel_loop3A_638, %parallel_loop3A_528 : vector<16xf32>
        %parallel_loop3A_640 = arith.addf %parallel_loop3A_521, %parallel_loop3A_639 : vector<16xf32>
        %parallel_loop3A_641 = arith.constant 14 : i32
        %parallel_loop3A_642 = arith.addi %mul3A_169, %parallel_loop3A_641 : i32
        %parallel_loop3A_643 = arith.index_cast %parallel_loop3A_642 : i32 to index
        %parallel_loop3A_644 = arith.index_cast %parallel_loop3A_525 : i32 to index
        %parallel_loop3A_645 = tpu.vector_load %arg8[%parallel_loop3A_643, %parallel_loop3A_644] {strides = array<i32>} : memref<64x768xf32, #tpu.memory_space<vmem>>, vector<1x16xf32>,
        %parallel_loop3A_646 = vector.shape_cast %parallel_loop3A_645 : vector<1x16xf32> to vector<16xf32>
        %parallel_loop3A_647 = arith.mulf %parallel_loop3A_646, %parallel_loop3A_528 : vector<16xf32>
        %parallel_loop3A_648 = arith.addf %parallel_loop3A_522, %parallel_loop3A_647 : vector<16xf32>
        %parallel_loop3A_649 = arith.constant 15 : i32
        %parallel_loop3A_650 = arith.addi %mul3A_169, %parallel_loop3A_649 : i32
        %parallel_loop3A_651 = arith.index_cast %parallel_loop3A_650 : i32 to index
        %parallel_loop3A_652 = arith.index_cast %parallel_loop3A_525 : i32 to index
        %parallel_loop3A_653 = tpu.vector_load %arg8[%parallel_loop3A_651, %parallel_loop3A_652] {strides = array<i32>} : memref<64x768xf32, #tpu.memory_space<vmem>>, vector<1x16xf32>,
        %parallel_loop3A_654 = vector.shape_cast %parallel_loop3A_653 : vector<1x16xf32> to vector<16xf32>
        %parallel_loop3A_655 = arith.mulf %parallel_loop3A_654, %parallel_loop3A_528 : vector<16xf32>
        %parallel_loop3A_656 = arith.addf %parallel_loop3A_523, %parallel_loop3A_655 : vector<16xf32>
        scf.yield %parallel_loop3A_536, %parallel_loop3A_544, %parallel_loop3A_552, %parallel_loop3A_560, %parallel_loop3A_568, %parallel_loop3A_576, %parallel_loop3A_584, %parallel_loop3A_592, %parallel_loop3A_600, %parallel_loop3A_608, %parallel_loop3A_616, %parallel_loop3A_624, %parallel_loop3A_632, %parallel_loop3A_640, %parallel_loop3A_648, %parallel_loop3A_656 : vector<16xf32>, vector<16xf32>, vector<16xf32>, vector<16xf32>, vector<16xf32>, vector<16xf32>, vector<16xf32>, vector<16xf32>, vector<16xf32>, vector<16xf32>, vector<16xf32>, vector<16xf32>, vector<16xf32>, vector<16xf32>, vector<16xf32>, vector<16xf32>
      } {sc.loop_unroll_factor = 2 : i64, sc.parallel_access}
      %reshape3A_173 = vector.shape_cast %xor3A_70 : vector<16xi32> to vector<16x1xi32>
      %gather3A_174 = vector.shape_cast %reshape3A_173 : vector<16x1xi32> to vector<16xi32>
      %gather3A_175 = tpu.dynamic_gather %parallel_loop3A_172#0[%gather3A_174] in [0] : vector<16xf32>, vector<16xi32> -> vector<16xf32>
      %add3A_176 = arith.addf %parallel_loop3A_172#0, %gather3A_175 : vector<16xf32>
      %reshape3A_177 = vector.shape_cast %xor3A_73 : vector<16xi32> to vector<16x1xi32>
      %gather3A_178 = vector.shape_cast %reshape3A_177 : vector<16x1xi32> to vector<16xi32>
      %gather3A_179 = tpu.dynamic_gather %add3A_176[%gather3A_178] in [0] : vector<16xf32>, vector<16xi32> -> vector<16xf32>
      %add3A_180 = arith.addf %add3A_176, %gather3A_179 : vector<16xf32>
      %reshape3A_181 = vector.shape_cast %xor3A_76 : vector<16xi32> to vector<16x1xi32>
      %gather3A_182 = vector.shape_cast %reshape3A_181 : vector<16x1xi32> to vector<16xi32>
      %gather3A_183 = tpu.dynamic_gather %add3A_180[%gather3A_182] in [0] : vector<16xf32>, vector<16xi32> -> vector<16xf32>
      %add3A_184 = arith.addf %add3A_180, %gather3A_183 : vector<16xf32>
      %reshape3A_185 = vector.shape_cast %xor3A_79 : vector<16xi32> to vector<16x1xi32>
      %gather3A_186 = vector.shape_cast %reshape3A_185 : vector<16x1xi32> to vector<16xi32>
      %gather3A_187 = tpu.dynamic_gather %add3A_184[%gather3A_186] in [0] : vector<16xf32>, vector<16xi32> -> vector<16xf32>
      %add3A_188 = arith.addf %add3A_184, %gather3A_187 : vector<16xf32>
      %eq3A_189 = arith.constant 1 : i32
      %eq3A_190 = vector.broadcast %eq3A_189 : i32 to vector<16xi32>
      %eq3A_191 = arith.cmpi eq, %iota3A, %eq3A_190 : vector<16xi32>
      %reshape3A_192 = vector.shape_cast %xor3A_70 : vector<16xi32> to vector<16x1xi32>
      %gather3A_193 = vector.shape_cast %reshape3A_192 : vector<16x1xi32> to vector<16xi32>
      %gather3A_194 = tpu.dynamic_gather %parallel_loop3A_172#1[%gather3A_193] in [0] : vector<16xf32>, vector<16xi32> -> vector<16xf32>
      %add3A_195 = arith.addf %parallel_loop3A_172#1, %gather3A_194 : vector<16xf32>
      %reshape3A_196 = vector.shape_cast %xor3A_73 : vector<16xi32> to vector<16x1xi32>
      %gather3A_197 = vector.shape_cast %reshape3A_196 : vector<16x1xi32> to vector<16xi32>
      %gather3A_198 = tpu.dynamic_gather %add3A_195[%gather3A_197] in [0] : vector<16xf32>, vector<16xi32> -> vector<16xf32>
      %add3A_199 = arith.addf %add3A_195, %gather3A_198 : vector<16xf32>
      %reshape3A_200 = vector.shape_cast %xor3A_76 : vector<16xi32> to vector<16x1xi32>
      %gather3A_201 = vector.shape_cast %reshape3A_200 : vector<16x1xi32> to vector<16xi32>
      %gather3A_202 = tpu.dynamic_gather %add3A_199[%gather3A_201] in [0] : vector<16xf32>, vector<16xi32> -> vector<16xf32>
      %add3A_203 = arith.addf %add3A_199, %gather3A_202 : vector<16xf32>
      %reshape3A_204 = vector.shape_cast %xor3A_79 : vector<16xi32> to vector<16x1xi32>
      %gather3A_205 = vector.shape_cast %reshape3A_204 : vector<16x1xi32> to vector<16xi32>
      %gather3A_206 = tpu.dynamic_gather %add3A_203[%gather3A_205] in [0] : vector<16xf32>, vector<16xi32> -> vector<16xf32>
      %add3A_207 = arith.addf %add3A_203, %gather3A_206 : vector<16xf32>
      %select_n3A_208 = arith.select %eq3A_191, %add3A_207, %add3A_188 : vector<16xi1>, vector<16xf32>
      %eq3A_209 = arith.constant 2 : i32
      %eq3A_210 = vector.broadcast %eq3A_209 : i32 to vector<16xi32>
      %eq3A_211 = arith.cmpi eq, %iota3A, %eq3A_210 : vector<16xi32>
      %reshape3A_212 = vector.shape_cast %xor3A_70 : vector<16xi32> to vector<16x1xi32>
      %gather3A_213 = vector.shape_cast %reshape3A_212 : vector<16x1xi32> to vector<16xi32>
      %gather3A_214 = tpu.dynamic_gather %parallel_loop3A_172#2[%gather3A_213] in [0] : vector<16xf32>, vector<16xi32> -> vector<16xf32>
      %add3A_215 = arith.addf %parallel_loop3A_172#2, %gather3A_214 : vector<16xf32>
      %reshape3A_216 = vector.shape_cast %xor3A_73 : vector<16xi32> to vector<16x1xi32>
      %gather3A_217 = vector.shape_cast %reshape3A_216 : vector<16x1xi32> to vector<16xi32>
      %gather3A_218 = tpu.dynamic_gather %add3A_215[%gather3A_217] in [0] : vector<16xf32>, vector<16xi32> -> vector<16xf32>
      %add3A_219 = arith.addf %add3A_215, %gather3A_218 : vector<16xf32>
      %reshape3A_220 = vector.shape_cast %xor3A_76 : vector<16xi32> to vector<16x1xi32>
      %gather3A_221 = vector.shape_cast %reshape3A_220 : vector<16x1xi32> to vector<16xi32>
      %gather3A_222 = tpu.dynamic_gather %add3A_219[%gather3A_221] in [0] : vector<16xf32>, vector<16xi32> -> vector<16xf32>
      %add3A_223 = arith.addf %add3A_219, %gather3A_222 : vector<16xf32>
      %reshape3A_224 = vector.shape_cast %xor3A_79 : vector<16xi32> to vector<16x1xi32>
      %gather3A_225 = vector.shape_cast %reshape3A_224 : vector<16x1xi32> to vector<16xi32>
      %gather3A_226 = tpu.dynamic_gather %add3A_223[%gather3A_225] in [0] : vector<16xf32>, vector<16xi32> -> vector<16xf32>
      %add3A_227 = arith.addf %add3A_223, %gather3A_226 : vector<16xf32>
      %select_n3A_228 = arith.select %eq3A_211, %add3A_227, %select_n3A_208 : vector<16xi1>, vector<16xf32>
      %eq3A_229 = arith.constant 3 : i32
      %eq3A_230 = vector.broadcast %eq3A_229 : i32 to vector<16xi32>
      %eq3A_231 = arith.cmpi eq, %iota3A, %eq3A_230 : vector<16xi32>
      %reshape3A_232 = vector.shape_cast %xor3A_70 : vector<16xi32> to vector<16x1xi32>
      %gather3A_233 = vector.shape_cast %reshape3A_232 : vector<16x1xi32> to vector<16xi32>
      %gather3A_234 = tpu.dynamic_gather %parallel_loop3A_172#3[%gather3A_233] in [0] : vector<16xf32>, vector<16xi32> -> vector<16xf32>
      %add3A_235 = arith.addf %parallel_loop3A_172#3, %gather3A_234 : vector<16xf32>
      %reshape3A_236 = vector.shape_cast %xor3A_73 : vector<16xi32> to vector<16x1xi32>
      %gather3A_237 = vector.shape_cast %reshape3A_236 : vector<16x1xi32> to vector<16xi32>
      %gather3A_238 = tpu.dynamic_gather %add3A_235[%gather3A_237] in [0] : vector<16xf32>, vector<16xi32> -> vector<16xf32>
      %add3A_239 = arith.addf %add3A_235, %gather3A_238 : vector<16xf32>
      %reshape3A_240 = vector.shape_cast %xor3A_76 : vector<16xi32> to vector<16x1xi32>
      %gather3A_241 = vector.shape_cast %reshape3A_240 : vector<16x1xi32> to vector<16xi32>
      %gather3A_242 = tpu.dynamic_gather %add3A_239[%gather3A_241] in [0] : vector<16xf32>, vector<16xi32> -> vector<16xf32>
      %add3A_243 = arith.addf %add3A_239, %gather3A_242 : vector<16xf32>
      %reshape3A_244 = vector.shape_cast %xor3A_79 : vector<16xi32> to vector<16x1xi32>
      %gather3A_245 = vector.shape_cast %reshape3A_244 : vector<16x1xi32> to vector<16xi32>
      %gather3A_246 = tpu.dynamic_gather %add3A_243[%gather3A_245] in [0] : vector<16xf32>, vector<16xi32> -> vector<16xf32>
      %add3A_247 = arith.addf %add3A_243, %gather3A_246 : vector<16xf32>
      %select_n3A_248 = arith.select %eq3A_231, %add3A_247, %select_n3A_228 : vector<16xi1>, vector<16xf32>
      %eq3A_249 = arith.constant 4 : i32
      %eq3A_250 = vector.broadcast %eq3A_249 : i32 to vector<16xi32>
      %eq3A_251 = arith.cmpi eq, %iota3A, %eq3A_250 : vector<16xi32>
      %reshape3A_252 = vector.shape_cast %xor3A_70 : vector<16xi32> to vector<16x1xi32>
      %gather3A_253 = vector.shape_cast %reshape3A_252 : vector<16x1xi32> to vector<16xi32>
      %gather3A_254 = tpu.dynamic_gather %parallel_loop3A_172#4[%gather3A_253] in [0] : vector<16xf32>, vector<16xi32> -> vector<16xf32>
      %add3A_255 = arith.addf %parallel_loop3A_172#4, %gather3A_254 : vector<16xf32>
      %reshape3A_256 = vector.shape_cast %xor3A_73 : vector<16xi32> to vector<16x1xi32>
      %gather3A_257 = vector.shape_cast %reshape3A_256 : vector<16x1xi32> to vector<16xi32>
      %gather3A_258 = tpu.dynamic_gather %add3A_255[%gather3A_257] in [0] : vector<16xf32>, vector<16xi32> -> vector<16xf32>
      %add3A_259 = arith.addf %add3A_255, %gather3A_258 : vector<16xf32>
      %reshape3A_260 = vector.shape_cast %xor3A_76 : vector<16xi32> to vector<16x1xi32>
      %gather3A_261 = vector.shape_cast %reshape3A_260 : vector<16x1xi32> to vector<16xi32>
      %gather3A_262 = tpu.dynamic_gather %add3A_259[%gather3A_261] in [0] : vector<16xf32>, vector<16xi32> -> vector<16xf32>
      %add3A_263 = arith.addf %add3A_259, %gather3A_262 : vector<16xf32>
      %reshape3A_264 = vector.shape_cast %xor3A_79 : vector<16xi32> to vector<16x1xi32>
      %gather3A_265 = vector.shape_cast %reshape3A_264 : vector<16x1xi32> to vector<16xi32>
      %gather3A_266 = tpu.dynamic_gather %add3A_263[%gather3A_265] in [0] : vector<16xf32>, vector<16xi32> -> vector<16xf32>
      %add3A_267 = arith.addf %add3A_263, %gather3A_266 : vector<16xf32>
      %select_n3A_268 = arith.select %eq3A_251, %add3A_267, %select_n3A_248 : vector<16xi1>, vector<16xf32>
      %eq3A_269 = arith.constant 5 : i32
      %eq3A_270 = vector.broadcast %eq3A_269 : i32 to vector<16xi32>
      %eq3A_271 = arith.cmpi eq, %iota3A, %eq3A_270 : vector<16xi32>
      %reshape3A_272 = vector.shape_cast %xor3A_70 : vector<16xi32> to vector<16x1xi32>
      %gather3A_273 = vector.shape_cast %reshape3A_272 : vector<16x1xi32> to vector<16xi32>
      %gather3A_274 = tpu.dynamic_gather %parallel_loop3A_172#5[%gather3A_273] in [0] : vector<16xf32>, vector<16xi32> -> vector<16xf32>
      %add3A_275 = arith.addf %parallel_loop3A_172#5, %gather3A_274 : vector<16xf32>
      %reshape3A_276 = vector.shape_cast %xor3A_73 : vector<16xi32> to vector<16x1xi32>
      %gather3A_277 = vector.shape_cast %reshape3A_276 : vector<16x1xi32> to vector<16xi32>
      %gather3A_278 = tpu.dynamic_gather %add3A_275[%gather3A_277] in [0] : vector<16xf32>, vector<16xi32> -> vector<16xf32>
      %add3A_279 = arith.addf %add3A_275, %gather3A_278 : vector<16xf32>
      %reshape3A_280 = vector.shape_cast %xor3A_76 : vector<16xi32> to vector<16x1xi32>
      %gather3A_281 = vector.shape_cast %reshape3A_280 : vector<16x1xi32> to vector<16xi32>
      %gather3A_282 = tpu.dynamic_gather %add3A_279[%gather3A_281] in [0] : vector<16xf32>, vector<16xi32> -> vector<16xf32>
      %add3A_283 = arith.addf %add3A_279, %gather3A_282 : vector<16xf32>
      %reshape3A_284 = vector.shape_cast %xor3A_79 : vector<16xi32> to vector<16x1xi32>
      %gather3A_285 = vector.shape_cast %reshape3A_284 : vector<16x1xi32> to vector<16xi32>
      %gather3A_286 = tpu.dynamic_gather %add3A_283[%gather3A_285] in [0] : vector<16xf32>, vector<16xi32> -> vector<16xf32>
      %add3A_287 = arith.addf %add3A_283, %gather3A_286 : vector<16xf32>
      %select_n3A_288 = arith.select %eq3A_271, %add3A_287, %select_n3A_268 : vector<16xi1>, vector<16xf32>
      %eq3A_289 = arith.constant 6 : i32
      %eq3A_290 = vector.broadcast %eq3A_289 : i32 to vector<16xi32>
      %eq3A_291 = arith.cmpi eq, %iota3A, %eq3A_290 : vector<16xi32>
      %reshape3A_292 = vector.shape_cast %xor3A_70 : vector<16xi32> to vector<16x1xi32>
      %gather3A_293 = vector.shape_cast %reshape3A_292 : vector<16x1xi32> to vector<16xi32>
      %gather3A_294 = tpu.dynamic_gather %parallel_loop3A_172#6[%gather3A_293] in [0] : vector<16xf32>, vector<16xi32> -> vector<16xf32>
      %add3A_295 = arith.addf %parallel_loop3A_172#6, %gather3A_294 : vector<16xf32>
      %reshape3A_296 = vector.shape_cast %xor3A_73 : vector<16xi32> to vector<16x1xi32>
      %gather3A_297 = vector.shape_cast %reshape3A_296 : vector<16x1xi32> to vector<16xi32>
      %gather3A_298 = tpu.dynamic_gather %add3A_295[%gather3A_297] in [0] : vector<16xf32>, vector<16xi32> -> vector<16xf32>
      %add3A_299 = arith.addf %add3A_295, %gather3A_298 : vector<16xf32>
      %reshape3A_300 = vector.shape_cast %xor3A_76 : vector<16xi32> to vector<16x1xi32>
      %gather3A_301 = vector.shape_cast %reshape3A_300 : vector<16x1xi32> to vector<16xi32>
      %gather3A_302 = tpu.dynamic_gather %add3A_299[%gather3A_301] in [0] : vector<16xf32>, vector<16xi32> -> vector<16xf32>
      %add3A_303 = arith.addf %add3A_299, %gather3A_302 : vector<16xf32>
      %reshape3A_304 = vector.shape_cast %xor3A_79 : vector<16xi32> to vector<16x1xi32>
      %gather3A_305 = vector.shape_cast %reshape3A_304 : vector<16x1xi32> to vector<16xi32>
      %gather3A_306 = tpu.dynamic_gather %add3A_303[%gather3A_305] in [0] : vector<16xf32>, vector<16xi32> -> vector<16xf32>
      %add3A_307 = arith.addf %add3A_303, %gather3A_306 : vector<16xf32>
      %select_n3A_308 = arith.select %eq3A_291, %add3A_307, %select_n3A_288 : vector<16xi1>, vector<16xf32>
      %eq3A_309 = arith.constant 7 : i32
      %eq3A_310 = vector.broadcast %eq3A_309 : i32 to vector<16xi32>
      %eq3A_311 = arith.cmpi eq, %iota3A, %eq3A_310 : vector<16xi32>
      %reshape3A_312 = vector.shape_cast %xor3A_70 : vector<16xi32> to vector<16x1xi32>
      %gather3A_313 = vector.shape_cast %reshape3A_312 : vector<16x1xi32> to vector<16xi32>
      %gather3A_314 = tpu.dynamic_gather %parallel_loop3A_172#7[%gather3A_313] in [0] : vector<16xf32>, vector<16xi32> -> vector<16xf32>
      %add3A_315 = arith.addf %parallel_loop3A_172#7, %gather3A_314 : vector<16xf32>
      %reshape3A_316 = vector.shape_cast %xor3A_73 : vector<16xi32> to vector<16x1xi32>
      %gather3A_317 = vector.shape_cast %reshape3A_316 : vector<16x1xi32> to vector<16xi32>
      %gather3A_318 = tpu.dynamic_gather %add3A_315[%gather3A_317] in [0] : vector<16xf32>, vector<16xi32> -> vector<16xf32>
      %add3A_319 = arith.addf %add3A_315, %gather3A_318 : vector<16xf32>
      %reshape3A_320 = vector.shape_cast %xor3A_76 : vector<16xi32> to vector<16x1xi32>
      %gather3A_321 = vector.shape_cast %reshape3A_320 : vector<16x1xi32> to vector<16xi32>
      %gather3A_322 = tpu.dynamic_gather %add3A_319[%gather3A_321] in [0] : vector<16xf32>, vector<16xi32> -> vector<16xf32>
      %add3A_323 = arith.addf %add3A_319, %gather3A_322 : vector<16xf32>
      %reshape3A_324 = vector.shape_cast %xor3A_79 : vector<16xi32> to vector<16x1xi32>
      %gather3A_325 = vector.shape_cast %reshape3A_324 : vector<16x1xi32> to vector<16xi32>
      %gather3A_326 = tpu.dynamic_gather %add3A_323[%gather3A_325] in [0] : vector<16xf32>, vector<16xi32> -> vector<16xf32>
      %add3A_327 = arith.addf %add3A_323, %gather3A_326 : vector<16xf32>
      %select_n3A_328 = arith.select %eq3A_311, %add3A_327, %select_n3A_308 : vector<16xi1>, vector<16xf32>
      %eq3A_329 = arith.constant 8 : i32
      %eq3A_330 = vector.broadcast %eq3A_329 : i32 to vector<16xi32>
      %eq3A_331 = arith.cmpi eq, %iota3A, %eq3A_330 : vector<16xi32>
      %reshape3A_332 = vector.shape_cast %xor3A_70 : vector<16xi32> to vector<16x1xi32>
      %gather3A_333 = vector.shape_cast %reshape3A_332 : vector<16x1xi32> to vector<16xi32>
      %gather3A_334 = tpu.dynamic_gather %parallel_loop3A_172#8[%gather3A_333] in [0] : vector<16xf32>, vector<16xi32> -> vector<16xf32>
      %add3A_335 = arith.addf %parallel_loop3A_172#8, %gather3A_334 : vector<16xf32>
      %reshape3A_336 = vector.shape_cast %xor3A_73 : vector<16xi32> to vector<16x1xi32>
      %gather3A_337 = vector.shape_cast %reshape3A_336 : vector<16x1xi32> to vector<16xi32>
      %gather3A_338 = tpu.dynamic_gather %add3A_335[%gather3A_337] in [0] : vector<16xf32>, vector<16xi32> -> vector<16xf32>
      %add3A_339 = arith.addf %add3A_335, %gather3A_338 : vector<16xf32>
      %reshape3A_340 = vector.shape_cast %xor3A_76 : vector<16xi32> to vector<16x1xi32>
      %gather3A_341 = vector.shape_cast %reshape3A_340 : vector<16x1xi32> to vector<16xi32>
      %gather3A_342 = tpu.dynamic_gather %add3A_339[%gather3A_341] in [0] : vector<16xf32>, vector<16xi32> -> vector<16xf32>
      %add3A_343 = arith.addf %add3A_339, %gather3A_342 : vector<16xf32>
      %reshape3A_344 = vector.shape_cast %xor3A_79 : vector<16xi32> to vector<16x1xi32>
      %gather3A_345 = vector.shape_cast %reshape3A_344 : vector<16x1xi32> to vector<16xi32>
      %gather3A_346 = tpu.dynamic_gather %add3A_343[%gather3A_345] in [0] : vector<16xf32>, vector<16xi32> -> vector<16xf32>
      %add3A_347 = arith.addf %add3A_343, %gather3A_346 : vector<16xf32>
      %select_n3A_348 = arith.select %eq3A_331, %add3A_347, %select_n3A_328 : vector<16xi1>, vector<16xf32>
      %eq3A_349 = arith.constant 9 : i32
      %eq3A_350 = vector.broadcast %eq3A_349 : i32 to vector<16xi32>
      %eq3A_351 = arith.cmpi eq, %iota3A, %eq3A_350 : vector<16xi32>
      %reshape3A_352 = vector.shape_cast %xor3A_70 : vector<16xi32> to vector<16x1xi32>
      %gather3A_353 = vector.shape_cast %reshape3A_352 : vector<16x1xi32> to vector<16xi32>
      %gather3A_354 = tpu.dynamic_gather %parallel_loop3A_172#9[%gather3A_353] in [0] : vector<16xf32>, vector<16xi32> -> vector<16xf32>
      %add3A_355 = arith.addf %parallel_loop3A_172#9, %gather3A_354 : vector<16xf32>
      %reshape3A_356 = vector.shape_cast %xor3A_73 : vector<16xi32> to vector<16x1xi32>
      %gather3A_357 = vector.shape_cast %reshape3A_356 : vector<16x1xi32> to vector<16xi32>
      %gather3A_358 = tpu.dynamic_gather %add3A_355[%gather3A_357] in [0] : vector<16xf32>, vector<16xi32> -> vector<16xf32>
      %add3A_359 = arith.addf %add3A_355, %gather3A_358 : vector<16xf32>
      %reshape3A_360 = vector.shape_cast %xor3A_76 : vector<16xi32> to vector<16x1xi32>
      %gather3A_361 = vector.shape_cast %reshape3A_360 : vector<16x1xi32> to vector<16xi32>
      %gather3A_362 = tpu.dynamic_gather %add3A_359[%gather3A_361] in [0] : vector<16xf32>, vector<16xi32> -> vector<16xf32>
      %add3A_363 = arith.addf %add3A_359, %gather3A_362 : vector<16xf32>
      %reshape3A_364 = vector.shape_cast %xor3A_79 : vector<16xi32> to vector<16x1xi32>
      %gather3A_365 = vector.shape_cast %reshape3A_364 : vector<16x1xi32> to vector<16xi32>
      %gather3A_366 = tpu.dynamic_gather %add3A_363[%gather3A_365] in [0] : vector<16xf32>, vector<16xi32> -> vector<16xf32>
      %add3A_367 = arith.addf %add3A_363, %gather3A_366 : vector<16xf32>
      %select_n3A_368 = arith.select %eq3A_351, %add3A_367, %select_n3A_348 : vector<16xi1>, vector<16xf32>
      %eq3A_369 = arith.constant 10 : i32
      %eq3A_370 = vector.broadcast %eq3A_369 : i32 to vector<16xi32>
      %eq3A_371 = arith.cmpi eq, %iota3A, %eq3A_370 : vector<16xi32>
      %reshape3A_372 = vector.shape_cast %xor3A_70 : vector<16xi32> to vector<16x1xi32>
      %gather3A_373 = vector.shape_cast %reshape3A_372 : vector<16x1xi32> to vector<16xi32>
      %gather3A_374 = tpu.dynamic_gather %parallel_loop3A_172#10[%gather3A_373] in [0] : vector<16xf32>, vector<16xi32> -> vector<16xf32>
      %add3A_375 = arith.addf %parallel_loop3A_172#10, %gather3A_374 : vector<16xf32>
      %reshape3A_376 = vector.shape_cast %xor3A_73 : vector<16xi32> to vector<16x1xi32>
      %gather3A_377 = vector.shape_cast %reshape3A_376 : vector<16x1xi32> to vector<16xi32>
      %gather3A_378 = tpu.dynamic_gather %add3A_375[%gather3A_377] in [0] : vector<16xf32>, vector<16xi32> -> vector<16xf32>
      %add3A_379 = arith.addf %add3A_375, %gather3A_378 : vector<16xf32>
      %reshape3A_380 = vector.shape_cast %xor3A_76 : vector<16xi32> to vector<16x1xi32>
      %gather3A_381 = vector.shape_cast %reshape3A_380 : vector<16x1xi32> to vector<16xi32>
      %gather3A_382 = tpu.dynamic_gather %add3A_379[%gather3A_381] in [0] : vector<16xf32>, vector<16xi32> -> vector<16xf32>
      %add3A_383 = arith.addf %add3A_379, %gather3A_382 : vector<16xf32>
      %reshape3A_384 = vector.shape_cast %xor3A_79 : vector<16xi32> to vector<16x1xi32>
      %gather3A_385 = vector.shape_cast %reshape3A_384 : vector<16x1xi32> to vector<16xi32>
      %gather3A_386 = tpu.dynamic_gather %add3A_383[%gather3A_385] in [0] : vector<16xf32>, vector<16xi32> -> vector<16xf32>
      %add3A_387 = arith.addf %add3A_383, %gather3A_386 : vector<16xf32>
      %select_n3A_388 = arith.select %eq3A_371, %add3A_387, %select_n3A_368 : vector<16xi1>, vector<16xf32>
      %eq3A_389 = arith.constant 11 : i32
      %eq3A_390 = vector.broadcast %eq3A_389 : i32 to vector<16xi32>
      %eq3A_391 = arith.cmpi eq, %iota3A, %eq3A_390 : vector<16xi32>
      %reshape3A_392 = vector.shape_cast %xor3A_70 : vector<16xi32> to vector<16x1xi32>
      %gather3A_393 = vector.shape_cast %reshape3A_392 : vector<16x1xi32> to vector<16xi32>
      %gather3A_394 = tpu.dynamic_gather %parallel_loop3A_172#11[%gather3A_393] in [0] : vector<16xf32>, vector<16xi32> -> vector<16xf32>
      %add3A_395 = arith.addf %parallel_loop3A_172#11, %gather3A_394 : vector<16xf32>
      %reshape3A_396 = vector.shape_cast %xor3A_73 : vector<16xi32> to vector<16x1xi32>
      %gather3A_397 = vector.shape_cast %reshape3A_396 : vector<16x1xi32> to vector<16xi32>
      %gather3A_398 = tpu.dynamic_gather %add3A_395[%gather3A_397] in [0] : vector<16xf32>, vector<16xi32> -> vector<16xf32>
      %add3A_399 = arith.addf %add3A_395, %gather3A_398 : vector<16xf32>
      %reshape3A_400 = vector.shape_cast %xor3A_76 : vector<16xi32> to vector<16x1xi32>
      %gather3A_401 = vector.shape_cast %reshape3A_400 : vector<16x1xi32> to vector<16xi32>
      %gather3A_402 = tpu.dynamic_gather %add3A_399[%gather3A_401] in [0] : vector<16xf32>, vector<16xi32> -> vector<16xf32>
      %add3A_403 = arith.addf %add3A_399, %gather3A_402 : vector<16xf32>
      %reshape3A_404 = vector.shape_cast %xor3A_79 : vector<16xi32> to vector<16x1xi32>
      %gather3A_405 = vector.shape_cast %reshape3A_404 : vector<16x1xi32> to vector<16xi32>
      %gather3A_406 = tpu.dynamic_gather %add3A_403[%gather3A_405] in [0] : vector<16xf32>, vector<16xi32> -> vector<16xf32>
      %add3A_407 = arith.addf %add3A_403, %gather3A_406 : vector<16xf32>
      %select_n3A_408 = arith.select %eq3A_391, %add3A_407, %select_n3A_388 : vector<16xi1>, vector<16xf32>
      %eq3A_409 = arith.constant 12 : i32
      %eq3A_410 = vector.broadcast %eq3A_409 : i32 to vector<16xi32>
      %eq3A_411 = arith.cmpi eq, %iota3A, %eq3A_410 : vector<16xi32>
      %reshape3A_412 = vector.shape_cast %xor3A_70 : vector<16xi32> to vector<16x1xi32>
      %gather3A_413 = vector.shape_cast %reshape3A_412 : vector<16x1xi32> to vector<16xi32>
      %gather3A_414 = tpu.dynamic_gather %parallel_loop3A_172#12[%gather3A_413] in [0] : vector<16xf32>, vector<16xi32> -> vector<16xf32>
      %add3A_415 = arith.addf %parallel_loop3A_172#12, %gather3A_414 : vector<16xf32>
      %reshape3A_416 = vector.shape_cast %xor3A_73 : vector<16xi32> to vector<16x1xi32>
      %gather3A_417 = vector.shape_cast %reshape3A_416 : vector<16x1xi32> to vector<16xi32>
      %gather3A_418 = tpu.dynamic_gather %add3A_415[%gather3A_417] in [0] : vector<16xf32>, vector<16xi32> -> vector<16xf32>
      %add3A_419 = arith.addf %add3A_415, %gather3A_418 : vector<16xf32>
      %reshape3A_420 = vector.shape_cast %xor3A_76 : vector<16xi32> to vector<16x1xi32>
      %gather3A_421 = vector.shape_cast %reshape3A_420 : vector<16x1xi32> to vector<16xi32>
      %gather3A_422 = tpu.dynamic_gather %add3A_419[%gather3A_421] in [0] : vector<16xf32>, vector<16xi32> -> vector<16xf32>
      %add3A_423 = arith.addf %add3A_419, %gather3A_422 : vector<16xf32>
      %reshape3A_424 = vector.shape_cast %xor3A_79 : vector<16xi32> to vector<16x1xi32>
      %gather3A_425 = vector.shape_cast %reshape3A_424 : vector<16x1xi32> to vector<16xi32>
      %gather3A_426 = tpu.dynamic_gather %add3A_423[%gather3A_425] in [0] : vector<16xf32>, vector<16xi32> -> vector<16xf32>
      %add3A_427 = arith.addf %add3A_423, %gather3A_426 : vector<16xf32>
      %select_n3A_428 = arith.select %eq3A_411, %add3A_427, %select_n3A_408 : vector<16xi1>, vector<16xf32>
      %eq3A_429 = arith.constant 13 : i32
      %eq3A_430 = vector.broadcast %eq3A_429 : i32 to vector<16xi32>
      %eq3A_431 = arith.cmpi eq, %iota3A, %eq3A_430 : vector<16xi32>
      %reshape3A_432 = vector.shape_cast %xor3A_70 : vector<16xi32> to vector<16x1xi32>
      %gather3A_433 = vector.shape_cast %reshape3A_432 : vector<16x1xi32> to vector<16xi32>
      %gather3A_434 = tpu.dynamic_gather %parallel_loop3A_172#13[%gather3A_433] in [0] : vector<16xf32>, vector<16xi32> -> vector<16xf32>
      %add3A_435 = arith.addf %parallel_loop3A_172#13, %gather3A_434 : vector<16xf32>
      %reshape3A_436 = vector.shape_cast %xor3A_73 : vector<16xi32> to vector<16x1xi32>
      %gather3A_437 = vector.shape_cast %reshape3A_436 : vector<16x1xi32> to vector<16xi32>
      %gather3A_438 = tpu.dynamic_gather %add3A_435[%gather3A_437] in [0] : vector<16xf32>, vector<16xi32> -> vector<16xf32>
      %add3A_439 = arith.addf %add3A_435, %gather3A_438 : vector<16xf32>
      %reshape3A_440 = vector.shape_cast %xor3A_76 : vector<16xi32> to vector<16x1xi32>
      %gather3A_441 = vector.shape_cast %reshape3A_440 : vector<16x1xi32> to vector<16xi32>
      %gather3A_442 = tpu.dynamic_gather %add3A_439[%gather3A_441] in [0] : vector<16xf32>, vector<16xi32> -> vector<16xf32>
      %add3A_443 = arith.addf %add3A_439, %gather3A_442 : vector<16xf32>
      %reshape3A_444 = vector.shape_cast %xor3A_79 : vector<16xi32> to vector<16x1xi32>
      %gather3A_445 = vector.shape_cast %reshape3A_444 : vector<16x1xi32> to vector<16xi32>
      %gather3A_446 = tpu.dynamic_gather %add3A_443[%gather3A_445] in [0] : vector<16xf32>, vector<16xi32> -> vector<16xf32>
      %add3A_447 = arith.addf %add3A_443, %gather3A_446 : vector<16xf32>
      %select_n3A_448 = arith.select %eq3A_431, %add3A_447, %select_n3A_428 : vector<16xi1>, vector<16xf32>
      %eq3A_449 = arith.constant 14 : i32
      %eq3A_450 = vector.broadcast %eq3A_449 : i32 to vector<16xi32>
      %eq3A_451 = arith.cmpi eq, %iota3A, %eq3A_450 : vector<16xi32>
      %reshape3A_452 = vector.shape_cast %xor3A_70 : vector<16xi32> to vector<16x1xi32>
      %gather3A_453 = vector.shape_cast %reshape3A_452 : vector<16x1xi32> to vector<16xi32>
      %gather3A_454 = tpu.dynamic_gather %parallel_loop3A_172#14[%gather3A_453] in [0] : vector<16xf32>, vector<16xi32> -> vector<16xf32>
      %add3A_455 = arith.addf %parallel_loop3A_172#14, %gather3A_454 : vector<16xf32>
      %reshape3A_456 = vector.shape_cast %xor3A_73 : vector<16xi32> to vector<16x1xi32>
      %gather3A_457 = vector.shape_cast %reshape3A_456 : vector<16x1xi32> to vector<16xi32>
      %gather3A_458 = tpu.dynamic_gather %add3A_455[%gather3A_457] in [0] : vector<16xf32>, vector<16xi32> -> vector<16xf32>
      %add3A_459 = arith.addf %add3A_455, %gather3A_458 : vector<16xf32>
      %reshape3A_460 = vector.shape_cast %xor3A_76 : vector<16xi32> to vector<16x1xi32>
      %gather3A_461 = vector.shape_cast %reshape3A_460 : vector<16x1xi32> to vector<16xi32>
      %gather3A_462 = tpu.dynamic_gather %add3A_459[%gather3A_461] in [0] : vector<16xf32>, vector<16xi32> -> vector<16xf32>
      %add3A_463 = arith.addf %add3A_459, %gather3A_462 : vector<16xf32>
      %reshape3A_464 = vector.shape_cast %xor3A_79 : vector<16xi32> to vector<16x1xi32>
      %gather3A_465 = vector.shape_cast %reshape3A_464 : vector<16x1xi32> to vector<16xi32>
      %gather3A_466 = tpu.dynamic_gather %add3A_463[%gather3A_465] in [0] : vector<16xf32>, vector<16xi32> -> vector<16xf32>
      %add3A_467 = arith.addf %add3A_463, %gather3A_466 : vector<16xf32>
      %select_n3A_468 = arith.select %eq3A_451, %add3A_467, %select_n3A_448 : vector<16xi1>, vector<16xf32>
      %eq3A_469 = arith.constant 15 : i32
      %eq3A_470 = vector.broadcast %eq3A_469 : i32 to vector<16xi32>
      %eq3A_471 = arith.cmpi eq, %iota3A, %eq3A_470 : vector<16xi32>
      %reshape3A_472 = vector.shape_cast %xor3A_70 : vector<16xi32> to vector<16x1xi32>
      %gather3A_473 = vector.shape_cast %reshape3A_472 : vector<16x1xi32> to vector<16xi32>
      %gather3A_474 = tpu.dynamic_gather %parallel_loop3A_172#15[%gather3A_473] in [0] : vector<16xf32>, vector<16xi32> -> vector<16xf32>
      %add3A_475 = arith.addf %parallel_loop3A_172#15, %gather3A_474 : vector<16xf32>
      %reshape3A_476 = vector.shape_cast %xor3A_73 : vector<16xi32> to vector<16x1xi32>
      %gather3A_477 = vector.shape_cast %reshape3A_476 : vector<16x1xi32> to vector<16xi32>
      %gather3A_478 = tpu.dynamic_gather %add3A_475[%gather3A_477] in [0] : vector<16xf32>, vector<16xi32> -> vector<16xf32>
      %add3A_479 = arith.addf %add3A_475, %gather3A_478 : vector<16xf32>
      %reshape3A_480 = vector.shape_cast %xor3A_76 : vector<16xi32> to vector<16x1xi32>
      %gather3A_481 = vector.shape_cast %reshape3A_480 : vector<16x1xi32> to vector<16xi32>
      %gather3A_482 = tpu.dynamic_gather %add3A_479[%gather3A_481] in [0] : vector<16xf32>, vector<16xi32> -> vector<16xf32>
      %add3A_483 = arith.addf %add3A_479, %gather3A_482 : vector<16xf32>
      %reshape3A_484 = vector.shape_cast %xor3A_79 : vector<16xi32> to vector<16x1xi32>
      %gather3A_485 = vector.shape_cast %reshape3A_484 : vector<16x1xi32> to vector<16xi32>
      %gather3A_486 = tpu.dynamic_gather %add3A_483[%gather3A_485] in [0] : vector<16xf32>, vector<16xi32> -> vector<16xf32>
      %add3A_487 = arith.addf %add3A_483, %gather3A_486 : vector<16xf32>
      %select_n3A_488 = arith.select %eq3A_471, %add3A_487, %select_n3A_468 : vector<16xi1>, vector<16xf32>
      %add3A_489 = arith.constant 192 : i32
      %add3A_490 = arith.addi %add3A_489, %mul3A_169 : i32
      %get3A_491 = arith.index_cast %add3A_490 : i32 to index
      %get3A_492 = tpu.vector_load %arg10[%get3A_491] {strides = array<i32>} : memref<256xi32, #tpu.memory_space<vmem>>, vector<16xi32>,
      %get3A_493 = vector.shape_cast %get3A_492 : vector<16xi32> to vector<16xi32>
      %eq3A_494 = arith.constant 0 : i32
      %eq3A_495 = vector.broadcast %eq3A_494 : i32 to vector<16xi32>
      %eq3A_496 = arith.cmpi eq, %get3A_493, %eq3A_495 : vector<16xi32>
      %jit3A_497 = arith.constant 1.000000e+00 : f32
      %jit3A_498 = arith.constant 0.000000e+00 : f32
      %broadcast_in_dim3A_499 = vector.broadcast %jit3A_497 : f32 to vector<16xf32>
      %broadcast_in_dim3A_500 = vector.broadcast %jit3A_498 : f32 to vector<16xf32>
      %select_n3A_501 = arith.select %eq3A_496, %broadcast_in_dim3A_499, %broadcast_in_dim3A_500 : vector<16xi1>, vector<16xf32>
      %mul3A_502 = arith.mulf %select_n3A_488, %select_n3A_501 : vector<16xf32>
      %add3A_503 = arith.addf %mul3A_502, %gather3A_85 : vector<16xf32>
      %swap3A = arith.index_cast %add3A_490 : i32 to index
      %swap3A_504 = tpu.vector_load %arg12[%swap3A] {strides = array<i32>} : memref<256xf32, #tpu.memory_space<vmem>>, vector<16xf32>,
      %swap3A_505 = vector.shape_cast %swap3A_504 : vector<16xf32> to vector<16xf32>
      %swap3A_506 = vector.shape_cast %add3A_503 : vector<16xf32> to vector<16xf32>
      tpu.vector_store %arg12[%swap3A], %swap3A_506 {strides = array<i32>} : memref<256xf32, #tpu.memory_space<vmem>>, vector<16xf32>,
    }
    %scan3A_164 = arith.constant 4 : i32
    %mul3A_165 = arith.constant 256 : i32
    %mul3A_166 = arith.muli %add3A, %mul3A_165 : i32
    "tpu.region"() ({
      %run_scoped3A = tpu.sem_alloc : memref<!tpu.dma_semaphore, #tpu.memory_space<semaphore_mem>>
      %dma_start3A_167 = tpu.memref_slice %arg6[%mul3A_166] : memref<8192xf32, #tpu.memory_space<hbm>> -> memref<256xf32, #tpu.memory_space<hbm>>
      %dma_start3A_168 = tpu.memref_slice %arg6[%mul3A_166] : memref<8192xf32, #tpu.memory_space<hbm>> -> memref<256xf32, #tpu.memory_space<hbm>>
      tpu.enqueue_dma source(%arg12 : memref<256xf32, #tpu.memory_space<vmem>>) target(%dma_start3A_168 : memref<256xf32, #tpu.memory_space<hbm>>) target_semaphore(%run_scoped3A : memref<!tpu.dma_semaphore, #tpu.memory_space<semaphore_mem>>)
      %dma_wait3A_169 = tpu.memref_slice %arg6[%mul3A_166] : memref<8192xf32, #tpu.memory_space<hbm>> -> memref<256xf32, #tpu.memory_space<hbm>>
      %dma_wait3A_170 = tpu.memref_slice %arg6[%mul3A_166] : memref<8192xf32, #tpu.memory_space<hbm>> -> memref<256xf32, #tpu.memory_space<hbm>>
      tpu.wait_dma2 semaphore(%run_scoped3A : memref<!tpu.dma_semaphore, #tpu.memory_space<semaphore_mem>>) src(%arg12 : memref<256xf32, #tpu.memory_space<vmem>>) dst(%dma_wait3A_170 : memref<256xf32, #tpu.memory_space<hbm>>)
      tpu.yield
    }) : () -> ()
    return
  }
}

module attributes {stable_mosaic.version = 14 : i64} {
  func.func @_tc_body(%arg0: i32, %arg1: memref<2048xi32, #tpu.memory_space<vmem>>, %arg2: memref<2048x768xf32, #tpu.memory_space<vmem>>, %arg3: memref<1x768xf32, #tpu.memory_space<vmem>>, %arg4: memref<1xf32, #tpu.memory_space<vmem>>, %arg5: memref<2048xf32, #tpu.memory_space<vmem>>) attributes {dimension_semantics = [#tpu.dimension_semantics<arbitrary>], iteration_bounds = array<i64: 4>, scalar_prefetch = 0 : i64, scratch_operands = 0 : i64, tpu.core_type = #tpu.core_type<tc>, window_params = [{transform_indices = @transform_0, window_bounds = array<i64: 2048>}, {transform_indices = @transform_1, window_bounds = array<i64: 2048, 768>}, {pipeline_mode = #tpu.pipeline_mode<synchronous>, transform_indices = @transform_2, window_bounds = array<i64: 1, 768>}, {pipeline_mode = #tpu.pipeline_mode<synchronous>, transform_indices = @transform_3, window_bounds = array<i64: 1>}, {transform_indices = @transform_4, window_bounds = array<i64: 2048>}]} {
    %get3A = arith.constant 0 : index
    %get3A_0 = arith.constant 0 : index
    %get3A_1 = vector.load %arg2[%get3A, %get3A_0] : memref<2048x768xf32, #tpu.memory_space<vmem>>, vector<2048x768xf32>
    %get3A_2 = arith.constant 0 : index
    %get3A_3 = arith.constant 0 : index
    %get3A_4 = vector.load %arg3[%get3A_2, %get3A_3] : memref<1x768xf32, #tpu.memory_space<vmem>>, vector<1x768xf32>
    %get3A_5 = vector.shape_cast %get3A_4 : vector<1x768xf32> to vector<768xf32>
    %dot_general3A = arith.constant dense<0.000000e+00> : vector<2048xf32>
    %dot_general3A_6 = tpu.matmul %get3A_1, %get3A_5, %dot_general3A {dimension_numbers = #tpu.dot_dimension_numbers<[1], [0], [0], [], [0, 0], [], []>, transpose_lhs_hint = false} : vector<2048x768xf32>, vector<768xf32>, vector<2048xf32> -> vector<2048xf32>
    %get3A_7 = arith.constant 0 : index
    %get3A_8 = vector.load %arg1[%get3A_7] : memref<2048xi32, #tpu.memory_space<vmem>>, vector<2048xi32>
    %eq3A = arith.constant 0 : i32
    %eq3A_9 = vector.broadcast %eq3A : i32 to vector<2048xi32>
    %eq3A_10 = arith.cmpi eq, %get3A_8, %eq3A_9 : vector<2048xi32>
    %jit3A = arith.constant 1.000000e+00 : f32
    %jit3A_11 = arith.constant 0.000000e+00 : f32
    %broadcast_in_dim3A = vector.broadcast %jit3A : f32 to vector<2048xf32>
    %broadcast_in_dim3A_12 = vector.broadcast %jit3A_11 : f32 to vector<2048xf32>
    %select_n3A = arith.select %eq3A_10, %broadcast_in_dim3A, %broadcast_in_dim3A_12 : vector<2048xi1>, vector<2048xf32>
    %mul3A = arith.mulf %dot_general3A_6, %select_n3A : vector<2048xf32>
    %get3A_13 = arith.constant 0 : index
    %get3A_14 = vector.load %arg4[%get3A_13] : memref<1xf32, #tpu.memory_space<vmem>>, vector<1xf32>
    %get3A_15 = vector.extract %get3A_14[0] : f32 from vector<1xf32>
    %add3A = vector.broadcast %get3A_15 : f32 to vector<2048xf32>
    %add3A_16 = arith.addf %mul3A, %add3A : vector<2048xf32>
    %swap3A = arith.constant 0 : index
    %swap3A_17 = vector.load %arg5[%swap3A] : memref<2048xf32, #tpu.memory_space<vmem>>, vector<2048xf32>
    tpu.vector_store %arg5[%swap3A], %add3A_16 {strides = array<i32>} : memref<2048xf32, #tpu.memory_space<vmem>>, vector<2048xf32>,
    return
  }
  func.func @transform_0(%arg0: i32) -> i32 {
    %c0_i32 = arith.constant 0 : i32
    return %arg0 : i32
  }
  func.func @transform_1(%arg0: i32) -> (i32, i32) {
    %c0_i32 = arith.constant 0 : i32
    %c0_i32_0 = arith.constant 0 : i32
    return %arg0, %c0_i32 : i32, i32
  }
  func.func @transform_2(%arg0: i32) -> (i32, i32) {
    %c0_i32 = arith.constant 0 : i32
    %c0_i32_0 = arith.constant 0 : i32
    %c0_i32_1 = arith.constant 0 : i32
    return %c0_i32, %c0_i32_0 : i32, i32
  }
  func.func @transform_3(%arg0: i32) -> i32 {
    %c0_i32 = arith.constant 0 : i32
    %c0_i32_0 = arith.constant 0 : i32
    return %c0_i32 : i32
  }
  func.func @transform_4(%arg0: i32) -> i32 {
    %c0_i32 = arith.constant 0 : i32
    return %arg0 : i32
  }
}

</mosaic_0001>

<sc_bundles>
// kernel: _clf_head.4.cloned.1.call-start
scs
__scs_entry_jumppad:
0x0: {  	(pc) =	sbr.rel $0x88, $3  }
0x1: {  	(tag) =	ssettag $0x0;
	lr =	simm.s32 $0x1  }
0x2: {  	[smem:$0x3F9D] =	sst lr;
	_ =	strace $0xD0000000  }
0x3: {  	_ = 	snop  }
0x4: {  	_ = 	snop  }
0x5: {  	_ = 	snop  }
0x6: {  	_ = 	snop  }
0x7: {  	_ = 	snop  }
__scs_overlays_trampoline_lowered:
0x8: {  	[smem:$0x3FAC] =	sst s0  }
0x9: {  	[smem:$0x3FAD] =	sst s1  }
0xa: {  	[smem:$0x3FAE] =	sst s2  }
0xb: {  	[smem:$0x3FAF] =	sst s3  }
0xc: {  	[smem:$0x3FB0] =	sst s4  }
0xd: {  	[smem:$0x3FB1] =	sst s5  }
0xe: {  	[smem:$0x3FB2] =	sst s6  }
0xf: {  	[smem:$0x3FB3] =	sst s7  }
0x10: {  	[smem:$0x3FB4] =	sst s8  }
0x11: {  	[smem:$0x3FB5] =	sst s9;
	s0 =	simm.s32 @!p0 $0x0  }
0x12: {  	s1 =	sld [smem:$0x3F9B];
	s0 =	simm.s32 @p0 $0x1  }
0x13: {  	[smem:$0x3FB6] =	sst s0;
	s0 =	simm.s32 @!p1 $0x0  }
0x14: {  	s2 =	sld [smem:$0x3F9A];
	s0 =	simm.s32 @p1 $0x1  }
0x15: {  	[smem:$0x3FB7] =	sst s0;
	s0 =	simm.s32 @!p2 $0x0  }
0x16: {  	s3 =	sld [smem:$0x3FDB];
	s0 =	simm.s32 @p2 $0x1  }
0x17: {  	s4 =	simm.s32 $0x1BF5;
	[smem:$0x3FB9] =	sst s0  }
0x18: {  	s0 =	sld [smem:$0x3F9C];
	_ =	swait.ge [sflag:s4], $0x0  }
0x19: {  	s7 =	sld [smem:$0x3F9D]  }
0x1a: {  	s8 =	sadd.s32 $0xFFFFE003, lr  }
0x1b: {  	s9 =	sadd.s32 $0xFFFFFEF7, lr;
	s5 =	simm.s32 $0xFFFFFFFF;
	p2 =	slt.u32 s8, $0xFFFFF086  }
0x1c: {  	p1 =	slt.u32 s9, $0xF7A;
	s5 =	simm.s32 @!p2 $0x0  }
0x1d: {  	s5 =	simm.s32 @p1 $0x1;
	p0 =	seq.s32 s7, s2  }
0x1e: {  	s7 =	smul.u32 @!p0 $0xF7A, s2;
	p2 =	seq.s32 @!p0 s5, $0x0  }
0x1f: {  	s9 =	smul.u32 $0xF7A, s1;
	s8 =	simm.s32 @!p0 $0x1BF5;
	p2 =	por !p2, p0  }
0x20: {  	[sflag:s8] =	ssyncset.s32 @!p0 $0xFFFFF086;
	s6 =	sadd.s32 @!p0 s3, s7;
	s7 =	simm.s32 @!p0 $0x108  }
0x21: {  	s3 =	sadd.s32 s3, s9;
	s6 =	sadd.s32 @!p0 $0x88, s6;
	s7 =	simm.s32 @p2 $0x1082  }
0x22: {  	[simem:s7], [sflag:s8] =	dma.local @!p0 [hbm:s6], $0xF7A  }
0x23: {  	s9 =	sor.u32 $0xD0000000, s2;
	s6 =	simm.s32 $0x108;
	_ =	swait.ge @!p0 [sflag:s8], $0x0  }
0x24: {  	s3 =	sadd.s32 $0x88, s3;
	s6 =	simm.s32 @!p1 $0x1082;
	[sflag:s4] =	ssyncset.s32 $0xFFFFF086  }
0x25: {  	[simem:s6], [sflag:s4] =	dma.local [hbm:s3], $0xF7A  }
0x26: {  	[smem:$0x3F9D] =	sst s1;
	(tag) =	ssettag s2;
	_ =	strace s9  }
0x27: {  	s1 =	sld [smem:$0x3FAD]  }
0x28: {  	s2 =	sld [smem:$0x3FAE]  }
0x29: {  	s4 =	sld [smem:$0x3FB0]  }
0x2a: {  	p0 =	seq.s32 s5, $0x0;
	s5 =	sld [smem:$0x3FB1]  }
0x2b: {  	s6 =	sld [smem:$0x3FB2]  }
0x2c: {  	s7 =	sld [smem:$0x3FB3]  }
0x2d: {  	s3 =	simm.s32 $0x108;
	s8 =	sld [smem:$0x3FB4]  }
0x2e: {  	s3 =	simm.s32 @!p0 $0x1082;
	s9 =	sld [smem:$0x3FB5]  }
0x2f: {  	lr =	sadd.s32 s0, s3;
	s0 =	sld [smem:$0x3FAC]  }
0x30: {  	s3 =	sld [smem:$0x3FAF]  }
0x31: {  	[smem:$0x3FB8] =	sst s10  }
0x32: {  	s10 =	sld [smem:$0x3FB6];
	_ =	sdelay $0x3  }
0x33: {  	p0 =	seq.s32 s10, $0x1;
	s10 =	sld [smem:$0x3FB8];
	_ =	sdelay $0x3  }
0x34: {  	[smem:$0x3FB8] =	sst s10  }
0x35: {  	s10 =	sld [smem:$0x3FB7];
	_ =	sdelay $0x3  }
0x36: {  	p1 =	seq.s32 s10, $0x1;
	s10 =	sld [smem:$0x3FB8];
	_ =	sdelay $0x3  }
0x37: {  	[smem:$0x3FB8] =	sst s10  }
0x38: {  	s10 =	sld [smem:$0x3FB9]  }
0x39: {  	_ = 	snop;
	(pc) =	sbr.ind lr, $3  }
0x3a: {  	_ = 	snop  }
0x3b: {  	_ = 	snop  }
0x3c: {  	p2 =	seq.s32 s10, $0x1;
	s10 =	sld [smem:$0x3FB8]  }
0x3d: {  	_ =	shalt  }
0x3e: {  	_ =	shalt  }
0x3f: {  	_ =	shalt  }
0x40: {  	_ =	shalt  }
0x41: {  	_ =	shalt  }
0x42: {  	_ =	shalt  }
0x43: {  	_ =	shalt  }
0x44: {  	_ =	shalt  }
0x45: {  	_ =	shalt  }
0x46: {  	_ =	shalt  }
0x47: {  	_ =	shalt  }
0x48: {  	_ =	shalt  }
0x49: {  	_ =	shalt  }
0x4a: {  	_ =	shalt  }
0x4b: {  	_ =	shalt  }
0x4c: {  	_ =	shalt  }
0x4d: {  	_ =	shalt  }
0x4e: {  	_ =	shalt  }
0x4f: {  	_ =	shalt  }
0x50: {  	_ =	shalt  }
0x51: {  	_ =	shalt  }
0x52: {  	_ =	shalt  }
0x53: {  	_ =	shalt  }
0x54: {  	_ =	shalt  }
0x55: {  	_ =	shalt  }
0x56: {  	_ =	shalt  }
0x57: {  	_ =	shalt  }
0x58: {  	_ =	shalt  }
0x59: {  	_ =	shalt  }
0x5a: {  	_ =	shalt  }
0x5b: {  	_ =	shalt  }
0x5c: {  	_ =	shalt  }
0x5d: {  	_ =	shalt  }
0x5e: {  	_ =	shalt  }
0x5f: {  	_ =	shalt  }
0x60: {  	_ =	shalt  }
0x61: {  	_ =	shalt  }
0x62: {  	_ =	shalt  }
0x63: {  	_ =	shalt  }
0x64: {  	_ =	shalt  }
0x65: {  	_ =	shalt  }
0x66: {  	_ =	shalt  }
0x67: {  	_ =	shalt  }
0x68: {  	_ =	shalt  }
0x69: {  	_ =	shalt  }
0x6a: {  	_ =	shalt  }
0x6b: {  	_ =	shalt  }
0x6c: {  	_ =	shalt  }
0x6d: {  	_ =	shalt  }
0x6e: {  	_ =	shalt  }
0x6f: {  	_ =	shalt  }
0x70: {  	_ =	shalt  }
0x71: {  	_ =	shalt  }
0x72: {  	_ =	shalt  }
0x73: {  	_ =	shalt  }
0x74: {  	_ =	shalt  }
0x75: {  	_ =	shalt  }
0x76: {  	_ =	shalt  }
0x77: {  	_ =	shalt  }
0x78: {  	_ =	shalt  }
0x79: {  	_ =	shalt  }
0x7a: {  	_ =	shalt  }
0x7b: {  	_ =	shalt  }
0x7c: {  	_ =	shalt  }
0x7d: {  	_ =	shalt  }
0x7e: {  	_ =	shalt  }
0x7f: {  	_ =	shalt  }
0x80: {  	_ =	shalt  }
0x81: {  	_ =	shalt  }
0x82: {  	_ =	shalt  }
0x83: {  	_ =	shalt  }
0x84: {  	_ =	shalt  }
0x85: {  	_ =	shalt  }
0x86: {  	_ =	shalt  }
0x87: {  	_ =	shalt  }
.Lfunc_end0:
.L_simem_size_0:
called_computation_lowered:
.L_overlay_start_0:
0x88: {  	s2 =	sld [smem:$0x3FD9]  }
0x89: {  	s3 =	sld [smem:$0x3FFE];
	_ =	sdelay $0x1  }
0x8a: {  	s1 =	srdreg.scid  }
0x8b: {  	s0 =	sand.u32 $0x1, s1  }
0x8c: {  	s18 =	sshll.u32 s0, $0xA;
	s2 =	sadd.s32 s3, s2  }
0x8d: {  	s2 =	sadd.s32 s2, s18  }
0x8e: {  	[smem:$0x3FC4] =	sst s2  }
0x8f: {  	_ = 	snop  }
0x90: {  	s2 =	sld [smem:$0x3FC9]  }
0x91: {  	s19 =	sld [smem:$0x3FC8]  }
0x92: {  	s4 =	sld [smem:$0x3FC7]  }
0x93: {  	s5 =	sld [smem:$0x3FC6]  }
0x94: {  	s6 =	sld [smem:$0x3FD0];
	(tm) =	ssettm $0x1  }
0x95: {  	s7 =	sld [smem:$0x3FFB];
	_ =	sdelay $0x3  }
0x96: {  	_ =	strace s7  }
0x97: {  	s7 =	sld [smem:$0x3FFC];
	_ =	sdelay $0x3  }
0x98: {  	_ =	strace s7  }
0x99: {  	s7 =	sld [smem:$0x3FFD];
	_ =	sdelay $0x3  }
0x9a: {  	_ =	strace s7  }
0x9b: {  	_ =	strace $0x8FFFFFFF  }
0x9c: {  	s20 =	sld [smem:$0x3FDB];
	_ =	sdelay $0x1  }
0x9d: {  	s8 =	simm.s32 $_scs_section_size  }
0x9e: {  	s9 =	simm.s32 $_size__tile_overlayer_lowered;
	s10 =	simm.s32 $_tile_overlayer_lowered  }
0x9f: {  	s23 =	simm.s32 $0x1BFF;
	s22 =	sshll.u32 s10, $0x1;
	s7 =	sadd.s32 s8, s20  }
0xa0: {  	s11 =	simm.s32 $0x0;
	s21 =	sshll.u32 s9, $0x1;
	s9 =	sadd.s32 s22, s7  }
0xa1: {  	[timem:s11], [sflag:s23] =	dma.local [hbm:s9], s21  }
0xa2: {  	_ =	swait.ge [sflag:s23], s21  }
0xa3: {  	s8 =	ssub.s32 $0x0, s21;
	[sflag:s23] =	ssyncset.done $0x0  }
0xa4: {  	[sflag:s23] =	ssyncadd.s32 s8;
	_ =	sdelay $0x1  }
0xa5: {  	s24 =	simm.s32 $0x1B8B  }
0xa6: {  	_ =	swait.ge [sflag:s24], $0x1  }
0xa7: {  	[sflag:s24] =	ssyncset.done $0x0  }
0xa8: {  	s25 =	simm.s32 $0x1B8E;
	[sflag:s24] =	ssyncadd.s32 $0xFFFFFFFF  }
0xa9: {  	s26 =	simm.s32 $execute0_lowered;
	[smem:$0x3FD2] =	sst s25  }
0xaa: {  	s8 =	sshll.u32 s26, $0x1;
	_ =	strace $0x80000046;
	[dreg:$0x1] =	wrdreg $0xFFFFFFFF  }
0xab: {  	s28 =	simm.s32 $_size_execute0_lowered;
	s7 =	sadd.s32 s7, s8;
	[dreg:$0x0] =	wrdreg $0x0  }
0xac: {  	s8 =	sshll.u32 s28, $0x1;
	[dreg:$0x2] =	wrdreg s7  }
0xad: {  	[dreg:$0x3] =	wrdreg s8  }
0xae: {  	[dreg:$0x4] =	wrdreg $0xC0  }
0xaf: {  	_ =	task [dreg:s11], $0x5FFFF  }
0xb0: {  	[dreg:$0x1] =	wrdreg $0xFFFFFFFF  }
0xb1: {  	[dreg:$0x0] =	wrdreg $0x60  }
0xb2: {  	[dreg:$0x2] =	wrdreg s2  }
0xb3: {  	[dreg:$0x3] =	wrdreg s19  }
0xb4: {  	[dreg:$0x4] =	wrdreg s4  }
0xb5: {  	[dreg:$0x5] =	wrdreg s5  }
0xb6: {  	[dreg:$0x6] =	wrdreg s6  }
0xb7: {  	[dreg:$0x7] =	wrdreg $0x9  }
0xb8: {  	_ =	task.clear_ibuf [dreg:s11], $0x8FFFF;
	_ =	strace $0x90000046  }
0xb9: {  	s29 =	simm.s32 $0x9;
	_ =	strace $0x80000048  }
0xba: {  	_ =	swait.ge [sflag:s29], $0x1  }
0xbb: {  	[sflag:s29] =	ssyncadd.s32 $0xFFFFFFFF  }
0xbc: {  	_ =	strace $0x90000048  }
0xbd: {  	_ =	sfence  }
0xbe: {  	s30 =	sld [smem:$0x0];
	_ =	sdelay $0x2  }
0xbf: {  	s31 =	sshll.u32 s1, $0xD;
	s1 =	sshrl.u32 s1, $0x2  }
0xc0: {  	s3 =	sand.u32 $0x4000, s31;
	s1 =	sadd.s32 s1, s30  }
0xc1: {  	s0 =	sor.u32 s3, s0;
	s1 =	sshll.u32 s1, $0x11  }
0xc2: {  	s0 =	sor.u32 s1, s0  }
0xc3: {  	s0 =	sadd.s32 $0x8F2B, s0  }
0xc4: {  	[sflag:s0] =	ssyncadd.remote.s32 $0x1  }
0xc5: {  	_ =	sfence.sel $0xFFFF  }
0xc6: {  	[dreg:$0x0] =	wrdreg $0xFFFFFFFF;
	(pc) =	sbr.abs _section_cstart, $3  }
0xc7: {  	[dreg:$0x1] =	wrdreg $0xFFFFFFFF  }
0xc8: {  	_ =	task.clear_ibuf [dreg:s11], $0x2FFFF;
	_ =	strace $0x9FFFFFFF  }
0xc9: {  	(tm) =	ssettm $0x7FFFFFFF  }
tec
execute0_lowered:
.L_overlay_start_1:
0x0: {  	(tag) =	ssettag $0x1  }
0x1: {  	v0 =	vimm.s32 $0xFEDCBA98  }
0x2: {  	s0 =	rddreg [dreg:$0x0];
	v1 =	vimm.s32 $0x76543210;
	v2 =	vimm.s32 $0xBA98FEDC;
	v3 =	vimm.s32 $0x32107654  }
0x3: {  	s1 =	srdreg.scid;
	s3 =	rddreg [dreg:$0x1];
	v4 =	vimm.s32 $0xDCFE98BA;
	v5 =	vimm.s32 $0x54761032;
	v6 =	vimm.s32 $0xEFCDAB89  }
0x4: {  	s2 =	stileid.u32;
	s10 =	rddreg [dreg:$0x4];
	v7 =	vimm.s32 $0x67452301;
	vm0 =	vmmov $0x1;
	vm1 =	vmmov $0x3;
	s12 =	simm.s32 $0x18000  }
0x5: {  	vm2 =	vmmov $0x7;
	vm3 =	vmmov $0xf;
	s13 =	simm.s32 $0x18400;
	s14 =	simm.s32 $0x80;
	vm4 =	vmmov $0x1f;
	s15 =	simm.s32 $0x400  }
0x6: {  	vm5 =	vmmov $0x3f;
	vm6 =	vmmov $0x7f;
	s16 =	simm.s32 $0x18300;
	s17 =	simm.s32 $0x3;
	vm7 =	vmmov $0xff;
	s18 =	simm.s32 $0xC000  }
0x7: {  	vm8 =	vmmov $0x1ff;
	vm9 =	vmmov $0x3ff;
	s19 =	simm.s32 $0x1;
	vm10 =	vmmov $0x7ff;
	s20 =	simm.s32 $0x2;
	s1 =	sand.u32 $0x1, s1  }
0x8: {  	vm11 =	vmmov $0xfff;
	vm12 =	vmmov $0x1fff;
	vm13 =	vmmov $0x3fff;
	s21 =	simm.s32 $0x18480;
	s4 =	sshll.u32 s2, $0x9;
	s5 =	sshll.u32 s1, $0x8  }
0x9: {  	s22 =	simm.s32 $0x4;
	v0 =	vunpack.c.l.s4.s8 v0;
	v1 =	vunpack.c.l.s4.s8 v1;
	s28 =	sshrl.u32 s2, $0x2;
	v2 =	vunpack.c.l.s4.s8 v2;
	s9 =	sor.u32 s5, s4  }
0xa: {  	s23 =	simm.s32 $0x0;
	v3 =	vunpack.c.l.s4.s8 v3;
	v4 =	vunpack.c.l.s4.s8 v4;
	v5 =	vunpack.c.l.s4.s8 v5;
	s29 =	sor.u32 $0x4, s28;
	s6 =	sand.u32 $0x700, s9  }
0xb: {  	v6 =	vunpack.c.l.s4.s8 v6;
	v7 =	vunpack.c.l.s4.s8 v7;
	s1 =	ssub.s32 $0x2, s1;
	v0 =	vunpack.c.0.s8.s32 v0;
	s7 =	smul.u32 $0x180000, s29;
	s8 =	sshrl.u32 s6, $0x3  }
0xc: {  	s4 =	simm.s32 $0x0;
	v2 =	vunpack.c.0.s8.s32 v2;
	v3 =	vunpack.c.0.s8.s32 v3;
	v4 =	vunpack.c.0.s8.s32 v4;
	s5 =	sshll.u32 s29, $0x4;
	s8 =	smul.u32 $0x1800, s8  }
0xd: {  	v5 =	vunpack.c.0.s8.s32 v5;
	v6 =	vunpack.c.0.s8.s32 v6;
	v7 =	vunpack.c.0.s8.s32 v7;
	s30 =	sshrl.u32 s1, $0x1;
	[smem:$0x7FF] =	sst s4;
	s3 =	sadd.s32 s3, s5  }
0xe: {  	vm14 =	vmmov $0x7fff;
	v1 =	vunpack.c.0.s8.s32 v1;
	s1 =	ssub.s32 s1, s30;
	s31 =	sshrl.u32 s9, $0x3;
	v2 =	vcombine.low v3, v2;
	s7 =	sadd.s32 s7, s8  }
0xf: {  	_ =	strace $0x80000047;
	v3 =	vcombine.low v5, v4;
	v4 =	vand.u32 $0xF, v0;
	v5 =	vcombine.low v7, v6;
	s6 =	sadd.s32 s6, s3;
	s7 =	sshrl.u32 s7, $0x3  }
0x10: {  	v0 =	vimm.s32 $0x0;
	s10 =	sadd.s32 s10, s31;
	s11 =	smax.u32 s1, $0x1;
	v1 =	vcombine.low v4, v1;
	v2 =	vand.u32 $0xF, v2;
	s5 =	sadd.s32 s0, s7  }
0x11: {  	v3 =	vand.u32 $0xF, v3;
	v4 =	vand.u32 $0xF, v5;
	v5 =	vimm.f32 $0.0e+00;
	s7 =	sadd.s32 $0x1800, s5;
	s8 =	sadd.s32 $0x3000, s5;
	s9 =	sadd.s32 $0x4800, s5  }
.LBB2_1:
0x12: {  	[tilespmem:s4], [sflag:$0x1] =	stream.linear.gather [hbm4b:s5+s4], $0xC000, $0x38;
	[tilespmem:$0x18580] =	vst v63  }
0x13: {  	s0 =	rddreg [dreg:$0x2]  }
0x14: {  	[tilespmem:s12], [sflag:$0x3] =	stream.linear.gather [hbm4b:s0+s4], $0x300, $0x38;
	[tilespmem:$0x18580] =	vst v63  }
0x15: {  	s31 =	rddreg [dreg:$0x3]  }
0x16: {  	[tilespmem:s13], [sflag:$0x3] =	stream.linear.gather [hbm4b:s31+s4], $0x1, $0x38;
	[tilespmem:$0x18580] =	vst v63  }
0x17: {  	_ = 	snop  }
0x18: {  	[tilespmem:s16], [sflag:$0x3] =	stream.strided.gather [hbm4b:s6+s14], $0x100, s15, s14, $0x38;
	[tilespmem:$0x18580] =	vst v63  }
0x19: {  	_ =	swait.ge [sflag:s17], $0x300  }
0x1a: {  	[sflag:s17] =	ssyncset.done $0x0  }
0x1b: {  	[sflag:s17] =	ssyncadd.s32 $0xFFFFFD00  }
0x1c: {  	_ =	swait.ge [sflag:s17], $0x1  }
0x1d: {  	[sflag:s17] =	ssyncset.done $0x0  }
0x1e: {  	[sflag:s17] =	ssyncadd.s32 $0xFFFFFFFF  }
0x1f: {  	_ =	swait.ge [sflag:s17], $0x100  }
0x20: {  	[sflag:s17] =	ssyncset.done $0x0  }
0x21: {  	[sflag:s17] =	ssyncadd.s32 $0xFFFFFF00  }
0x22: {  	v6 =	vld [tilespmem:$0x18400];
	_ =	sdelay $0x1  }
0x23: {  	[tilespmem:s18], [sflag:$0x2] =	stream.linear.gather [hbm4b:s7+s4], $0xC000, $0x38;
	[tilespmem:$0x18580] =	vst v63  }
0x24: {  	_ =	swait.ge [sflag:s19], $0xC000  }
0x25: {  	[sflag:s19] =	ssyncset.done $0x0  }
0x26: {  	s24 =	simm.s32 $0x0;
	[sflag:s19] =	ssyncadd.s32 $0xFFFF4000;
	v6 =	vperm.xlane v6, v0  }
.LBB2_2:
0x27: {  	s0 =	smul.u32 $0xC000, s24  }
0x28: {  	s1 =	simm.s32 $0x0  }
0x29: {  	s2 =	sand.u32 $0x1C00, s1;
	s26 =	sshra.s32 s0, $0x2  }
0x2a: {  	s3 =	simm.s32 $0x18000;
	s1 =	sand.u32 $0x70, s1;
	s25 =	sadd.s32 s2, s26  }
0x2b: {  	v7 =	vld [tilespmem:s3+$0x0];
	s28 =	sadd.s32 s1, s25  }
0x2c: {  	v8 =	vld [tilespmem:s28+$0x1B80]  }
0x2d: {  	v9 =	vld [tilespmem:s28+$0x0]  }
0x2e: {  	v10 =	vld [tilespmem:s28+$0x80]  }
0x2f: {  	v12 =	vld [tilespmem:s28+$0x100]  }
0x30: {  	v13 =	vld [tilespmem:s28+$0x180]  }
0x31: {  	v19 =	vld [tilespmem:s28+$0x380]  }
0x32: {  	s25 =	sadd.s32 $0x1800, s26;
	v14 =	vld [tilespmem:s28+$0x200]  }
0x33: {  	v17 =	vld [tilespmem:s28+$0x280];
	s0 =	sadd.s32 s2, s25  }
0x34: {  	v16 =	vimm.f32 $0.0e+00;
	v21 =	vimm.f32 $0.0e+00;
	v18 =	vld [tilespmem:s28+$0x300];
	s0 =	sadd.s32 s1, s0  }
0x35: {  	v23 =	vimm.f32 $0.0e+00;
	v20 =	vld [tilespmem:s0+$0x0];
	v8 =	vmul.f32 v8, v7;
	v9 =	vmul.f32 v9, v7  }
0x36: {  	v22 =	vimm.f32 $0.0e+00;
	v10 =	vmul.f32 v10, v7;
	v29 =	vmul.f32 v19, v7  }
0x37: {  	v19 =	vimm.f32 $0.0e+00;
	v11 =	vadd.f32 v9, v16;
	v9 =	vmul.f32 v12, v7  }
0x38: {  	v27 =	vld [tilespmem:s28+$0x1880];
	v15 =	vadd.f32 v8, v16;
	v12 =	vmul.f32 v13, v7;
	v13 =	vmul.f32 v14, v7  }
0x39: {  	v25 =	vld [tilespmem:s28+$0x1900];
	v8 =	vadd.f32 v10, v16;
	v14 =	vmul.f32 v17, v7;
	v17 =	vmul.f32 v18, v7  }
0x3a: {  	v24 =	vld [tilespmem:s28+$0x1980];
	v30 =	vmul.f32 v20, v7;
	v18 =	vimm.f32 $0.0e+00;
	v9 =	vadd.f32 v9, v16  }
0x3b: {  	s29 =	simm.s32 $0x80;
	s31 =	simm.s32 $0x20;
	v26 =	vld [tilespmem:s28+$0x1A00];
	v20 =	vimm.f32 $0.0e+00;
	v10 =	vadd.f32 v12, v16;
	v12 =	vadd.f32 v13, v16  }
0x3c: {  	s30 =	simm.s32 $0x18010;
	s3 =	simm.s32 $0x10;
	v28 =	vld [tilespmem:s28+$0x1A80];
	s1 =	sand.u32 $0x1C00, s29;
	v13 =	vadd.f32 v14, v16;
	v14 =	vadd.f32 v17, v16;
	v17 =	vimm.f32 $0.0e+00  }
.LBB2_3:
0x3d: {  	p0 =	sne.s32 s31, $0x2F0;
	s0 =	sand.u32 $0x70, s3;
	s3 =	sadd.s32 s1, s26;
	v16 =	vadd.f32 v29, v16;
	v27 =	vmul.f32 v27, v7;
	v29 =	vld [tilespmem:s28+$0x1B00]  }
0x3e: {  	s1 =	sadd.s32 s1, s25;
	v31 =	vld [tilespmem:s30+$0x0];
	s28 =	sadd.s32 s0, s3;
	v21 =	vadd.f32 v30, v21;
	v25 =	vmul.f32 v25, v7;
	s3 =	smov.u32 s31  }
0x3f: {  	s0 =	sadd.s32 s0, s1;
	v30 =	vld [tilespmem:s28+$0x1B80];
	v23 =	vadd.f32 v27, v23;
	v24 =	vmul.f32 v24, v7  }
0x40: {  	v27 =	vld [tilespmem:s28+$0x0];
	v22 =	vadd.f32 v25, v22;
	v25 =	vmul.f32 v26, v7  }
0x41: {  	v26 =	vld [tilespmem:s28+$0x80];
	v18 =	vadd.f32 v24, v18;
	v24 =	vmul.f32 v28, v7  }
0x42: {  	v28 =	vld [tilespmem:s28+$0x100];
	v20 =	vadd.f32 v25, v20;
	v25 =	vmul.f32 v29, v7  }
0x43: {  	v29 =	vld [tilespmem:s28+$0x180];
	v19 =	vadd.f32 v24, v19;
	v7 =	vmov v31  }
0x44: {  	v24 =	vld [tilespmem:s28+$0x200];
	v30 =	vmul.f32 v30, v7;
	v17 =	vadd.f32 v25, v17  }
0x45: {  	v25 =	vmul.f32 v27, v7;
	v31 =	vld [tilespmem:s28+$0x280]  }
0x46: {  	v26 =	vmul.f32 v26, v7;
	v32 =	vld [tilespmem:s28+$0x300];
	v15 =	vadd.f32 v30, v15  }
0x47: {  	v11 =	vadd.f32 v25, v11;
	v25 =	vmul.f32 v28, v7;
	v28 =	vld [tilespmem:s28+$0x380]  }
0x48: {  	v8 =	vadd.f32 v26, v8;
	v26 =	vmul.f32 v29, v7;
	v30 =	vld [tilespmem:s0+$0x0]  }
.Ltmp0:
0x49: {  	v9 =	vadd.f32 v25, v9;
	v24 =	vmul.f32 v24, v7;
	v27 =	vld [tilespmem:s28+$0x1880];
	(pc) =	sbr.rel @p0 .LBB2_3-.Ltmp0, $4  }
0x4a: {  	v10 =	vadd.f32 v26, v10;
	v26 =	vmul.f32 v31, v7;
	v25 =	vld [tilespmem:s28+$0x1900]  }
0x4b: {  	v12 =	vadd.f32 v24, v12;
	v31 =	vmul.f32 v32, v7;
	v24 =	vld [tilespmem:s28+$0x1980]  }
0x4c: {  	s29 =	sadd.s32 $0x80, s29;
	v13 =	vadd.f32 v26, v13;
	v29 =	vmul.f32 v28, v7;
	v26 =	vld [tilespmem:s28+$0x1A00]  }
0x4d: {  	s1 =	sand.u32 $0x1C00, s29;
	s31 =	sadd.s32 $0x10, s31;
	s30 =	sadd.s32 $0x10, s30;
	v14 =	vadd.f32 v31, v14;
	v30 =	vmul.f32 v30, v7;
	v28 =	vld [tilespmem:s28+$0x1A80]  }
0x4e: {  	s3 =	sand.u32 $0x70, s3;
	s0 =	sadd.s32 s1, s26;
	v31 =	vld [tilespmem:s28+$0x1B00]  }
0x4f: {  	v32 =	vld [tilespmem:s30+$0x0];
	s0 =	sadd.s32 s3, s0  }
0x50: {  	v33 =	vld [tilespmem:s0+$0x1B80]  }
0x51: {  	v34 =	vld [tilespmem:s0+$0x0]  }
0x52: {  	v35 =	vld [tilespmem:s0+$0x80]  }
0x53: {  	v36 =	vld [tilespmem:s0+$0x100]  }
0x54: {  	v62 =	vld [tilespmem:s0+$0x180]  }
0x55: {  	v63 =	vld [tilespmem:s0+$0x200]  }
0x56: {  	v27 =	vmul.f32 v27, v7;
	v39 =	vld [tilespmem:s0+$0x280]  }
0x57: {  	v16 =	vadd.f32 v29, v16;
	s30 =	sadd.s32 s1, s25;
	v25 =	vmul.f32 v25, v7;
	v41 =	vld [tilespmem:s0+$0x300]  }
0x58: {  	v21 =	vadd.f32 v30, v21;
	s1 =	sadd.s32 s3, s30;
	v23 =	vadd.f32 v27, v23;
	v24 =	vmul.f32 v24, v7;
	v43 =	vld [tilespmem:s0+$0x380]  }
0x59: {  	v47 =	vld [tilespmem:s1+$0x0];
	v22 =	vadd.f32 v25, v22;
	v37 =	vmul.f32 v26, v7;
	v38 =	vmul.f32 v28, v7  }
0x5a: {  	v50 =	vld [tilespmem:s0+$0x1880];
	v18 =	vadd.f32 v24, v18;
	v7 =	vmul.f32 v31, v7;
	v40 =	vmul.f32 v33, v32  }
0x5b: {  	v53 =	vld [tilespmem:s0+$0x1900];
	v20 =	vadd.f32 v37, v20;
	v42 =	vmul.f32 v34, v32;
	v44 =	vmul.f32 v35, v32  }
0x5c: {  	v58 =	vld [tilespmem:s0+$0x1980];
	v19 =	vadd.f32 v38, v19;
	v45 =	vmul.f32 v36, v32;
	v46 =	vmul.f32 v62, v32  }
0x5d: {  	v60 =	vld [tilespmem:s0+$0x1A00];
	v17 =	vadd.f32 v7, v17;
	v48 =	vmul.f32 v63, v32;
	v49 =	vmul.f32 v39, v32  }
0x5e: {  	v37 =	vld [tilespmem:s0+$0x1B00];
	v51 =	vmul.f32 v41, v32;
	v52 =	vmul.f32 v43, v32;
	v7 =	vadd.f32 v40, v15  }
0x5f: {  	v56 =	vmul.f32 v47, v32;
	v11 =	vadd.f32 v42, v11;
	v8 =	vadd.f32 v44, v8  }
0x60: {  	v24 =	vmul.f32 v50, v32;
	v9 =	vadd.f32 v45, v9;
	v10 =	vadd.f32 v46, v10  }
0x61: {  	v63 =	vmul.f32 v53, v32;
	v12 =	vadd.f32 v48, v12;
	v13 =	vadd.f32 v49, v13  }
0x62: {  	v36 =	vmul.f32 v58, v32;
	v14 =	vadd.f32 v51, v14;
	v15 =	vadd.f32 v52, v16  }
0x63: {  	v23 =	vadd.f32 v24, v23;
	v16 =	vmul.f32 v60, v32;
	v24 =	vmul.f32 v37, v32  }
0x64: {  	v21 =	vadd.f32 v56, v21;
	v54 =	vperm.xlane v11, v1;
	v55 =	vperm.xlane v8, v1  }
0x65: {  	v34 =	vld [tilespmem:s0+$0x1A80];
	v22 =	vadd.f32 v63, v22;
	v57 =	vperm.xlane v9, v1;
	v59 =	vperm.xlane v10, v1  }
0x66: {  	v18 =	vadd.f32 v36, v18;
	v46 =	vperm.xlane v12, v1;
	v47 =	vperm.xlane v13, v1  }
0x67: {  	v16 =	vadd.f32 v16, v20;
	v49 =	vperm.xlane v14, v1;
	v51 =	vperm.xlane v15, v1  }
0x68: {  	v53 =	vperm.xlane v21, v1;
	v17 =	vadd.f32 v24, v17;
	v11 =	vadd.f32 v54, v11  }
0x69: {  	v36 =	vperm.xlane v18, v1;
	v8 =	vadd.f32 v55, v8;
	v9 =	vadd.f32 v57, v9  }
0x6a: {  	v26 =	vmul.f32 v34, v32;
	v10 =	vadd.f32 v59, v10;
	v48 =	vadd.f32 v46, v12  }
0x6b: {  	v34 =	vperm.xlane v22, v1;
	v50 =	vadd.f32 v47, v13;
	v12 =	vadd.f32 v49, v14  }
0x6c: {  	v55 =	vperm.xlane v23, v1;
	v14 =	vadd.f32 v53, v21;
	v61 =	vperm.xlane v11, v2  }
0x6d: {  	v19 =	vadd.f32 v26, v19;
	v62 =	vperm.xlane v8, v2;
	v33 =	vperm.xlane v9, v2  }
0x6e: {  	v37 =	vadd.f32 v34, v22;
	v35 =	vperm.xlane v10, v2;
	v52 =	vperm.xlane v48, v2  }
0x6f: {  	v54 =	vperm.xlane v50, v2;
	v56 =	vperm.xlane v12, v2;
	v11 =	vadd.f32 v61, v11  }
0x70: {  	v59 =	vperm.xlane v14, v2;
	v8 =	vadd.f32 v62, v8;
	v9 =	vadd.f32 v33, v9  }
0x71: {  	v10 =	vadd.f32 v35, v10;
	v12 =	vadd.f32 v56, v12;
	v38 =	vperm.xlane v11, v3  }
0x72: {  	v13 =	vadd.f32 v59, v14;
	v39 =	vperm.xlane v8, v3;
	v40 =	vperm.xlane v9, v3  }
0x73: {  	v41 =	vperm.xlane v10, v3;
	v62 =	vperm.xlane v12, v3;
	v11 =	vadd.f32 v38, v11  }
0x74: {  	v25 =	vperm.xlane v13, v3;
	v8 =	vadd.f32 v39, v8;
	v9 =	vadd.f32 v40, v9  }
0x75: {  	v10 =	vadd.f32 v41, v10;
	v12 =	vadd.f32 v62, v12;
	v38 =	vperm.xlane v16, v1  }
0x76: {  	v13 =	vadd.f32 v25, v13;
	v40 =	vperm.xlane v19, v1;
	v42 =	vperm.xlane v11, v4  }
0x77: {  	v39 =	vadd.f32 v36, v18;
	v43 =	vperm.xlane v8, v4;
	v44 =	vperm.xlane v9, v4  }
0x78: {  	v45 =	vperm.xlane v10, v4;
	v27 =	vperm.xlane v12, v4;
	v11 =	vadd.f32 v42, v11  }
0x79: {  	v30 =	vperm.xlane v13, v4;
	v8 =	vadd.f32 v43, v8;
	v9 =	vadd.f32 v44, v9  }
0x7a: {  	v41 =	vperm.xlane v37, v2;
	v10 =	vadd.f32 v45, v10;
	v29 =	vadd.f32 v27, v12  }
0x7b: {  	v33 =	vadd.f32 v30, v13;
	v8 =	vsel vm0, v11, v8;
	v11 =	vadd.f32 v51, v15  }
0x7c: {  	v15 =	vadd.f32 v55, v23;
	v8 =	vsel vm1, v8, v9;
	v9 =	vadd.f32 v52, v48  }
0x7d: {  	v8 =	vsel vm2, v8, v10;
	v10 =	vadd.f32 v54, v50;
	v57 =	vperm.xlane v11, v2  }
0x7e: {  	v12 =	vadd.f32 v38, v16;
	v61 =	vperm.xlane v15, v2;
	v58 =	vperm.xlane v9, v3  }
0x7f: {  	v44 =	vperm.xlane v7, v1;
	v60 =	vperm.xlane v10, v3;
	v11 =	vadd.f32 v57, v11  }
0x80: {  	v45 =	vperm.xlane v12, v2;
	v15 =	vadd.f32 v61, v15;
	v9 =	vadd.f32 v58, v9  }
0x81: {  	v7 =	vadd.f32 v44, v7;
	v10 =	vadd.f32 v60, v10;
	v63 =	vperm.xlane v11, v3  }
0x82: {  	v12 =	vadd.f32 v45, v12;
	v26 =	vperm.xlane v15, v3;
	v24 =	vperm.xlane v9, v4  }
0x83: {  	v50 =	vperm.xlane v7, v2;
	v23 =	vperm.xlane v10, v4;
	v11 =	vadd.f32 v63, v11  }
0x84: {  	v42 =	vperm.xlane v17, v1;
	v14 =	vadd.f32 v26, v15;
	v9 =	vadd.f32 v24, v9  }
0x85: {  	v7 =	vadd.f32 v50, v7;
	v10 =	vadd.f32 v23, v10;
	v28 =	vperm.xlane v11, v4  }
0x86: {  	v32 =	vperm.xlane v14, v4;
	v8 =	vsel vm3, v8, v9;
	v9 =	vadd.f32 v41, v37  }
0x87: {  	v43 =	vperm.xlane v39, v2;
	v31 =	vadd.f32 v28, v11;
	v11 =	vadd.f32 v40, v19  }
0x88: {  	v51 =	vperm.xlane v12, v3;
	v35 =	vadd.f32 v32, v14;
	v14 =	vadd.f32 v42, v17  }
0x89: {  	v8 =	vsel vm4, v8, v10;
	v10 =	vadd.f32 v43, v39;
	v46 =	vperm.xlane v11, v2  }
0x8a: {  	v12 =	vadd.f32 v51, v12;
	v47 =	vperm.xlane v9, v3;
	v48 =	vperm.xlane v14, v2  }
0x8b: {  	v55 =	vperm.xlane v7, v3;
	v49 =	vperm.xlane v10, v3;
	v11 =	vadd.f32 v46, v11  }
0x8c: {  	v56 =	vperm.xlane v12, v4;
	v9 =	vadd.f32 v47, v9;
	v13 =	vadd.f32 v48, v14  }
0x8d: {  	v7 =	vadd.f32 v55, v7;
	v10 =	vadd.f32 v49, v10;
	v52 =	vperm.xlane v11, v3  }
0x8e: {  	v8 =	vsel vm5, v8, v29;
	v53 =	vperm.xlane v9, v4;
	v54 =	vperm.xlane v13, v3  }
0x8f: {  	v8 =	vsel vm6, v8, v31;
	v17 =	vperm.xlane v10, v4;
	v11 =	vadd.f32 v52, v11  }
0x90: {  	s31 =	sshll.u32 s24, $0x4;
	v8 =	vsel vm7, v8, v33;
	v9 =	vadd.f32 v53, v9;
	v13 =	vadd.f32 v54, v13  }
0x91: {  	v58 =	vld [tilespmem:s31+$0x18300];
	v8 =	vsel vm8, v8, v35;
	v10 =	vadd.f32 v17, v10;
	v57 =	vperm.xlane v11, v4  }
0x92: {  	v59 =	vadd.f32 v56, v12;
	v8 =	vsel vm9, v8, v9;
	v60 =	vperm.xlane v13, v4  }
0x93: {  	v62 =	vperm.xlane v7, v4;
	v8 =	vsel vm10, v8, v10;
	v61 =	vadd.f32 v57, v11  }
0x94: {  	v8 =	vsel vm11, v8, v59;
	v63 =	vadd.f32 v60, v13  }
0x95: {  	v7 =	vadd.f32 v62, v7;
	v8 =	vsel vm12, v8, v61  }
0x96: {  	s24 =	sadd.s32 $0x1, s24;
	vm15 =	veq.s32 v58, $0x0;
	v8 =	vsel vm13, v8, v63  }
0x97: {  	p0 =	sne.s32 s24, $0x4;
	v7 =	vsel vm14, v8, v7;
	v8 =	vsel vm15, $0x3F800000, v5  }
.Ltmp1:
0x98: {  	v7 =	vmul.f32 v8, v7;
	(pc) =	sbr.rel @p0 .LBB2_2-.Ltmp1, $3  }
0x99: {  	_ = 	snop  }
0x9a: {  	v7 =	vadd.f32 v7, v6;
	_ =	sdelay $0x1  }
0x9b: {  	[tilespmem:s31+$0x18480] =	vst v7  }
0x9c: {  	s24 =	simm.s32 $0x0  }
0x9d: {  	[tilespmem:s24], [sflag:$0x1] =	stream.linear.gather [hbm4b:s8+s24], $0xC000, $0x38;
	[tilespmem:$0x18580] =	vst v63  }
0x9e: {  	_ =	swait.ge [sflag:s20], $0xC000  }
0x9f: {  	[sflag:s20] =	ssyncset.done $0x0  }
0xa0: {  	s25 =	simm.s32 $0x0;
	[sflag:s20] =	ssyncadd.s32 $0xFFFF4000  }
.LBB2_6:
0xa1: {  	s0 =	smul.u32 $0xC000, s25;
	_ =	sdelay $0x1  }
0xa2: {  	s0 =	sshra.s32 s0, $0x2  }
0xa3: {  	s1 =	sand.u32 $0x1C00, s24;
	s28 =	sadd.s32 $0xC000, s0  }
0xa4: {  	s3 =	simm.s32 $0x18000;
	s30 =	sand.u32 $0x70, s24;
	s26 =	sadd.s32 s1, s28  }
0xa5: {  	v7 =	vld [tilespmem:s3+$0x0];
	s29 =	sadd.s32 s30, s26  }
0xa6: {  	v8 =	vld [tilespmem:s29+$0x1B80]  }
0xa7: {  	v9 =	vld [tilespmem:s29+$0x0]  }
0xa8: {  	v10 =	vld [tilespmem:s29+$0x80]  }
0xa9: {  	v12 =	vld [tilespmem:s29+$0x100]  }
0xaa: {  	v13 =	vld [tilespmem:s29+$0x180]  }
0xab: {  	v19 =	vld [tilespmem:s29+$0x380]  }
0xac: {  	s26 =	sadd.s32 $0xD800, s0;
	v14 =	vld [tilespmem:s29+$0x200]  }
0xad: {  	v17 =	vld [tilespmem:s29+$0x280];
	s0 =	sadd.s32 s1, s26  }
0xae: {  	v16 =	vimm.f32 $0.0e+00;
	v21 =	vimm.f32 $0.0e+00;
	v18 =	vld [tilespmem:s29+$0x300];
	s0 =	sadd.s32 s30, s0  }
0xaf: {  	v23 =	vimm.f32 $0.0e+00;
	v20 =	vld [tilespmem:s0+$0x0];
	v8 =	vmul.f32 v8, v7;
	v9 =	vmul.f32 v9, v7  }
0xb0: {  	v22 =	vimm.f32 $0.0e+00;
	v10 =	vmul.f32 v10, v7;
	v29 =	vmul.f32 v19, v7  }
0xb1: {  	v19 =	vimm.f32 $0.0e+00;
	v11 =	vadd.f32 v9, v16;
	v9 =	vmul.f32 v12, v7  }
0xb2: {  	v27 =	vld [tilespmem:s29+$0x1880];
	v15 =	vadd.f32 v8, v16;
	v12 =	vmul.f32 v13, v7;
	v13 =	vmul.f32 v14, v7  }
0xb3: {  	v25 =	vld [tilespmem:s29+$0x1900];
	v8 =	vadd.f32 v10, v16;
	v14 =	vmul.f32 v17, v7;
	v17 =	vmul.f32 v18, v7  }
0xb4: {  	v24 =	vld [tilespmem:s29+$0x1980];
	v30 =	vmul.f32 v20, v7;
	v18 =	vimm.f32 $0.0e+00;
	v9 =	vadd.f32 v9, v16  }
0xb5: {  	s31 =	simm.s32 $0x18010;
	v26 =	vld [tilespmem:s29+$0x1A00];
	s30 =	simm.s32 $0x80;
	v20 =	vimm.f32 $0.0e+00;
	v10 =	vadd.f32 v12, v16;
	v12 =	vadd.f32 v13, v16  }
0xb6: {  	s3 =	simm.s32 $0x20;
	v28 =	vld [tilespmem:s29+$0x1A80];
	s0 =	simm.s32 $0x10;
	s1 =	sand.u32 $0x1C00, s30;
	v13 =	vadd.f32 v14, v16;
	v14 =	vadd.f32 v17, v16;
	v17 =	vimm.f32 $0.0e+00  }
.LBB2_7:
0xb7: {  	p0 =	sne.s32 s3, $0x2F0;
	s2 =	sand.u32 $0x70, s0;
	s0 =	sadd.s32 s1, s28;
	v16 =	vadd.f32 v29, v16;
	v27 =	vmul.f32 v27, v7;
	v29 =	vld [tilespmem:s29+$0x1B00]  }
0xb8: {  	s1 =	sadd.s32 s1, s26;
	v31 =	vld [tilespmem:s31+$0x0];
	s29 =	sadd.s32 s2, s0;
	v21 =	vadd.f32 v30, v21;
	v25 =	vmul.f32 v25, v7;
	s0 =	smov.u32 s3  }
0xb9: {  	s1 =	sadd.s32 s2, s1;
	v30 =	vld [tilespmem:s29+$0x1B80];
	v23 =	vadd.f32 v27, v23;
	v24 =	vmul.f32 v24, v7  }
0xba: {  	v27 =	vld [tilespmem:s29+$0x0];
	v22 =	vadd.f32 v25, v22;
	v25 =	vmul.f32 v26, v7  }
0xbb: {  	v26 =	vld [tilespmem:s29+$0x80];
	v18 =	vadd.f32 v24, v18;
	v24 =	vmul.f32 v28, v7  }
0xbc: {  	v28 =	vld [tilespmem:s29+$0x100];
	v20 =	vadd.f32 v25, v20;
	v25 =	vmul.f32 v29, v7  }
0xbd: {  	v29 =	vld [tilespmem:s29+$0x180];
	v19 =	vadd.f32 v24, v19;
	v7 =	vmov v31  }
0xbe: {  	v24 =	vld [tilespmem:s29+$0x200];
	v30 =	vmul.f32 v30, v7;
	v17 =	vadd.f32 v25, v17  }
0xbf: {  	v25 =	vmul.f32 v27, v7;
	v31 =	vld [tilespmem:s29+$0x280]  }
0xc0: {  	v26 =	vmul.f32 v26, v7;
	v32 =	vld [tilespmem:s29+$0x300];
	v15 =	vadd.f32 v30, v15  }
0xc1: {  	v11 =	vadd.f32 v25, v11;
	v25 =	vmul.f32 v28, v7;
	v28 =	vld [tilespmem:s29+$0x380]  }
0xc2: {  	v8 =	vadd.f32 v26, v8;
	v26 =	vmul.f32 v29, v7;
	v30 =	vld [tilespmem:s1+$0x0]  }
.Ltmp2:
0xc3: {  	v9 =	vadd.f32 v25, v9;
	v24 =	vmul.f32 v24, v7;
	v27 =	vld [tilespmem:s29+$0x1880];
	(pc) =	sbr.rel @p0 .LBB2_7-.Ltmp2, $4  }
0xc4: {  	v10 =	vadd.f32 v26, v10;
	v26 =	vmul.f32 v31, v7;
	v25 =	vld [tilespmem:s29+$0x1900]  }
0xc5: {  	v12 =	vadd.f32 v24, v12;
	v31 =	vmul.f32 v32, v7;
	v24 =	vld [tilespmem:s29+$0x1980]  }
0xc6: {  	s30 =	sadd.s32 $0x80, s30;
	v13 =	vadd.f32 v26, v13;
	v29 =	vmul.f32 v28, v7;
	v26 =	vld [tilespmem:s29+$0x1A00]  }
0xc7: {  	s3 =	sadd.s32 $0x10, s3;
	s31 =	sadd.s32 $0x10, s31;
	s1 =	sand.u32 $0x1C00, s30;
	v14 =	vadd.f32 v31, v14;
	v30 =	vmul.f32 v30, v7;
	v28 =	vld [tilespmem:s29+$0x1A80]  }
0xc8: {  	s2 =	sand.u32 $0x70, s0;
	s28 =	sadd.s32 s1, s28;
	v31 =	vld [tilespmem:s29+$0x1B00]  }
0xc9: {  	v32 =	vld [tilespmem:s31+$0x0];
	s0 =	sadd.s32 s2, s28  }
0xca: {  	v33 =	vld [tilespmem:s0+$0x1B80]  }
0xcb: {  	v34 =	vld [tilespmem:s0+$0x0]  }
0xcc: {  	v35 =	vld [tilespmem:s0+$0x80]  }
0xcd: {  	v36 =	vld [tilespmem:s0+$0x100]  }
0xce: {  	v62 =	vld [tilespmem:s0+$0x180]  }
0xcf: {  	v63 =	vld [tilespmem:s0+$0x200]  }
0xd0: {  	v27 =	vmul.f32 v27, v7;
	v39 =	vld [tilespmem:s0+$0x280]  }
0xd1: {  	v16 =	vadd.f32 v29, v16;
	s30 =	sadd.s32 s1, s26;
	v25 =	vmul.f32 v25, v7;
	v41 =	vld [tilespmem:s0+$0x300]  }
0xd2: {  	v21 =	vadd.f32 v30, v21;
	s1 =	sadd.s32 s2, s30;
	v23 =	vadd.f32 v27, v23;
	v24 =	vmul.f32 v24, v7;
	v43 =	vld [tilespmem:s0+$0x380]  }
0xd3: {  	v47 =	vld [tilespmem:s1+$0x0];
	v22 =	vadd.f32 v25, v22;
	v37 =	vmul.f32 v26, v7;
	v38 =	vmul.f32 v28, v7  }
0xd4: {  	v50 =	vld [tilespmem:s0+$0x1880];
	v18 =	vadd.f32 v24, v18;
	v7 =	vmul.f32 v31, v7;
	v40 =	vmul.f32 v33, v32  }
0xd5: {  	v53 =	vld [tilespmem:s0+$0x1900];
	v20 =	vadd.f32 v37, v20;
	v42 =	vmul.f32 v34, v32;
	v44 =	vmul.f32 v35, v32  }
0xd6: {  	v58 =	vld [tilespmem:s0+$0x1980];
	v19 =	vadd.f32 v38, v19;
	v45 =	vmul.f32 v36, v32;
	v46 =	vmul.f32 v62, v32  }
0xd7: {  	v60 =	vld [tilespmem:s0+$0x1A00];
	v17 =	vadd.f32 v7, v17;
	v48 =	vmul.f32 v63, v32;
	v49 =	vmul.f32 v39, v32  }
0xd8: {  	v37 =	vld [tilespmem:s0+$0x1B00];
	v51 =	vmul.f32 v41, v32;
	v52 =	vmul.f32 v43, v32;
	v7 =	vadd.f32 v40, v15  }
0xd9: {  	v56 =	vmul.f32 v47, v32;
	v11 =	vadd.f32 v42, v11;
	v8 =	vadd.f32 v44, v8  }
0xda: {  	v24 =	vmul.f32 v50, v32;
	v9 =	vadd.f32 v45, v9;
	v10 =	vadd.f32 v46, v10  }
0xdb: {  	v63 =	vmul.f32 v53, v32;
	v12 =	vadd.f32 v48, v12;
	v13 =	vadd.f32 v49, v13  }
0xdc: {  	v36 =	vmul.f32 v58, v32;
	v14 =	vadd.f32 v51, v14;
	v15 =	vadd.f32 v52, v16  }
0xdd: {  	v23 =	vadd.f32 v24, v23;
	v16 =	vmul.f32 v60, v32;
	v24 =	vmul.f32 v37, v32  }
0xde: {  	v21 =	vadd.f32 v56, v21;
	v54 =	vperm.xlane v11, v1;
	v55 =	vperm.xlane v8, v1  }
0xdf: {  	v34 =	vld [tilespmem:s0+$0x1A80];
	v22 =	vadd.f32 v63, v22;
	v57 =	vperm.xlane v9, v1;
	v59 =	vperm.xlane v10, v1  }
0xe0: {  	v18 =	vadd.f32 v36, v18;
	v46 =	vperm.xlane v12, v1;
	v47 =	vperm.xlane v13, v1  }
0xe1: {  	v16 =	vadd.f32 v16, v20;
	v49 =	vperm.xlane v14, v1;
	v51 =	vperm.xlane v15, v1  }
0xe2: {  	v53 =	vperm.xlane v21, v1;
	v17 =	vadd.f32 v24, v17;
	v11 =	vadd.f32 v54, v11  }
0xe3: {  	v36 =	vperm.xlane v18, v1;
	v8 =	vadd.f32 v55, v8;
	v9 =	vadd.f32 v57, v9  }
0xe4: {  	v26 =	vmul.f32 v34, v32;
	v10 =	vadd.f32 v59, v10;
	v48 =	vadd.f32 v46, v12  }
0xe5: {  	v34 =	vperm.xlane v22, v1;
	v50 =	vadd.f32 v47, v13;
	v12 =	vadd.f32 v49, v14  }
0xe6: {  	v55 =	vperm.xlane v23, v1;
	v14 =	vadd.f32 v53, v21;
	v61 =	vperm.xlane v11, v2  }
0xe7: {  	v19 =	vadd.f32 v26, v19;
	v62 =	vperm.xlane v8, v2;
	v33 =	vperm.xlane v9, v2  }
0xe8: {  	v37 =	vadd.f32 v34, v22;
	v35 =	vperm.xlane v10, v2;
	v52 =	vperm.xlane v48, v2  }
0xe9: {  	v54 =	vperm.xlane v50, v2;
	v56 =	vperm.xlane v12, v2;
	v11 =	vadd.f32 v61, v11  }
0xea: {  	v59 =	vperm.xlane v14, v2;
	v8 =	vadd.f32 v62, v8;
	v9 =	vadd.f32 v33, v9  }
0xeb: {  	v10 =	vadd.f32 v35, v10;
	v12 =	vadd.f32 v56, v12;
	v38 =	vperm.xlane v11, v3  }
0xec: {  	v13 =	vadd.f32 v59, v14;
	v39 =	vperm.xlane v8, v3;
	v40 =	vperm.xlane v9, v3  }
0xed: {  	v41 =	vperm.xlane v10, v3;
	v62 =	vperm.xlane v12, v3;
	v11 =	vadd.f32 v38, v11  }
0xee: {  	v25 =	vperm.xlane v13, v3;
	v8 =	vadd.f32 v39, v8;
	v9 =	vadd.f32 v40, v9  }
0xef: {  	v10 =	vadd.f32 v41, v10;
	v12 =	vadd.f32 v62, v12;
	v38 =	vperm.xlane v16, v1  }
0xf0: {  	v13 =	vadd.f32 v25, v13;
	v40 =	vperm.xlane v19, v1;
	v42 =	vperm.xlane v11, v4  }
0xf1: {  	v39 =	vadd.f32 v36, v18;
	v43 =	vperm.xlane v8, v4;
	v44 =	vperm.xlane v9, v4  }
0xf2: {  	v45 =	vperm.xlane v10, v4;
	v27 =	vperm.xlane v12, v4;
	v11 =	vadd.f32 v42, v11  }
0xf3: {  	v30 =	vperm.xlane v13, v4;
	v8 =	vadd.f32 v43, v8;
	v9 =	vadd.f32 v44, v9  }
0xf4: {  	v41 =	vperm.xlane v37, v2;
	v10 =	vadd.f32 v45, v10;
	v29 =	vadd.f32 v27, v12  }
0xf5: {  	v33 =	vadd.f32 v30, v13;
	v8 =	vsel vm0, v11, v8;
	v11 =	vadd.f32 v51, v15  }
0xf6: {  	v15 =	vadd.f32 v55, v23;
	v8 =	vsel vm1, v8, v9;
	v9 =	vadd.f32 v52, v48  }
0xf7: {  	v8 =	vsel vm2, v8, v10;
	v10 =	vadd.f32 v54, v50;
	v57 =	vperm.xlane v11, v2  }
0xf8: {  	v12 =	vadd.f32 v38, v16;
	v61 =	vperm.xlane v15, v2;
	v58 =	vperm.xlane v9, v3  }
0xf9: {  	v44 =	vperm.xlane v7, v1;
	v60 =	vperm.xlane v10, v3;
	v11 =	vadd.f32 v57, v11  }
0xfa: {  	v45 =	vperm.xlane v12, v2;
	v15 =	vadd.f32 v61, v15;
	v9 =	vadd.f32 v58, v9  }
0xfb: {  	v7 =	vadd.f32 v44, v7;
	v10 =	vadd.f32 v60, v10;
	v63 =	vperm.xlane v11, v3  }
0xfc: {  	v12 =	vadd.f32 v45, v12;
	v26 =	vperm.xlane v15, v3;
	v24 =	vperm.xlane v9, v4  }
0xfd: {  	v50 =	vperm.xlane v7, v2;
	v23 =	vperm.xlane v10, v4;
	v11 =	vadd.f32 v63, v11  }
0xfe: {  	v42 =	vperm.xlane v17, v1;
	v14 =	vadd.f32 v26, v15;
	v9 =	vadd.f32 v24, v9  }
0xff: {  	v7 =	vadd.f32 v50, v7;
	v10 =	vadd.f32 v23, v10;
	v28 =	vperm.xlane v11, v4  }
0x100: {  	v32 =	vperm.xlane v14, v4;
	v8 =	vsel vm3, v8, v9;
	v9 =	vadd.f32 v41, v37  }
0x101: {  	v43 =	vperm.xlane v39, v2;
	v31 =	vadd.f32 v28, v11;
	v11 =	vadd.f32 v40, v19  }
0x102: {  	v51 =	vperm.xlane v12, v3;
	v35 =	vadd.f32 v32, v14;
	v14 =	vadd.f32 v42, v17  }
0x103: {  	v8 =	vsel vm4, v8, v10;
	v10 =	vadd.f32 v43, v39;
	v46 =	vperm.xlane v11, v2  }
0x104: {  	v12 =	vadd.f32 v51, v12;
	v47 =	vperm.xlane v9, v3;
	v48 =	vperm.xlane v14, v2  }
0x105: {  	v55 =	vperm.xlane v7, v3;
	v49 =	vperm.xlane v10, v3;
	v11 =	vadd.f32 v46, v11  }
0x106: {  	v56 =	vperm.xlane v12, v4;
	v9 =	vadd.f32 v47, v9;
	v13 =	vadd.f32 v48, v14  }
0x107: {  	v7 =	vadd.f32 v55, v7;
	v10 =	vadd.f32 v49, v10;
	v52 =	vperm.xlane v11, v3  }
0x108: {  	v8 =	vsel vm5, v8, v29;
	v53 =	vperm.xlane v9, v4;
	v54 =	vperm.xlane v13, v3  }
0x109: {  	v8 =	vsel vm6, v8, v31;
	v17 =	vperm.xlane v10, v4;
	v11 =	vadd.f32 v52, v11  }
0x10a: {  	s31 =	sshll.u32 s25, $0x4;
	v8 =	vsel vm7, v8, v33;
	v9 =	vadd.f32 v53, v9;
	v13 =	vadd.f32 v54, v13  }
0x10b: {  	v58 =	vld [tilespmem:s31+$0x18340];
	v8 =	vsel vm8, v8, v35;
	v10 =	vadd.f32 v17, v10;
	v57 =	vperm.xlane v11, v4  }
0x10c: {  	v59 =	vadd.f32 v56, v12;
	v8 =	vsel vm9, v8, v9;
	v60 =	vperm.xlane v13, v4  }
0x10d: {  	v62 =	vperm.xlane v7, v4;
	v8 =	vsel vm10, v8, v10;
	v61 =	vadd.f32 v57, v11  }
0x10e: {  	v8 =	vsel vm11, v8, v59;
	v63 =	vadd.f32 v60, v13  }
0x10f: {  	v7 =	vadd.f32 v62, v7;
	v8 =	vsel vm12, v8, v61  }
0x110: {  	s25 =	sadd.s32 $0x1, s25;
	vm15 =	veq.s32 v58, $0x0;
	v8 =	vsel vm13, v8, v63  }
0x111: {  	p0 =	sne.s32 s25, $0x4;
	v7 =	vsel vm14, v8, v7;
	v8 =	vsel vm15, $0x3F800000, v5  }
.Ltmp3:
0x112: {  	v7 =	vmul.f32 v8, v7;
	(pc) =	sbr.rel @p0 .LBB2_6-.Ltmp3, $3  }
0x113: {  	_ = 	snop  }
0x114: {  	v7 =	vadd.f32 v7, v6;
	_ =	sdelay $0x1  }
0x115: {  	[tilespmem:s31+$0x184C0] =	vst v7  }
0x116: {  	s24 =	simm.s32 $0x0  }
0x117: {  	[tilespmem:s18], [sflag:$0x2] =	stream.linear.gather [hbm4b:s9+s24], $0xC000, $0x38;
	[tilespmem:$0x18580] =	vst v63  }
0x118: {  	_ =	swait.ge [sflag:s19], $0xC000  }
0x119: {  	[sflag:s19] =	ssyncset.done $0x0  }
0x11a: {  	s25 =	simm.s32 $0x0;
	[sflag:s19] =	ssyncadd.s32 $0xFFFF4000  }
.LBB2_10:
0x11b: {  	s0 =	smul.u32 $0xC000, s25;
	_ =	sdelay $0x1  }
0x11c: {  	s28 =	sshra.s32 s0, $0x2;
	s0 =	sand.u32 $0x1C00, s24  }
0x11d: {  	s1 =	simm.s32 $0x18000;
	s2 =	sand.u32 $0x70, s24;
	s3 =	sadd.s32 s0, s28  }
0x11e: {  	v7 =	vld [tilespmem:s1+$0x0];
	s29 =	sadd.s32 s2, s3  }
0x11f: {  	v8 =	vld [tilespmem:s29+$0x1B80]  }
0x120: {  	v9 =	vld [tilespmem:s29+$0x0]  }
0x121: {  	v10 =	vld [tilespmem:s29+$0x80]  }
0x122: {  	s26 =	sadd.s32 $0x1800, s28;
	v12 =	vld [tilespmem:s29+$0x100]  }
0x123: {  	s0 =	sadd.s32 s0, s26;
	v13 =	vld [tilespmem:s29+$0x180]  }
0x124: {  	s0 =	sadd.s32 s2, s0;
	v19 =	vld [tilespmem:s29+$0x380]  }
0x125: {  	v20 =	vld [tilespmem:s0+$0x0]  }
0x126: {  	v14 =	vld [tilespmem:s29+$0x200]  }
0x127: {  	v16 =	vimm.f32 $0.0e+00;
	v21 =	vimm.f32 $0.0e+00;
	v17 =	vld [tilespmem:s29+$0x280]  }
0x128: {  	v23 =	vimm.f32 $0.0e+00;
	v18 =	vld [tilespmem:s29+$0x300];
	v8 =	vmul.f32 v8, v7;
	v9 =	vmul.f32 v9, v7  }
0x129: {  	v22 =	vimm.f32 $0.0e+00;
	v10 =	vmul.f32 v10, v7;
	v29 =	vmul.f32 v19, v7  }
0x12a: {  	v19 =	vimm.f32 $0.0e+00;
	v30 =	vmul.f32 v20, v7;
	v20 =	vimm.f32 $0.0e+00  }
0x12b: {  	v27 =	vld [tilespmem:s29+$0x1880];
	v15 =	vadd.f32 v8, v16;
	v11 =	vadd.f32 v9, v16;
	v9 =	vmul.f32 v12, v7  }
0x12c: {  	v25 =	vld [tilespmem:s29+$0x1900];
	v12 =	vmul.f32 v13, v7;
	v8 =	vadd.f32 v10, v16;
	v13 =	vmul.f32 v14, v7  }
0x12d: {  	v24 =	vld [tilespmem:s29+$0x1980];
	v14 =	vmul.f32 v17, v7;
	v17 =	vmul.f32 v18, v7;
	v9 =	vadd.f32 v9, v16  }
0x12e: {  	s30 =	simm.s32 $0x80;
	s31 =	simm.s32 $0x18010;
	v26 =	vld [tilespmem:s29+$0x1A00];
	v18 =	vimm.f32 $0.0e+00;
	v10 =	vadd.f32 v12, v16;
	v12 =	vadd.f32 v13, v16  }
0x12f: {  	s1 =	sand.u32 $0x1C00, s30;
	s3 =	simm.s32 $0x20;
	v28 =	vld [tilespmem:s29+$0x1A80];
	s0 =	simm.s32 $0x10;
	v13 =	vadd.f32 v14, v16;
	v14 =	vadd.f32 v17, v16;
	v17 =	vimm.f32 $0.0e+00  }
.LBB2_11:
0x130: {  	p0 =	sne.s32 s3, $0x2F0;
	s2 =	sand.u32 $0x70, s0;
	s0 =	sadd.s32 s1, s28;
	v16 =	vadd.f32 v29, v16;
	v27 =	vmul.f32 v27, v7;
	v29 =	vld [tilespmem:s29+$0x1B00]  }
0x131: {  	s1 =	sadd.s32 s1, s26;
	v31 =	vld [tilespmem:s31+$0x0];
	s29 =	sadd.s32 s2, s0;
	v21 =	vadd.f32 v30, v21;
	v25 =	vmul.f32 v25, v7;
	s0 =	smov.u32 s3  }
0x132: {  	s1 =	sadd.s32 s2, s1;
	v30 =	vld [tilespmem:s29+$0x1B80];
	v23 =	vadd.f32 v27, v23;
	v24 =	vmul.f32 v24, v7  }
0x133: {  	v27 =	vld [tilespmem:s29+$0x0];
	v22 =	vadd.f32 v25, v22;
	v25 =	vmul.f32 v26, v7  }
0x134: {  	v26 =	vld [tilespmem:s29+$0x80];
	v18 =	vadd.f32 v24, v18;
	v24 =	vmul.f32 v28, v7  }
0x135: {  	v28 =	vld [tilespmem:s29+$0x100];
	v20 =	vadd.f32 v25, v20;
	v25 =	vmul.f32 v29, v7  }
0x136: {  	v29 =	vld [tilespmem:s29+$0x180];
	v19 =	vadd.f32 v24, v19;
	v7 =	vmov v31  }
0x137: {  	v24 =	vld [tilespmem:s29+$0x200];
	v30 =	vmul.f32 v30, v7;
	v17 =	vadd.f32 v25, v17  }
0x138: {  	v25 =	vmul.f32 v27, v7;
	v31 =	vld [tilespmem:s29+$0x280]  }
0x139: {  	v26 =	vmul.f32 v26, v7;
	v32 =	vld [tilespmem:s29+$0x300];
	v15 =	vadd.f32 v30, v15  }
0x13a: {  	v11 =	vadd.f32 v25, v11;
	v25 =	vmul.f32 v28, v7;
	v28 =	vld [tilespmem:s29+$0x380]  }
0x13b: {  	v8 =	vadd.f32 v26, v8;
	v26 =	vmul.f32 v29, v7;
	v30 =	vld [tilespmem:s1+$0x0]  }
.Ltmp4:
0x13c: {  	v9 =	vadd.f32 v25, v9;
	v24 =	vmul.f32 v24, v7;
	v27 =	vld [tilespmem:s29+$0x1880];
	(pc) =	sbr.rel @p0 .LBB2_11-.Ltmp4, $4  }
0x13d: {  	v10 =	vadd.f32 v26, v10;
	v26 =	vmul.f32 v31, v7;
	v25 =	vld [tilespmem:s29+$0x1900]  }
0x13e: {  	v12 =	vadd.f32 v24, v12;
	v31 =	vmul.f32 v32, v7;
	v24 =	vld [tilespmem:s29+$0x1980]  }
0x13f: {  	s30 =	sadd.s32 $0x80, s30;
	v13 =	vadd.f32 v26, v13;
	v29 =	vmul.f32 v28, v7;
	v26 =	vld [tilespmem:s29+$0x1A00]  }
0x140: {  	s3 =	sadd.s32 $0x10, s3;
	s31 =	sadd.s32 $0x10, s31;
	s1 =	sand.u32 $0x1C00, s30;
	v14 =	vadd.f32 v31, v14;
	v30 =	vmul.f32 v30, v7;
	v28 =	vld [tilespmem:s29+$0x1A80]  }
0x141: {  	s2 =	sand.u32 $0x70, s0;
	s28 =	sadd.s32 s1, s28;
	v31 =	vld [tilespmem:s29+$0x1B00]  }
0x142: {  	v32 =	vld [tilespmem:s31+$0x0];
	s0 =	sadd.s32 s2, s28  }
0x143: {  	v33 =	vld [tilespmem:s0+$0x1B80]  }
0x144: {  	v34 =	vld [tilespmem:s0+$0x0]  }
0x145: {  	v35 =	vld [tilespmem:s0+$0x80]  }
0x146: {  	v36 =	vld [tilespmem:s0+$0x100]  }
0x147: {  	v62 =	vld [tilespmem:s0+$0x180]  }
0x148: {  	v63 =	vld [tilespmem:s0+$0x200]  }
0x149: {  	v27 =	vmul.f32 v27, v7;
	v39 =	vld [tilespmem:s0+$0x280]  }
0x14a: {  	v16 =	vadd.f32 v29, v16;
	s30 =	sadd.s32 s1, s26;
	v25 =	vmul.f32 v25, v7;
	v41 =	vld [tilespmem:s0+$0x300]  }
0x14b: {  	v21 =	vadd.f32 v30, v21;
	s1 =	sadd.s32 s2, s30;
	v23 =	vadd.f32 v27, v23;
	v24 =	vmul.f32 v24, v7;
	v43 =	vld [tilespmem:s0+$0x380]  }
0x14c: {  	v47 =	vld [tilespmem:s1+$0x0];
	v22 =	vadd.f32 v25, v22;
	v37 =	vmul.f32 v26, v7;
	v38 =	vmul.f32 v28, v7  }
0x14d: {  	v50 =	vld [tilespmem:s0+$0x1880];
	v18 =	vadd.f32 v24, v18;
	v7 =	vmul.f32 v31, v7;
	v40 =	vmul.f32 v33, v32  }
0x14e: {  	v53 =	vld [tilespmem:s0+$0x1900];
	v20 =	vadd.f32 v37, v20;
	v42 =	vmul.f32 v34, v32;
	v44 =	vmul.f32 v35, v32  }
0x14f: {  	v58 =	vld [tilespmem:s0+$0x1980];
	v19 =	vadd.f32 v38, v19;
	v45 =	vmul.f32 v36, v32;
	v46 =	vmul.f32 v62, v32  }
0x150: {  	v60 =	vld [tilespmem:s0+$0x1A00];
	v17 =	vadd.f32 v7, v17;
	v48 =	vmul.f32 v63, v32;
	v49 =	vmul.f32 v39, v32  }
0x151: {  	v37 =	vld [tilespmem:s0+$0x1B00];
	v51 =	vmul.f32 v41, v32;
	v52 =	vmul.f32 v43, v32;
	v7 =	vadd.f32 v40, v15  }
0x152: {  	v56 =	vmul.f32 v47, v32;
	v11 =	vadd.f32 v42, v11;
	v8 =	vadd.f32 v44, v8  }
0x153: {  	v24 =	vmul.f32 v50, v32;
	v9 =	vadd.f32 v45, v9;
	v10 =	vadd.f32 v46, v10  }
0x154: {  	v63 =	vmul.f32 v53, v32;
	v12 =	vadd.f32 v48, v12;
	v13 =	vadd.f32 v49, v13  }
0x155: {  	v36 =	vmul.f32 v58, v32;
	v14 =	vadd.f32 v51, v14;
	v15 =	vadd.f32 v52, v16  }
0x156: {  	v23 =	vadd.f32 v24, v23;
	v16 =	vmul.f32 v60, v32;
	v24 =	vmul.f32 v37, v32  }
0x157: {  	v21 =	vadd.f32 v56, v21;
	v54 =	vperm.xlane v11, v1;
	v55 =	vperm.xlane v8, v1  }
0x158: {  	v34 =	vld [tilespmem:s0+$0x1A80];
	v22 =	vadd.f32 v63, v22;
	v57 =	vperm.xlane v9, v1;
	v59 =	vperm.xlane v10, v1  }
0x159: {  	v18 =	vadd.f32 v36, v18;
	v46 =	vperm.xlane v12, v1;
	v47 =	vperm.xlane v13, v1  }
0x15a: {  	v16 =	vadd.f32 v16, v20;
	v49 =	vperm.xlane v14, v1;
	v51 =	vperm.xlane v15, v1  }
0x15b: {  	v53 =	vperm.xlane v21, v1;
	v17 =	vadd.f32 v24, v17;
	v11 =	vadd.f32 v54, v11  }
0x15c: {  	v36 =	vperm.xlane v18, v1;
	v8 =	vadd.f32 v55, v8;
	v9 =	vadd.f32 v57, v9  }
0x15d: {  	v26 =	vmul.f32 v34, v32;
	v10 =	vadd.f32 v59, v10;
	v48 =	vadd.f32 v46, v12  }
0x15e: {  	v34 =	vperm.xlane v22, v1;
	v50 =	vadd.f32 v47, v13;
	v12 =	vadd.f32 v49, v14  }
0x15f: {  	v55 =	vperm.xlane v23, v1;
	v14 =	vadd.f32 v53, v21;
	v61 =	vperm.xlane v11, v2  }
0x160: {  	v19 =	vadd.f32 v26, v19;
	v62 =	vperm.xlane v8, v2;
	v33 =	vperm.xlane v9, v2  }
0x161: {  	v37 =	vadd.f32 v34, v22;
	v35 =	vperm.xlane v10, v2;
	v52 =	vperm.xlane v48, v2  }
0x162: {  	v54 =	vperm.xlane v50, v2;
	v56 =	vperm.xlane v12, v2;
	v11 =	vadd.f32 v61, v11  }
0x163: {  	v59 =	vperm.xlane v14, v2;
	v8 =	vadd.f32 v62, v8;
	v9 =	vadd.f32 v33, v9  }
0x164: {  	v10 =	vadd.f32 v35, v10;
	v12 =	vadd.f32 v56, v12;
	v38 =	vperm.xlane v11, v3  }
0x165: {  	v13 =	vadd.f32 v59, v14;
	v39 =	vperm.xlane v8, v3;
	v40 =	vperm.xlane v9, v3  }
0x166: {  	v41 =	vperm.xlane v10, v3;
	v62 =	vperm.xlane v12, v3;
	v11 =	vadd.f32 v38, v11  }
0x167: {  	v25 =	vperm.xlane v13, v3;
	v8 =	vadd.f32 v39, v8;
	v9 =	vadd.f32 v40, v9  }
0x168: {  	v10 =	vadd.f32 v41, v10;
	v12 =	vadd.f32 v62, v12;
	v38 =	vperm.xlane v16, v1  }
0x169: {  	v13 =	vadd.f32 v25, v13;
	v40 =	vperm.xlane v19, v1;
	v42 =	vperm.xlane v11, v4  }
0x16a: {  	v39 =	vadd.f32 v36, v18;
	v43 =	vperm.xlane v8, v4;
	v44 =	vperm.xlane v9, v4  }
0x16b: {  	v45 =	vperm.xlane v10, v4;
	v27 =	vperm.xlane v12, v4;
	v11 =	vadd.f32 v42, v11  }
0x16c: {  	v30 =	vperm.xlane v13, v4;
	v8 =	vadd.f32 v43, v8;
	v9 =	vadd.f32 v44, v9  }
0x16d: {  	v41 =	vperm.xlane v37, v2;
	v10 =	vadd.f32 v45, v10;
	v29 =	vadd.f32 v27, v12  }
0x16e: {  	v33 =	vadd.f32 v30, v13;
	v8 =	vsel vm0, v11, v8;
	v11 =	vadd.f32 v51, v15  }
0x16f: {  	v15 =	vadd.f32 v55, v23;
	v8 =	vsel vm1, v8, v9;
	v9 =	vadd.f32 v52, v48  }
0x170: {  	v8 =	vsel vm2, v8, v10;
	v10 =	vadd.f32 v54, v50;
	v57 =	vperm.xlane v11, v2  }
0x171: {  	v12 =	vadd.f32 v38, v16;
	v61 =	vperm.xlane v15, v2;
	v58 =	vperm.xlane v9, v3  }
0x172: {  	v44 =	vperm.xlane v7, v1;
	v60 =	vperm.xlane v10, v3;
	v11 =	vadd.f32 v57, v11  }
0x173: {  	v45 =	vperm.xlane v12, v2;
	v15 =	vadd.f32 v61, v15;
	v9 =	vadd.f32 v58, v9  }
0x174: {  	v7 =	vadd.f32 v44, v7;
	v10 =	vadd.f32 v60, v10;
	v63 =	vperm.xlane v11, v3  }
0x175: {  	v12 =	vadd.f32 v45, v12;
	v26 =	vperm.xlane v15, v3;
	v24 =	vperm.xlane v9, v4  }
0x176: {  	v50 =	vperm.xlane v7, v2;
	v23 =	vperm.xlane v10, v4;
	v11 =	vadd.f32 v63, v11  }
0x177: {  	v42 =	vperm.xlane v17, v1;
	v14 =	vadd.f32 v26, v15;
	v9 =	vadd.f32 v24, v9  }
0x178: {  	v7 =	vadd.f32 v50, v7;
	v10 =	vadd.f32 v23, v10;
	v28 =	vperm.xlane v11, v4  }
0x179: {  	v32 =	vperm.xlane v14, v4;
	v8 =	vsel vm3, v8, v9;
	v9 =	vadd.f32 v41, v37  }
0x17a: {  	v43 =	vperm.xlane v39, v2;
	v31 =	vadd.f32 v28, v11;
	v11 =	vadd.f32 v40, v19  }
0x17b: {  	v51 =	vperm.xlane v12, v3;
	v35 =	vadd.f32 v32, v14;
	v14 =	vadd.f32 v42, v17  }
0x17c: {  	v8 =	vsel vm4, v8, v10;
	v10 =	vadd.f32 v43, v39;
	v46 =	vperm.xlane v11, v2  }
0x17d: {  	v12 =	vadd.f32 v51, v12;
	v47 =	vperm.xlane v9, v3;
	v48 =	vperm.xlane v14, v2  }
0x17e: {  	v55 =	vperm.xlane v7, v3;
	v49 =	vperm.xlane v10, v3;
	v11 =	vadd.f32 v46, v11  }
0x17f: {  	v56 =	vperm.xlane v12, v4;
	v9 =	vadd.f32 v47, v9;
	v13 =	vadd.f32 v48, v14  }
0x180: {  	v7 =	vadd.f32 v55, v7;
	v10 =	vadd.f32 v49, v10;
	v52 =	vperm.xlane v11, v3  }
0x181: {  	v8 =	vsel vm5, v8, v29;
	v53 =	vperm.xlane v9, v4;
	v54 =	vperm.xlane v13, v3  }
0x182: {  	v8 =	vsel vm6, v8, v31;
	v17 =	vperm.xlane v10, v4;
	v11 =	vadd.f32 v52, v11  }
0x183: {  	s31 =	sshll.u32 s25, $0x4;
	v8 =	vsel vm7, v8, v33;
	v9 =	vadd.f32 v53, v9;
	v13 =	vadd.f32 v54, v13  }
0x184: {  	v58 =	vld [tilespmem:s31+$0x18380];
	v8 =	vsel vm8, v8, v35;
	v10 =	vadd.f32 v17, v10;
	v57 =	vperm.xlane v11, v4  }
0x185: {  	v59 =	vadd.f32 v56, v12;
	v8 =	vsel vm9, v8, v9;
	v60 =	vperm.xlane v13, v4  }
0x186: {  	v62 =	vperm.xlane v7, v4;
	v8 =	vsel vm10, v8, v10;
	v61 =	vadd.f32 v57, v11  }
0x187: {  	v8 =	vsel vm11, v8, v59;
	v63 =	vadd.f32 v60, v13  }
0x188: {  	v7 =	vadd.f32 v62, v7;
	v8 =	vsel vm12, v8, v61  }
0x189: {  	s25 =	sadd.s32 $0x1, s25;
	vm15 =	veq.s32 v58, $0x0;
	v8 =	vsel vm13, v8, v63  }
0x18a: {  	p0 =	sne.s32 s25, $0x4;
	v7 =	vsel vm14, v8, v7;
	v8 =	vsel vm15, $0x3F800000, v5  }
.Ltmp5:
0x18b: {  	v7 =	vmul.f32 v8, v7;
	(pc) =	sbr.rel @p0 .LBB2_10-.Ltmp5, $3  }
0x18c: {  	_ = 	snop  }
0x18d: {  	v7 =	vadd.f32 v7, v6;
	_ =	sdelay $0x1  }
0x18e: {  	[tilespmem:s31+$0x18500] =	vst v7  }
0x18f: {  	_ =	swait.ge [sflag:s20], $0xC000  }
0x190: {  	[sflag:s20] =	ssyncset.done $0x0  }
0x191: {  	s24 =	simm.s32 $0x0;
	s25 =	simm.s32 $0x0;
	[sflag:s20] =	ssyncadd.s32 $0xFFFF4000  }
.LBB2_14:
0x192: {  	s0 =	smul.u32 $0xC000, s25;
	_ =	sdelay $0x1  }
0x193: {  	s0 =	sshra.s32 s0, $0x2  }
0x194: {  	s1 =	sand.u32 $0x1C00, s24;
	s28 =	sadd.s32 $0xC000, s0  }
0x195: {  	s2 =	simm.s32 $0x18000;
	s3 =	sand.u32 $0x70, s24;
	s26 =	sadd.s32 s1, s28  }
0x196: {  	v7 =	vld [tilespmem:s2+$0x0];
	s29 =	sadd.s32 s3, s26  }
0x197: {  	v8 =	vld [tilespmem:s29+$0x1B80]  }
0x198: {  	v9 =	vld [tilespmem:s29+$0x0]  }
0x199: {  	v10 =	vld [tilespmem:s29+$0x80]  }
0x19a: {  	v12 =	vld [tilespmem:s29+$0x100]  }
0x19b: {  	v13 =	vld [tilespmem:s29+$0x180]  }
0x19c: {  	v19 =	vld [tilespmem:s29+$0x380]  }
0x19d: {  	s26 =	sadd.s32 $0xD800, s0;
	v14 =	vld [tilespmem:s29+$0x200]  }
0x19e: {  	v17 =	vld [tilespmem:s29+$0x280];
	s0 =	sadd.s32 s1, s26  }
0x19f: {  	v16 =	vimm.f32 $0.0e+00;
	v21 =	vimm.f32 $0.0e+00;
	v18 =	vld [tilespmem:s29+$0x300];
	s0 =	sadd.s32 s3, s0  }
0x1a0: {  	v23 =	vimm.f32 $0.0e+00;
	v20 =	vld [tilespmem:s0+$0x0];
	v8 =	vmul.f32 v8, v7;
	v9 =	vmul.f32 v9, v7  }
0x1a1: {  	v22 =	vimm.f32 $0.0e+00;
	v10 =	vmul.f32 v10, v7;
	v29 =	vmul.f32 v19, v7  }
0x1a2: {  	v19 =	vimm.f32 $0.0e+00;
	v11 =	vadd.f32 v9, v16;
	v9 =	vmul.f32 v12, v7  }
0x1a3: {  	v27 =	vld [tilespmem:s29+$0x1880];
	v15 =	vadd.f32 v8, v16;
	v12 =	vmul.f32 v13, v7;
	v13 =	vmul.f32 v14, v7  }
0x1a4: {  	v25 =	vld [tilespmem:s29+$0x1900];
	v8 =	vadd.f32 v10, v16;
	v14 =	vmul.f32 v17, v7;
	v17 =	vmul.f32 v18, v7  }
0x1a5: {  	v24 =	vld [tilespmem:s29+$0x1980];
	v30 =	vmul.f32 v20, v7;
	v18 =	vimm.f32 $0.0e+00;
	v9 =	vadd.f32 v9, v16  }
0x1a6: {  	s30 =	simm.s32 $0x80;
	s31 =	simm.s32 $0x18010;
	v26 =	vld [tilespmem:s29+$0x1A00];
	v20 =	vimm.f32 $0.0e+00;
	v10 =	vadd.f32 v12, v16;
	v12 =	vadd.f32 v13, v16  }
0x1a7: {  	s1 =	sand.u32 $0x1C00, s30;
	v28 =	vld [tilespmem:s29+$0x1A80];
	s3 =	simm.s32 $0x20;
	s0 =	simm.s32 $0x10;
	v13 =	vadd.f32 v14, v16;
	v14 =	vadd.f32 v17, v16;
	v17 =	vimm.f32 $0.0e+00  }
.LBB2_15:
0x1a8: {  	p0 =	sne.s32 s3, $0x2F0;
	s2 =	sand.u32 $0x70, s0;
	s0 =	sadd.s32 s1, s28;
	v16 =	vadd.f32 v29, v16;
	v27 =	vmul.f32 v27, v7;
	v29 =	vld [tilespmem:s29+$0x1B00]  }
0x1a9: {  	s1 =	sadd.s32 s1, s26;
	v31 =	vld [tilespmem:s31+$0x0];
	s29 =	sadd.s32 s2, s0;
	v21 =	vadd.f32 v30, v21;
	v25 =	vmul.f32 v25, v7;
	s0 =	smov.u32 s3  }
0x1aa: {  	s1 =	sadd.s32 s2, s1;
	v30 =	vld [tilespmem:s29+$0x1B80];
	v23 =	vadd.f32 v27, v23;
	v24 =	vmul.f32 v24, v7  }
0x1ab: {  	v27 =	vld [tilespmem:s29+$0x0];
	v22 =	vadd.f32 v25, v22;
	v25 =	vmul.f32 v26, v7  }
0x1ac: {  	v26 =	vld [tilespmem:s29+$0x80];
	v18 =	vadd.f32 v24, v18;
	v24 =	vmul.f32 v28, v7  }
0x1ad: {  	v28 =	vld [tilespmem:s29+$0x100];
	v20 =	vadd.f32 v25, v20;
	v25 =	vmul.f32 v29, v7  }
0x1ae: {  	v29 =	vld [tilespmem:s29+$0x180];
	v19 =	vadd.f32 v24, v19;
	v7 =	vmov v31  }
0x1af: {  	v24 =	vld [tilespmem:s29+$0x200];
	v30 =	vmul.f32 v30, v7;
	v17 =	vadd.f32 v25, v17  }
0x1b0: {  	v25 =	vmul.f32 v27, v7;
	v31 =	vld [tilespmem:s29+$0x280]  }
0x1b1: {  	v26 =	vmul.f32 v26, v7;
	v32 =	vld [tilespmem:s29+$0x300];
	v15 =	vadd.f32 v30, v15  }
0x1b2: {  	v11 =	vadd.f32 v25, v11;
	v25 =	vmul.f32 v28, v7;
	v28 =	vld [tilespmem:s29+$0x380]  }
0x1b3: {  	v8 =	vadd.f32 v26, v8;
	v26 =	vmul.f32 v29, v7;
	v30 =	vld [tilespmem:s1+$0x0]  }
.Ltmp6:
0x1b4: {  	v9 =	vadd.f32 v25, v9;
	v24 =	vmul.f32 v24, v7;
	v27 =	vld [tilespmem:s29+$0x1880];
	(pc) =	sbr.rel @p0 .LBB2_15-.Ltmp6, $4  }
0x1b5: {  	v10 =	vadd.f32 v26, v10;
	v26 =	vmul.f32 v31, v7;
	v25 =	vld [tilespmem:s29+$0x1900]  }
0x1b6: {  	v12 =	vadd.f32 v24, v12;
	v31 =	vmul.f32 v32, v7;
	v24 =	vld [tilespmem:s29+$0x1980]  }
0x1b7: {  	s30 =	sadd.s32 $0x80, s30;
	v13 =	vadd.f32 v26, v13;
	v29 =	vmul.f32 v28, v7;
	v26 =	vld [tilespmem:s29+$0x1A00]  }
0x1b8: {  	s3 =	sadd.s32 $0x10, s3;
	s31 =	sadd.s32 $0x10, s31;
	s1 =	sand.u32 $0x1C00, s30;
	v14 =	vadd.f32 v31, v14;
	v30 =	vmul.f32 v30, v7;
	v28 =	vld [tilespmem:s29+$0x1A80]  }
0x1b9: {  	s2 =	sand.u32 $0x70, s0;
	s28 =	sadd.s32 s1, s28;
	v31 =	vld [tilespmem:s29+$0x1B00]  }
0x1ba: {  	v32 =	vld [tilespmem:s31+$0x0];
	s0 =	sadd.s32 s2, s28  }
0x1bb: {  	v33 =	vld [tilespmem:s0+$0x1B80]  }
0x1bc: {  	v34 =	vld [tilespmem:s0+$0x0]  }
0x1bd: {  	v35 =	vld [tilespmem:s0+$0x80]  }
0x1be: {  	v36 =	vld [tilespmem:s0+$0x100]  }
0x1bf: {  	v62 =	vld [tilespmem:s0+$0x180]  }
0x1c0: {  	v63 =	vld [tilespmem:s0+$0x200]  }
0x1c1: {  	v27 =	vmul.f32 v27, v7;
	v39 =	vld [tilespmem:s0+$0x280]  }
0x1c2: {  	v16 =	vadd.f32 v29, v16;
	s30 =	sadd.s32 s1, s26;
	v25 =	vmul.f32 v25, v7;
	v41 =	vld [tilespmem:s0+$0x300]  }
0x1c3: {  	v21 =	vadd.f32 v30, v21;
	s1 =	sadd.s32 s2, s30;
	v23 =	vadd.f32 v27, v23;
	v24 =	vmul.f32 v24, v7;
	v43 =	vld [tilespmem:s0+$0x380]  }
0x1c4: {  	v47 =	vld [tilespmem:s1+$0x0];
	v22 =	vadd.f32 v25, v22;
	v37 =	vmul.f32 v26, v7;
	v38 =	vmul.f32 v28, v7  }
0x1c5: {  	v50 =	vld [tilespmem:s0+$0x1880];
	v18 =	vadd.f32 v24, v18;
	v7 =	vmul.f32 v31, v7;
	v40 =	vmul.f32 v33, v32  }
0x1c6: {  	v53 =	vld [tilespmem:s0+$0x1900];
	v20 =	vadd.f32 v37, v20;
	v42 =	vmul.f32 v34, v32;
	v44 =	vmul.f32 v35, v32  }
0x1c7: {  	v58 =	vld [tilespmem:s0+$0x1980];
	v19 =	vadd.f32 v38, v19;
	v45 =	vmul.f32 v36, v32;
	v46 =	vmul.f32 v62, v32  }
0x1c8: {  	v60 =	vld [tilespmem:s0+$0x1A00];
	v17 =	vadd.f32 v7, v17;
	v48 =	vmul.f32 v63, v32;
	v49 =	vmul.f32 v39, v32  }
0x1c9: {  	v37 =	vld [tilespmem:s0+$0x1B00];
	v51 =	vmul.f32 v41, v32;
	v52 =	vmul.f32 v43, v32;
	v7 =	vadd.f32 v40, v15  }
0x1ca: {  	v56 =	vmul.f32 v47, v32;
	v11 =	vadd.f32 v42, v11;
	v8 =	vadd.f32 v44, v8  }
0x1cb: {  	v24 =	vmul.f32 v50, v32;
	v9 =	vadd.f32 v45, v9;
	v10 =	vadd.f32 v46, v10  }
0x1cc: {  	v63 =	vmul.f32 v53, v32;
	v12 =	vadd.f32 v48, v12;
	v13 =	vadd.f32 v49, v13  }
0x1cd: {  	v36 =	vmul.f32 v58, v32;
	v14 =	vadd.f32 v51, v14;
	v15 =	vadd.f32 v52, v16  }
0x1ce: {  	v23 =	vadd.f32 v24, v23;
	v16 =	vmul.f32 v60, v32;
	v24 =	vmul.f32 v37, v32  }
0x1cf: {  	v21 =	vadd.f32 v56, v21;
	v54 =	vperm.xlane v11, v1;
	v55 =	vperm.xlane v8, v1  }
0x1d0: {  	v34 =	vld [tilespmem:s0+$0x1A80];
	v22 =	vadd.f32 v63, v22;
	v57 =	vperm.xlane v9, v1;
	v59 =	vperm.xlane v10, v1  }
0x1d1: {  	v18 =	vadd.f32 v36, v18;
	v46 =	vperm.xlane v12, v1;
	v47 =	vperm.xlane v13, v1  }
0x1d2: {  	v16 =	vadd.f32 v16, v20;
	v49 =	vperm.xlane v14, v1;
	v51 =	vperm.xlane v15, v1  }
0x1d3: {  	v53 =	vperm.xlane v21, v1;
	v17 =	vadd.f32 v24, v17;
	v11 =	vadd.f32 v54, v11  }
0x1d4: {  	v36 =	vperm.xlane v18, v1;
	v8 =	vadd.f32 v55, v8;
	v9 =	vadd.f32 v57, v9  }
0x1d5: {  	v26 =	vmul.f32 v34, v32;
	v10 =	vadd.f32 v59, v10;
	v48 =	vadd.f32 v46, v12  }
0x1d6: {  	v34 =	vperm.xlane v22, v1;
	v50 =	vadd.f32 v47, v13;
	v12 =	vadd.f32 v49, v14  }
0x1d7: {  	v55 =	vperm.xlane v23, v1;
	v14 =	vadd.f32 v53, v21;
	v61 =	vperm.xlane v11, v2  }
0x1d8: {  	v19 =	vadd.f32 v26, v19;
	v62 =	vperm.xlane v8, v2;
	v33 =	vperm.xlane v9, v2  }
0x1d9: {  	v37 =	vadd.f32 v34, v22;
	v35 =	vperm.xlane v10, v2;
	v52 =	vperm.xlane v48, v2  }
0x1da: {  	v54 =	vperm.xlane v50, v2;
	v56 =	vperm.xlane v12, v2;
	v11 =	vadd.f32 v61, v11  }
0x1db: {  	v59 =	vperm.xlane v14, v2;
	v8 =	vadd.f32 v62, v8;
	v9 =	vadd.f32 v33, v9  }
0x1dc: {  	v10 =	vadd.f32 v35, v10;
	v12 =	vadd.f32 v56, v12;
	v38 =	vperm.xlane v11, v3  }
0x1dd: {  	v13 =	vadd.f32 v59, v14;
	v39 =	vperm.xlane v8, v3;
	v40 =	vperm.xlane v9, v3  }
0x1de: {  	v41 =	vperm.xlane v10, v3;
	v62 =	vperm.xlane v12, v3;
	v11 =	vadd.f32 v38, v11  }
0x1df: {  	v25 =	vperm.xlane v13, v3;
	v8 =	vadd.f32 v39, v8;
	v9 =	vadd.f32 v40, v9  }
0x1e0: {  	v10 =	vadd.f32 v41, v10;
	v12 =	vadd.f32 v62, v12;
	v38 =	vperm.xlane v16, v1  }
0x1e1: {  	v13 =	vadd.f32 v25, v13;
	v40 =	vperm.xlane v19, v1;
	v42 =	vperm.xlane v11, v4  }
0x1e2: {  	v39 =	vadd.f32 v36, v18;
	v43 =	vperm.xlane v8, v4;
	v44 =	vperm.xlane v9, v4  }
0x1e3: {  	v45 =	vperm.xlane v10, v4;
	v27 =	vperm.xlane v12, v4;
	v11 =	vadd.f32 v42, v11  }
0x1e4: {  	v30 =	vperm.xlane v13, v4;
	v8 =	vadd.f32 v43, v8;
	v9 =	vadd.f32 v44, v9  }
0x1e5: {  	v41 =	vperm.xlane v37, v2;
	v10 =	vadd.f32 v45, v10;
	v29 =	vadd.f32 v27, v12  }
0x1e6: {  	v33 =	vadd.f32 v30, v13;
	v8 =	vsel vm0, v11, v8;
	v11 =	vadd.f32 v51, v15  }
0x1e7: {  	v15 =	vadd.f32 v55, v23;
	v8 =	vsel vm1, v8, v9;
	v9 =	vadd.f32 v52, v48  }
0x1e8: {  	v8 =	vsel vm2, v8, v10;
	v10 =	vadd.f32 v54, v50;
	v57 =	vperm.xlane v11, v2  }
0x1e9: {  	v12 =	vadd.f32 v38, v16;
	v61 =	vperm.xlane v15, v2;
	v58 =	vperm.xlane v9, v3  }
0x1ea: {  	v44 =	vperm.xlane v7, v1;
	v60 =	vperm.xlane v10, v3;
	v11 =	vadd.f32 v57, v11  }
0x1eb: {  	v45 =	vperm.xlane v12, v2;
	v15 =	vadd.f32 v61, v15;
	v9 =	vadd.f32 v58, v9  }
0x1ec: {  	v7 =	vadd.f32 v44, v7;
	v10 =	vadd.f32 v60, v10;
	v63 =	vperm.xlane v11, v3  }
0x1ed: {  	v12 =	vadd.f32 v45, v12;
	v26 =	vperm.xlane v15, v3;
	v24 =	vperm.xlane v9, v4  }
0x1ee: {  	v50 =	vperm.xlane v7, v2;
	v23 =	vperm.xlane v10, v4;
	v11 =	vadd.f32 v63, v11  }
0x1ef: {  	v42 =	vperm.xlane v17, v1;
	v14 =	vadd.f32 v26, v15;
	v9 =	vadd.f32 v24, v9  }
0x1f0: {  	v7 =	vadd.f32 v50, v7;
	v10 =	vadd.f32 v23, v10;
	v28 =	vperm.xlane v11, v4  }
0x1f1: {  	v32 =	vperm.xlane v14, v4;
	v8 =	vsel vm3, v8, v9;
	v9 =	vadd.f32 v41, v37  }
0x1f2: {  	v43 =	vperm.xlane v39, v2;
	v31 =	vadd.f32 v28, v11;
	v11 =	vadd.f32 v40, v19  }
0x1f3: {  	v51 =	vperm.xlane v12, v3;
	v35 =	vadd.f32 v32, v14;
	v14 =	vadd.f32 v42, v17  }
0x1f4: {  	v8 =	vsel vm4, v8, v10;
	v10 =	vadd.f32 v43, v39;
	v46 =	vperm.xlane v11, v2  }
0x1f5: {  	v12 =	vadd.f32 v51, v12;
	v47 =	vperm.xlane v9, v3;
	v48 =	vperm.xlane v14, v2  }
0x1f6: {  	v55 =	vperm.xlane v7, v3;
	v49 =	vperm.xlane v10, v3;
	v11 =	vadd.f32 v46, v11  }
0x1f7: {  	v56 =	vperm.xlane v12, v4;
	v9 =	vadd.f32 v47, v9;
	v13 =	vadd.f32 v48, v14  }
0x1f8: {  	v7 =	vadd.f32 v55, v7;
	v10 =	vadd.f32 v49, v10;
	v52 =	vperm.xlane v11, v3  }
0x1f9: {  	v8 =	vsel vm5, v8, v29;
	v53 =	vperm.xlane v9, v4;
	v54 =	vperm.xlane v13, v3  }
0x1fa: {  	v8 =	vsel vm6, v8, v31;
	v17 =	vperm.xlane v10, v4;
	v11 =	vadd.f32 v52, v11  }
0x1fb: {  	s31 =	sshll.u32 s25, $0x4;
	v8 =	vsel vm7, v8, v33;
	v9 =	vadd.f32 v53, v9;
	v13 =	vadd.f32 v54, v13  }
0x1fc: {  	v58 =	vld [tilespmem:s31+$0x183C0];
	v8 =	vsel vm8, v8, v35;
	v10 =	vadd.f32 v17, v10;
	v57 =	vperm.xlane v11, v4  }
0x1fd: {  	v59 =	vadd.f32 v56, v12;
	v8 =	vsel vm9, v8, v9;
	v60 =	vperm.xlane v13, v4  }
0x1fe: {  	v62 =	vperm.xlane v7, v4;
	v8 =	vsel vm10, v8, v10;
	v61 =	vadd.f32 v57, v11  }
0x1ff: {  	v8 =	vsel vm11, v8, v59;
	v63 =	vadd.f32 v60, v13  }
0x200: {  	v7 =	vadd.f32 v62, v7;
	v8 =	vsel vm12, v8, v61  }
0x201: {  	s25 =	sadd.s32 $0x1, s25;
	vm15 =	veq.s32 v58, $0x0;
	v8 =	vsel vm13, v8, v63  }
0x202: {  	p0 =	sne.s32 s25, $0x4;
	v7 =	vsel vm14, v8, v7;
	v8 =	vsel vm15, $0x3F800000, v5  }
.Ltmp7:
0x203: {  	v7 =	vmul.f32 v8, v7;
	(pc) =	sbr.rel @p0 .LBB2_14-.Ltmp7, $3  }
0x204: {  	_ = 	snop  }
0x205: {  	v7 =	vadd.f32 v7, v6;
	_ =	sdelay $0x1  }
0x206: {  	[tilespmem:s31+$0x18540] =	vst v7  }
0x207: {  	s23 =	sadd.s32 $0x1, s23  }
0x208: {  	p0 =	sne.s32 s23, s11  }
.Ltmp8:
0x209: {  	_ = 	snop;
	(pc) =	sbr.rel @p0 .LBB2_1-.Ltmp8, $4  }
0x20a: {  	[hbm4b:s10+s4] =	stream.linear.scatter [tilespmem:s21], [sflag:$0x4], $0x100, $0x38;
	[tilespmem:$0x18580] =	vst v63  }
0x20b: {  	_ =	swait.ge [sflag:s22], $0x100  }
0x20c: {  	[sflag:s22] =	ssyncset.done $0x0  }
0x20d: {  	[sflag:s22] =	ssyncadd.s32 $0xFFFFFF00  }
0x20e: {  	_ =	sfence.sel $0x180000  }
0x20f: {  	[bflag:$0x0] =	sbarrier.arrive $0xFFFF  }
0x210: {  	_ =	strace $0x90000047  }
0x211: {  	s0 =	stileid.u32;
	[bflag:$0x2] =	sbarrier.arrive $0xFFFF  }
0x212: {  	p0 =	sne.s32 s0, $0x0;
	s0 =	rddreg [dreg:$0x5]  }
0x213: {  	s0 =	sadd.s32 @!p0 $0x100000, s0  }
0x214: {  	[sflag:s0] =	ssyncadd.tile.s32 @!p0 $0x1;
	_ =	shalt  }
.Lfunc_end2:
_tile_overlayer_lowered:
.L_overlay_start_2:
0x215: {  	(tag) =	ssettag $0x2  }
0x216: {  	s0 =	rddreg [dreg:$0x0];
	s2 =	stileid.u32  }
0x217: {  	s1 =	rddreg [dreg:$0x1];
	p0 =	sne.s32 s2, $0x0  }
0x218: {  	s3 =	rddreg [dreg:$0x2];
	[bflag:$0x3] =	sbarrier.arrive $0xFFFF;
	s2 =	simm.s32 @!p0 $0x1C04  }
0x219: {  	[timem:s3], [sflag:s2] =	dma.local @!p0 [hbm:s0], s1  }
0x21a: {  	s0 =	simm.s32 @!p0 $0x4  }
0x21b: {  	_ =	swait.ge @!p0 [sflag:s0], s1  }
0x21c: {  	s1 =	ssub.s32 @!p0 $0x0, s1;
	[sflag:s0] =	ssyncset.done @!p0 $0x0  }
0x21d: {  	[sflag:s0] =	ssyncadd.s32 @!p0 s1  }
0x21e: {  	[bflag:$0x3] =	sbarrier.arrive $0xFFFF  }
0x21f: {  	_ =	shalt  }

</sc_bundles>
